<compile_context>
chip_gen: v7x
topology: tpu7x:2x2x1
jax: 0.10.2.dev20260603
libtpu: 0.0.44.dev20260713+nightly
codegen_flags: <defaults>
</compile_context>

<pallas_src>
import functools

import jax
import jax.numpy as jnp
from jax import lax
from jax.experimental import pallas as pl
from jax.experimental.pallas import tpu as pltpu
from jax.experimental.pallas import tpu_sc as plsc

N_NODES = 10000
N_EDGES = 320000
D_IN = 128
D_HID = 128
D_OUT = 64

NC = 2
NS = 16
NW = NC * NS

N_PAD = 10240
E_PAD = 327680
EW = E_PAD // NW
CH = 128
RPS = N_PAD // NS

PAD_SRC = 10000
PAD_DST = 10016

M64 = EW // CH
M128 = (E_PAD // NS) // CH

_mesh = plsc.VectorSubcoreMesh(
    core_axis_name="c", subcore_axis_name="s", num_cores=NC, num_subcores=NS
)




def _deg_body(sd_hbm, zeros_hbm, out_hbm, idx_all, ones_v, acc_sh, sem_s):
    cid = lax.axis_index("c")
    sid = lax.axis_index("s")
    wid = cid * NS + sid
    pltpu.sync_copy(
        zeros_hbm.at[pl.ds(sid * RPS, RPS)], acc_sh.at[pl.ds(sid * RPS, RPS)]
    )
    pltpu.sync_copy(sd_hbm.at[wid], idx_all)
    for j in range(CH // 16):
        ones_v[pl.ds(j * 16, 16)] = jnp.full((16,), 1.0, jnp.float32)
    plsc.subcore_barrier()

    def start_scatter(b, c):
        pltpu.async_copy(ones_v, acc_sh.at[idx_all.at[c]], sem_s.at[b], add=True)

    def wait_scatter(b, c):
        pltpu.make_async_copy(
            ones_v, acc_sh.at[idx_all.at[c]], sem_s.at[b]
        ).wait()

    start_scatter(0, 0)
    start_scatter(1, 1)

    def group(g, carry):
        base = 2 + g * 2
        for r in range(2):
            wait_scatter(r, base + r - 2)
            start_scatter(r, base + r)
        return carry

    lax.fori_loop(0, (M64 - 2) // 2, group, 0, unroll=False)
    wait_scatter(0, M64 - 2)
    wait_scatter(1, M64 - 1)

    plsc.subcore_barrier()
    pltpu.sync_copy(
        acc_sh.at[pl.ds(sid * RPS, RPS)], out_hbm.at[cid, pl.ds(sid * RPS, RPS)]
    )


_deg_kernel = functools.partial(
    pl.kernel,
    out_type=jax.ShapeDtypeStruct((NC, N_PAD), jnp.float32),
    mesh=_mesh,
    scratch_types=[
        pltpu.VMEM((M64, CH), jnp.int32),
        pltpu.VMEM((CH,), jnp.float32),
        pltpu.VMEM_SHARED((N_PAD,), jnp.float32),
        pltpu.SemaphoreType.DMA((2,)),
    ],
)(_deg_body)


def _conv_body(R, M, d, feat_split, spans, h_hbm, sd_hbm, zeros_hbm, out_hbm,
               idx_all, rows_v, table_sh, acc_sh, sem_g, sem_s):
    K = R // 2
    cid = lax.axis_index("c")
    sid = lax.axis_index("s")
    wid = cid * NS + sid
    pltpu.sync_copy(
        zeros_hbm.at[pl.ds(sid * RPS, RPS)], acc_sh.at[pl.ds(sid * RPS, RPS)]
    )
    if feat_split:
        widx = sid
        pltpu.sync_copy(
            h_hbm.at[pl.ds(sid * RPS, RPS), pl.ds(cid * d, d)],
            table_sh.at[pl.ds(sid * RPS, RPS)],
        )
    else:
        widx = wid
        pltpu.sync_copy(
            h_hbm.at[pl.ds(sid * RPS, RPS)], table_sh.at[pl.ds(sid * RPS, RPS)]
        )
    H = M // spans

    def start_gather(b, c):
        pltpu.async_copy(table_sh.at[idx_all.at[0, c]], rows_v.at[b], sem_g.at[b])

    def wait_gather(b, c):
        pltpu.make_async_copy(
            table_sh.at[idx_all.at[0, c]], rows_v.at[b], sem_g.at[b]
        ).wait()

    def start_scatter(b, c):
        pltpu.async_copy(
            rows_v.at[b], acc_sh.at[idx_all.at[1, c]], sem_s.at[b], add=True
        )

    def wait_scatter(b, c):
        pltpu.make_async_copy(
            rows_v.at[b], acc_sh.at[idx_all.at[1, c]], sem_s.at[b]
        ).wait()

    plsc.subcore_barrier()

    def group(g, carry):
        base = R + g * R
        for r in range(R):
            c = base + r
            wait_scatter(r, c - R)
            start_gather(r, c)
            wait_gather((r - K) % R, c - K)
            start_scatter((r - K) % R, c - K)
        return carry

    for s in range(spans):
        pltpu.sync_copy(sd_hbm.at[widx, s], idx_all)
        for i in range(R):
            start_gather(i, i)
            if i >= K:
                wait_gather(i - K, i - K)
                start_scatter(i - K, i - K)
        lax.fori_loop(0, H // R - 1, group, 0, unroll=False)
        for j in range(K):
            c = H - K + j
            wait_gather(c % R, c)
            start_scatter(c % R, c)
        for j in range(R):
            c = H - R + j
            wait_scatter(c % R, c)

    plsc.subcore_barrier()
    pltpu.sync_copy(
        acc_sh.at[pl.ds(sid * RPS, RPS)],
        out_hbm.at[cid, pl.ds(sid * RPS, RPS)],
    )


def _make_conv_kernel(d, r, m, feat_split, spans):
    return functools.partial(
        pl.kernel,
        out_type=jax.ShapeDtypeStruct((NC, N_PAD, d), jnp.float32),
        mesh=_mesh,
        compiler_params=pltpu.CompilerParams(use_tc_tiling_on_sc=False),
        scratch_types=[
            pltpu.VMEM((2, m // spans, CH), jnp.int32),
            pltpu.VMEM((r, CH, d), jnp.float32),
            pltpu.VMEM_SHARED((N_PAD, d), jnp.float32),
            pltpu.VMEM_SHARED((N_PAD, d), jnp.float32),
            pltpu.SemaphoreType.DMA((r,)),
            pltpu.SemaphoreType.DMA((r,)),
        ],
    )(functools.partial(_conv_body, r, m, d, feat_split, spans))


_conv128 = _make_conv_kernel(D_HID // 2, 2, M128, True, 2)
_conv64 = _make_conv_kernel(D_OUT, 2, M64, False, 1)



BR = 1280
GRID = N_PAD // BR


def _dm(pid, deg_ref):
    rows = lax.broadcasted_iota(jnp.int32, (BR, 1), 0) + pid * BR
    deg = deg_ref[0] + deg_ref[1] + 1.0
    return jnp.where(rows < N_NODES, lax.rsqrt(deg), 0.0)


def _mm1_body(x_ref, w_ref, deg_ref, o_ref):
    dm = _dm(pl.program_id(0), deg_ref)
    o_ref[...] = jnp.dot(
        x_ref[...], w_ref[...], preferred_element_type=jnp.float32
    ) * dm


def _mid_body(acc_ref, hp, deg_ref, b1, w2, o_ref):
    dm = _dm(pl.program_id(0), deg_ref)
    s = jnp.concatenate([acc_ref[0], acc_ref[1]], axis=1)
    z1 = jnp.maximum((s + hp[...]) * dm + b1[...], 0.0)
    o_ref[...] = jnp.dot(z1, w2[...], preferred_element_type=jnp.float32) * dm


def _fin_body(acc_ref, hp, deg_ref, b2, wd1, bd1, wd2, bd2, o_ref):
    dm = _dm(pl.program_id(0), deg_ref)
    z2 = jnp.maximum((acc_ref[0] + acc_ref[1] + hp[...]) * dm + b2[...], 0.0)
    z3 = jnp.maximum(
        jnp.dot(z2, wd1[...], preferred_element_type=jnp.float32) + bd1[...], 0.0
    )
    o_ref[...] = (
        jnp.dot(z3, wd2[...], preferred_element_type=jnp.float32) + bd2[...]
    )


def _row_spec(d):
    return pl.BlockSpec((BR, d), lambda i: (i, 0))


def _full_spec(r, c):
    return pl.BlockSpec((r, c), lambda i: (0, 0))


_deg_spec = pl.BlockSpec((2, BR, 1), lambda i: (0, i, 0))


def _acc_spec(d):
    return pl.BlockSpec((2, BR, d), lambda i: (0, i, 0))


def _mm1(xp, W1, deg3):
    return pl.pallas_call(
        _mm1_body,
        grid=(GRID,),
        in_specs=[_row_spec(D_IN), _full_spec(D_IN, D_HID), _deg_spec],
        out_specs=_row_spec(D_HID),
        out_shape=jax.ShapeDtypeStruct((N_PAD, D_HID), jnp.float32),
    )(xp, W1, deg3)


def _mid(acc1, hp, deg3, b1, W2):
    return pl.pallas_call(
        _mid_body,
        grid=(GRID,),
        in_specs=[
            _acc_spec(D_HID // 2), _row_spec(D_HID), _deg_spec,
            _full_spec(1, D_HID), _full_spec(D_HID, D_OUT),
        ],
        out_specs=_row_spec(D_OUT),
        out_shape=jax.ShapeDtypeStruct((N_PAD, D_OUT), jnp.float32),
    )(acc1, hp, deg3, b1, W2)


def _fin(acc2, hp, deg3, b2, Wd1, bd1, Wd2, bd2):
    return pl.pallas_call(
        _fin_body,
        grid=(GRID,),
        in_specs=[
            _acc_spec(D_OUT), _row_spec(D_OUT), _deg_spec,
            _full_spec(1, D_OUT), _full_spec(D_OUT, D_HID),
            _full_spec(1, D_HID), _full_spec(D_HID, D_IN), _full_spec(1, D_IN),
        ],
        out_specs=_row_spec(D_IN),
        out_shape=jax.ShapeDtypeStruct((N_PAD, D_IN), jnp.float32),
    )(acc2, hp, deg3, b2, Wd1, bd1, Wd2, bd2)




def kernel(x, edge_index, W1, b1, W2, b2, Wd1, bd1, Wd2, bd2):
    src = edge_index[0].astype(jnp.int32)
    dst = edge_index[1].astype(jnp.int32)
    ew_real = N_EDGES // NW
    pad_w = EW - ew_real
    pad_src = jnp.full((NW, pad_w), PAD_SRC, jnp.int32)
    pad_dst = jnp.broadcast_to(
        PAD_DST + (jnp.arange(pad_w, dtype=jnp.int32) % (N_PAD - PAD_DST)),
        (NW, pad_w),
    )
    srcp = jnp.concatenate([src.reshape(NW, ew_real), pad_src], axis=1).reshape(-1)
    dstp = jnp.concatenate([dst.reshape(NW, ew_real), pad_dst], axis=1).reshape(-1)
    sd128 = jnp.stack(
        [srcp.reshape(NS, 2, M128 // 2, CH), dstp.reshape(NS, 2, M128 // 2, CH)],
        axis=2,
    )
    sd64 = jnp.stack(
        [srcp.reshape(NW, 1, M64, CH), dstp.reshape(NW, 1, M64, CH)], axis=2
    )

    sd_deg = dstp.reshape(NW, M64, CH)

    xp = jnp.zeros((N_PAD, D_IN), jnp.float32).at[:N_NODES].set(x)
    zeros1 = jnp.zeros((N_PAD,), jnp.float32)
    zerosB = jnp.zeros((N_PAD, D_OUT), jnp.float32)

    degp = _deg_kernel(sd_deg, zeros1)
    deg3 = degp[:, :, None]

    h1p = _mm1(xp, W1, deg3)
    acc1 = _conv128(h1p, sd128, zerosB)
    h2p = _mid(acc1, h1p, deg3, b1[None, :], W2)
    acc2 = _conv64(h2p, sd64, zerosB)
    xh = _fin(acc2, h2p, deg3, b2[None, :],
              Wd1, bd1[None, :], Wd2, bd2[None, :])
    return xh[:N_NODES]

# --- scband reference (transcript-rebuilt; emitter-appended) ---
"""Pipeline reference for scband-graph-autoencoder-23390391894414 (READ-ONLY COPY).

The authoritative reference and input builder live on the scoring server;
editing this copy changes nothing except your own understanding.
"""

import jax, jax.numpy as jnp
import numpy as np

N_NODES = 10000
N_EDGES = 320000
D_IN = 128
D_HID = 128
D_OUT = 64


def setup_inputs(seed: int = 0) -> dict:
    key = jax.random.key(seed)
    ks = jax.random.split(key, 12)
    x = jax.random.normal(ks[0], (N_NODES, D_IN), dtype=jnp.float32)
    edge_index = jax.random.randint(ks[1], (2, N_EDGES), 0, N_NODES, dtype=jnp.int64)
    def glorot(k, shape):
        lim = float(np.sqrt(6.0 / (shape[0] + shape[1])))
        return jax.random.uniform(k, shape, dtype=jnp.float32, minval=-lim, maxval=lim)
    W1 = glorot(ks[2], (D_IN, D_HID))
    b1 = jnp.zeros((D_HID,), dtype=jnp.float32)
    W2 = glorot(ks[3], (D_HID, D_OUT))
    b2 = jnp.zeros((D_OUT,), dtype=jnp.float32)
    Wd1 = glorot(ks[4], (D_OUT, D_HID))
    bd1 = jnp.zeros((D_HID,), dtype=jnp.float32)
    Wd2 = glorot(ks[5], (D_HID, D_IN))
    bd2 = jnp.zeros((D_IN,), dtype=jnp.float32)
    return {"x": x, "edge_index": edge_index, "W1": W1, "b1": b1, "W2": W2, "b2": b2, "Wd1": Wd1, "bd1": bd1, "Wd2": Wd2, "bd2": bd2}


def gcn_conv(x, edge_index, W, b, num_nodes):
    # PyG GCNConv: add self-loops, symmetric normalization, linear transform,
    # gather messages from src, scatter-add at dst, add bias.
    src = edge_index[0]
    dst = edge_index[1]
    loop = jnp.arange(num_nodes, dtype=src.dtype)
    src = jnp.concatenate([src, loop])
    dst = jnp.concatenate([dst, loop])
    deg = jnp.zeros((num_nodes,), dtype=x.dtype).at[dst].add(1.0)
    deg_inv_sqrt = jnp.where(deg > 0, deg ** -0.5, 0.0)
    norm = deg_inv_sqrt[src] * deg_inv_sqrt[dst]
    h = x @ W
    msg = h[src] * norm[:, None]
    out = jnp.zeros((num_nodes, W.shape[1]), dtype=x.dtype).at[dst].add(msg)
    return out + b


def reference(x, edge_index, W1, b1, W2, b2, Wd1, bd1, Wd2, bd2):
    z = jax.nn.relu(gcn_conv(x, edge_index, W1, b1, N_NODES))
    z = jax.nn.relu(gcn_conv(z, edge_index, W2, b2, N_NODES))
    z = jax.nn.relu(z @ Wd1 + bd1)
    x_hat = z @ Wd2 + bd2
    return x_hat

if __name__ == "__main__":
    import jax
    _d = setup_inputs()
    print(jax.jit(kernel)(*tuple(_d.values())))

</pallas_src>

<mosaic_0001>
#map = affine_map<(d0, d1) -> (0, 0, 0)>
#map1 = affine_map<(d0, d1) -> (0)>
#map2 = affine_map<(d0, d1) -> (0, 0)>
module attributes {stable_mosaic.version = 14 : i64} {
  func.func @_deg_body(%arg0: i32, %arg1: i32, %arg2: memref<32x80x128xi32, #tpu.memory_space<hbm>>, %arg3: memref<10240xf32, #tpu.memory_space<hbm>>, %arg4: memref<2x10240xf32, #tpu.memory_space<hbm>>, %arg5: memref<80x128xi32, #tpu.memory_space<vmem>>, %arg6: memref<128xf32, #tpu.memory_space<vmem>>, %arg7: memref<10240xf32, #tpu.memory_space<vmem_shared>>, %arg8: memref<2x!tpu.dma_semaphore, #tpu.memory_space<semaphore_mem>>) attributes {dimension_semantics = [#tpu.dimension_semantics<core_parallel>, #tpu.dimension_semantics<subcore_parallel>], iteration_bounds = array<i64: 2, 16>, scalar_prefetch = 0 : i64, scratch_operands = 4 : i64, tpu.core_type = #tpu.core_type<sc_vector_subcore>, window_params = [{transform_indices = #map}, {transform_indices = #map1}, {transform_indices = #map2}]} {
    %mul3A = arith.constant 16 : i32
    %mul3A_0 = arith.muli %arg0, %mul3A : i32
    %add3A = arith.addi %mul3A_0, %arg1 : i32
    %mul3A_1 = arith.constant 640 : i32
    %mul3A_2 = arith.muli %arg1, %mul3A_1 : i32
    %mul3A_3 = arith.constant 640 : i32
    %mul3A_4 = arith.muli %arg1, %mul3A_3 : i32
    "tpu.region"() ({
      %run_scoped3A = tpu.sem_alloc : memref<!tpu.dma_semaphore, #tpu.memory_space<semaphore_mem>>
      %dma_start3A_95 = tpu.memref_slice %arg7[%mul3A_4] : memref<10240xf32, #tpu.memory_space<vmem_shared>> -> memref<640xf32, #tpu.memory_space<vmem_shared>>
      %dma_start3A_96 = tpu.memref_slice %arg3[%mul3A_2] : memref<10240xf32, #tpu.memory_space<hbm>> -> memref<640xf32, #tpu.memory_space<hbm>>
      tpu.enqueue_dma source(%dma_start3A_96 : memref<640xf32, #tpu.memory_space<hbm>>) target(%dma_start3A_95 : memref<640xf32, #tpu.memory_space<vmem_shared>>) target_semaphore(%run_scoped3A : memref<!tpu.dma_semaphore, #tpu.memory_space<semaphore_mem>>)
      %dma_wait3A_97 = tpu.memref_slice %arg7[%mul3A_4] : memref<10240xf32, #tpu.memory_space<vmem_shared>> -> memref<640xf32, #tpu.memory_space<vmem_shared>>
      %dma_wait3A_98 = tpu.memref_slice %arg3[%mul3A_2] : memref<10240xf32, #tpu.memory_space<hbm>> -> memref<640xf32, #tpu.memory_space<hbm>>
      tpu.wait_dma2 semaphore(%run_scoped3A : memref<!tpu.dma_semaphore, #tpu.memory_space<semaphore_mem>>) src(%dma_wait3A_98 : memref<640xf32, #tpu.memory_space<hbm>>) dst(%dma_wait3A_97 : memref<640xf32, #tpu.memory_space<vmem_shared>>)
      tpu.yield
    }) : () -> ()
    "tpu.region"() ({
      %run_scoped3A = tpu.sem_alloc : memref<!tpu.dma_semaphore, #tpu.memory_space<semaphore_mem>>
      %dma_start3A_95 = arith.constant 0 : i32
      %dma_start3A_96 = arith.constant 0 : i32
      %dma_start3A_97 = tpu.memref_slice %arg2[%add3A, %dma_start3A_95, %dma_start3A_96] : memref<32x80x128xi32, #tpu.memory_space<hbm>> -> memref<1x80x128xi32, #tpu.memory_space<hbm>>
      %dma_start3A_98 = tpu.memref_squeeze %dma_start3A_97 : memref<1x80x128xi32, #tpu.memory_space<hbm>> -> memref<80x128xi32, #tpu.memory_space<hbm>>
      %dma_start3A_99 = arith.constant 0 : i32
      %dma_start3A_100 = arith.constant 0 : i32
      %dma_start3A_101 = tpu.memref_slice %arg2[%add3A, %dma_start3A_99, %dma_start3A_100] : memref<32x80x128xi32, #tpu.memory_space<hbm>> -> memref<1x80x128xi32, #tpu.memory_space<hbm>>
      %dma_start3A_102 = tpu.memref_squeeze %dma_start3A_101 : memref<1x80x128xi32, #tpu.memory_space<hbm>> -> memref<80x128xi32, #tpu.memory_space<hbm>>
      tpu.enqueue_dma source(%dma_start3A_102 : memref<80x128xi32, #tpu.memory_space<hbm>>) target(%arg5 : memref<80x128xi32, #tpu.memory_space<vmem>>) target_semaphore(%run_scoped3A : memref<!tpu.dma_semaphore, #tpu.memory_space<semaphore_mem>>)
      %dma_wait3A_103 = arith.constant 0 : i32
      %dma_wait3A_104 = arith.constant 0 : i32
      %dma_wait3A_105 = tpu.memref_slice %arg2[%add3A, %dma_wait3A_103, %dma_wait3A_104] : memref<32x80x128xi32, #tpu.memory_space<hbm>> -> memref<1x80x128xi32, #tpu.memory_space<hbm>>
      %dma_wait3A_106 = tpu.memref_squeeze %dma_wait3A_105 : memref<1x80x128xi32, #tpu.memory_space<hbm>> -> memref<80x128xi32, #tpu.memory_space<hbm>>
      %dma_wait3A_107 = arith.constant 0 : i32
      %dma_wait3A_108 = arith.constant 0 : i32
      %dma_wait3A_109 = tpu.memref_slice %arg2[%add3A, %dma_wait3A_107, %dma_wait3A_108] : memref<32x80x128xi32, #tpu.memory_space<hbm>> -> memref<1x80x128xi32, #tpu.memory_space<hbm>>
      %dma_wait3A_110 = tpu.memref_squeeze %dma_wait3A_109 : memref<1x80x128xi32, #tpu.memory_space<hbm>> -> memref<80x128xi32, #tpu.memory_space<hbm>>
      tpu.wait_dma2 semaphore(%run_scoped3A : memref<!tpu.dma_semaphore, #tpu.memory_space<semaphore_mem>>) src(%dma_wait3A_110 : memref<80x128xi32, #tpu.memory_space<hbm>>) dst(%arg5 : memref<80x128xi32, #tpu.memory_space<vmem>>)
      tpu.yield
    }) : () -> ()
    %broadcast_in_dim3A = arith.constant 1.000000e+00 : f32
    %broadcast_in_dim3A_5 = vector.broadcast %broadcast_in_dim3A : f32 to vector<16xf32>
    %swap3A = arith.constant 0 : index
    %swap3A_6 = tpu.vector_load %arg6[%swap3A] {strides = array<i32>} : memref<128xf32, #tpu.memory_space<vmem>>, vector<16xf32>,
    %swap3A_7 = vector.shape_cast %swap3A_6 : vector<16xf32> to vector<16xf32>
    %swap3A_8 = vector.shape_cast %broadcast_in_dim3A_5 : vector<16xf32> to vector<16xf32>
    tpu.vector_store %arg6[%swap3A], %swap3A_8 {strides = array<i32>} : memref<128xf32, #tpu.memory_space<vmem>>, vector<16xf32>,
    %broadcast_in_dim3A_9 = arith.constant 1.000000e+00 : f32
    %broadcast_in_dim3A_10 = vector.broadcast %broadcast_in_dim3A_9 : f32 to vector<16xf32>
    %swap3A_11 = arith.constant 16 : index
    %swap3A_12 = tpu.vector_load %arg6[%swap3A_11] {strides = array<i32>} : memref<128xf32, #tpu.memory_space<vmem>>, vector<16xf32>,
    %swap3A_13 = vector.shape_cast %swap3A_12 : vector<16xf32> to vector<16xf32>
    %swap3A_14 = vector.shape_cast %broadcast_in_dim3A_10 : vector<16xf32> to vector<16xf32>
    tpu.vector_store %arg6[%swap3A_11], %swap3A_14 {strides = array<i32>} : memref<128xf32, #tpu.memory_space<vmem>>, vector<16xf32>,
    %broadcast_in_dim3A_15 = arith.constant 1.000000e+00 : f32
    %broadcast_in_dim3A_16 = vector.broadcast %broadcast_in_dim3A_15 : f32 to vector<16xf32>
    %swap3A_17 = arith.constant 32 : index
    %swap3A_18 = tpu.vector_load %arg6[%swap3A_17] {strides = array<i32>} : memref<128xf32, #tpu.memory_space<vmem>>, vector<16xf32>,
    %swap3A_19 = vector.shape_cast %swap3A_18 : vector<16xf32> to vector<16xf32>
    %swap3A_20 = vector.shape_cast %broadcast_in_dim3A_16 : vector<16xf32> to vector<16xf32>
    tpu.vector_store %arg6[%swap3A_17], %swap3A_20 {strides = array<i32>} : memref<128xf32, #tpu.memory_space<vmem>>, vector<16xf32>,
    %broadcast_in_dim3A_21 = arith.constant 1.000000e+00 : f32
    %broadcast_in_dim3A_22 = vector.broadcast %broadcast_in_dim3A_21 : f32 to vector<16xf32>
    %swap3A_23 = arith.constant 48 : index
    %swap3A_24 = tpu.vector_load %arg6[%swap3A_23] {strides = array<i32>} : memref<128xf32, #tpu.memory_space<vmem>>, vector<16xf32>,
    %swap3A_25 = vector.shape_cast %swap3A_24 : vector<16xf32> to vector<16xf32>
    %swap3A_26 = vector.shape_cast %broadcast_in_dim3A_22 : vector<16xf32> to vector<16xf32>
    tpu.vector_store %arg6[%swap3A_23], %swap3A_26 {strides = array<i32>} : memref<128xf32, #tpu.memory_space<vmem>>, vector<16xf32>,
    %broadcast_in_dim3A_27 = arith.constant 1.000000e+00 : f32
    %broadcast_in_dim3A_28 = vector.broadcast %broadcast_in_dim3A_27 : f32 to vector<16xf32>
    %swap3A_29 = arith.constant 64 : index
    %swap3A_30 = tpu.vector_load %arg6[%swap3A_29] {strides = array<i32>} : memref<128xf32, #tpu.memory_space<vmem>>, vector<16xf32>,
    %swap3A_31 = vector.shape_cast %swap3A_30 : vector<16xf32> to vector<16xf32>
    %swap3A_32 = vector.shape_cast %broadcast_in_dim3A_28 : vector<16xf32> to vector<16xf32>
    tpu.vector_store %arg6[%swap3A_29], %swap3A_32 {strides = array<i32>} : memref<128xf32, #tpu.memory_space<vmem>>, vector<16xf32>,
    %broadcast_in_dim3A_33 = arith.constant 1.000000e+00 : f32
    %broadcast_in_dim3A_34 = vector.broadcast %broadcast_in_dim3A_33 : f32 to vector<16xf32>
    %swap3A_35 = arith.constant 80 : index
    %swap3A_36 = tpu.vector_load %arg6[%swap3A_35] {strides = array<i32>} : memref<128xf32, #tpu.memory_space<vmem>>, vector<16xf32>,
    %swap3A_37 = vector.shape_cast %swap3A_36 : vector<16xf32> to vector<16xf32>
    %swap3A_38 = vector.shape_cast %broadcast_in_dim3A_34 : vector<16xf32> to vector<16xf32>
    tpu.vector_store %arg6[%swap3A_35], %swap3A_38 {strides = array<i32>} : memref<128xf32, #tpu.memory_space<vmem>>, vector<16xf32>,
    %broadcast_in_dim3A_39 = arith.constant 1.000000e+00 : f32
    %broadcast_in_dim3A_40 = vector.broadcast %broadcast_in_dim3A_39 : f32 to vector<16xf32>
    %swap3A_41 = arith.constant 96 : index
    %swap3A_42 = tpu.vector_load %arg6[%swap3A_41] {strides = array<i32>} : memref<128xf32, #tpu.memory_space<vmem>>, vector<16xf32>,
    %swap3A_43 = vector.shape_cast %swap3A_42 : vector<16xf32> to vector<16xf32>
    %swap3A_44 = vector.shape_cast %broadcast_in_dim3A_40 : vector<16xf32> to vector<16xf32>
    tpu.vector_store %arg6[%swap3A_41], %swap3A_44 {strides = array<i32>} : memref<128xf32, #tpu.memory_space<vmem>>, vector<16xf32>,
    %broadcast_in_dim3A_45 = arith.constant 1.000000e+00 : f32
    %broadcast_in_dim3A_46 = vector.broadcast %broadcast_in_dim3A_45 : f32 to vector<16xf32>
    %swap3A_47 = arith.constant 112 : index
    %swap3A_48 = tpu.vector_load %arg6[%swap3A_47] {strides = array<i32>} : memref<128xf32, #tpu.memory_space<vmem>>, vector<16xf32>,
    %swap3A_49 = vector.shape_cast %swap3A_48 : vector<16xf32> to vector<16xf32>
    %swap3A_50 = vector.shape_cast %broadcast_in_dim3A_46 : vector<16xf32> to vector<16xf32>
    tpu.vector_store %arg6[%swap3A_47], %swap3A_50 {strides = array<i32>} : memref<128xf32, #tpu.memory_space<vmem>>, vector<16xf32>,
    %barrier3A = arith.constant 0 : index
    tpu.barrier barrier_id(%barrier3A)
    %dma_start3A = arith.constant 0 : i32
    %dma_start3A_51 = arith.constant 0 : i32
    %dma_start3A_52 = arith.constant 0 : i32
    %dma_start3A_53 = tpu.memref_slice %arg5[%dma_start3A, %dma_start3A_52] : memref<80x128xi32, #tpu.memory_space<vmem>> -> memref<1x128xi32, #tpu.memory_space<vmem>>
    %dma_start3A_54 = tpu.memref_squeeze %dma_start3A_53 : memref<1x128xi32, #tpu.memory_space<vmem>> -> memref<128xi32, #tpu.memory_space<vmem>>
    %dma_start3A_55 = arith.constant 0 : i32
    %dma_start3A_56 = tpu.memref_slice %arg7[%dma_start3A_55] : memref<10240xf32, #tpu.memory_space<vmem_shared>> -> memref<10240xf32, #tpu.memory_space<vmem_shared>>
    %dma_start3A_57 = tpu.memref_slice %arg8[%dma_start3A_51] : memref<2x!tpu.dma_semaphore, #tpu.memory_space<semaphore_mem>> -> memref<1x!tpu.dma_semaphore, #tpu.memory_space<semaphore_mem>>
    %dma_start3A_58 = tpu.memref_squeeze %dma_start3A_57 : memref<1x!tpu.dma_semaphore, #tpu.memory_space<semaphore_mem>> -> memref<!tpu.dma_semaphore, #tpu.memory_space<semaphore_mem>>
    tpu.enqueue_indirect_dma source(%arg6 : memref<128xf32, #tpu.memory_space<vmem>>) target(%dma_start3A_56 : memref<10240xf32, #tpu.memory_space<vmem_shared>>) offsets(%dma_start3A_54 : memref<128xi32, #tpu.memory_space<vmem>>) semaphore(%dma_start3A_58 : memref<!tpu.dma_semaphore, #tpu.memory_space<semaphore_mem>>) {add = true}
    %dma_start3A_59 = arith.constant 1 : i32
    %dma_start3A_60 = arith.constant 1 : i32
    %dma_start3A_61 = arith.constant 0 : i32
    %dma_start3A_62 = tpu.memref_slice %arg5[%dma_start3A_59, %dma_start3A_61] : memref<80x128xi32, #tpu.memory_space<vmem>> -> memref<1x128xi32, #tpu.memory_space<vmem>>
    %dma_start3A_63 = tpu.memref_squeeze %dma_start3A_62 : memref<1x128xi32, #tpu.memory_space<vmem>> -> memref<128xi32, #tpu.memory_space<vmem>>
    %dma_start3A_64 = arith.constant 0 : i32
    %dma_start3A_65 = tpu.memref_slice %arg7[%dma_start3A_64] : memref<10240xf32, #tpu.memory_space<vmem_shared>> -> memref<10240xf32, #tpu.memory_space<vmem_shared>>
    %dma_start3A_66 = tpu.memref_slice %arg8[%dma_start3A_60] : memref<2x!tpu.dma_semaphore, #tpu.memory_space<semaphore_mem>> -> memref<1x!tpu.dma_semaphore, #tpu.memory_space<semaphore_mem>>
    %dma_start3A_67 = tpu.memref_squeeze %dma_start3A_66 : memref<1x!tpu.dma_semaphore, #tpu.memory_space<semaphore_mem>> -> memref<!tpu.dma_semaphore, #tpu.memory_space<semaphore_mem>>
    tpu.enqueue_indirect_dma source(%arg6 : memref<128xf32, #tpu.memory_space<vmem>>) target(%dma_start3A_65 : memref<10240xf32, #tpu.memory_space<vmem_shared>>) offsets(%dma_start3A_63 : memref<128xi32, #tpu.memory_space<vmem>>) semaphore(%dma_start3A_67 : memref<!tpu.dma_semaphore, #tpu.memory_space<semaphore_mem>>) {add = true}
    %scan3A = arith.constant 0 : i32
    %scan3A_68 = arith.constant 0 : i32
    %scan3A_69 = arith.constant 39 : i32
    %scan3A_70 = arith.addi %scan3A_68, %scan3A_69 : i32
    %scan3A_71 = arith.constant 1 : i32
    scf.for %scan3A_95 = %scan3A_68 to %scan3A_70 step %scan3A_71  : i32 {
      %mul3A_96 = arith.constant 2 : i32
      %mul3A_97 = arith.muli %scan3A_95, %mul3A_96 : i32
      %add3A_98 = arith.constant 2 : i32
      %add3A_99 = arith.addi %add3A_98, %mul3A_97 : i32
      %add3A_100 = arith.constant 0 : i32
      %add3A_101 = arith.addi %add3A_99, %add3A_100 : i32
      %sub3A = arith.constant 2 : i32
      %sub3A_102 = arith.subi %add3A_101, %sub3A : i32
      %dma_wait3A_103 = arith.constant 0 : i32
      %dma_wait3A_104 = arith.constant 0 : i32
      %dma_wait3A_105 = tpu.memref_slice %arg5[%sub3A_102, %dma_wait3A_104] : memref<80x128xi32, #tpu.memory_space<vmem>> -> memref<1x128xi32, #tpu.memory_space<vmem>>
      %dma_wait3A_106 = tpu.memref_squeeze %dma_wait3A_105 : memref<1x128xi32, #tpu.memory_space<vmem>> -> memref<128xi32, #tpu.memory_space<vmem>>
      %dma_wait3A_107 = arith.constant 0 : i32
      %dma_wait3A_108 = tpu.memref_slice %arg7[%dma_wait3A_107] : memref<10240xf32, #tpu.memory_space<vmem_shared>> -> memref<10240xf32, #tpu.memory_space<vmem_shared>>
      %dma_wait3A_109 = tpu.memref_slice %arg8[%dma_wait3A_103] : memref<2x!tpu.dma_semaphore, #tpu.memory_space<semaphore_mem>> -> memref<1x!tpu.dma_semaphore, #tpu.memory_space<semaphore_mem>>
      %dma_wait3A_110 = tpu.memref_squeeze %dma_wait3A_109 : memref<1x!tpu.dma_semaphore, #tpu.memory_space<semaphore_mem>> -> memref<!tpu.dma_semaphore, #tpu.memory_space<semaphore_mem>>
      tpu.wait_indirect_dma semaphore(%dma_wait3A_110 : memref<!tpu.dma_semaphore, #tpu.memory_space<semaphore_mem>>) src(%arg6 : memref<128xf32, #tpu.memory_space<vmem>>) dst(%dma_wait3A_108 : memref<10240xf32, #tpu.memory_space<vmem_shared>>)
      %add3A_111 = arith.constant 0 : i32
      %add3A_112 = arith.addi %add3A_99, %add3A_111 : i32
      %dma_start3A_113 = arith.constant 0 : i32
      %dma_start3A_114 = arith.constant 0 : i32
      %dma_start3A_115 = tpu.memref_slice %arg5[%add3A_112, %dma_start3A_114] : memref<80x128xi32, #tpu.memory_space<vmem>> -> memref<1x128xi32, #tpu.memory_space<vmem>>
      %dma_start3A_116 = tpu.memref_squeeze %dma_start3A_115 : memref<1x128xi32, #tpu.memory_space<vmem>> -> memref<128xi32, #tpu.memory_space<vmem>>
      %dma_start3A_117 = arith.constant 0 : i32
      %dma_start3A_118 = tpu.memref_slice %arg7[%dma_start3A_117] : memref<10240xf32, #tpu.memory_space<vmem_shared>> -> memref<10240xf32, #tpu.memory_space<vmem_shared>>
      %dma_start3A_119 = tpu.memref_slice %arg8[%dma_start3A_113] : memref<2x!tpu.dma_semaphore, #tpu.memory_space<semaphore_mem>> -> memref<1x!tpu.dma_semaphore, #tpu.memory_space<semaphore_mem>>
      %dma_start3A_120 = tpu.memref_squeeze %dma_start3A_119 : memref<1x!tpu.dma_semaphore, #tpu.memory_space<semaphore_mem>> -> memref<!tpu.dma_semaphore, #tpu.memory_space<semaphore_mem>>
      tpu.enqueue_indirect_dma source(%arg6 : memref<128xf32, #tpu.memory_space<vmem>>) target(%dma_start3A_118 : memref<10240xf32, #tpu.memory_space<vmem_shared>>) offsets(%dma_start3A_116 : memref<128xi32, #tpu.memory_space<vmem>>) semaphore(%dma_start3A_120 : memref<!tpu.dma_semaphore, #tpu.memory_space<semaphore_mem>>) {add = true}
      %add3A_121 = arith.constant 1 : i32
      %add3A_122 = arith.addi %add3A_99, %add3A_121 : i32
      %sub3A_123 = arith.constant 2 : i32
      %sub3A_124 = arith.subi %add3A_122, %sub3A_123 : i32
      %dma_wait3A_125 = arith.constant 1 : i32
      %dma_wait3A_126 = arith.constant 0 : i32
      %dma_wait3A_127 = tpu.memref_slice %arg5[%sub3A_124, %dma_wait3A_126] : memref<80x128xi32, #tpu.memory_space<vmem>> -> memref<1x128xi32, #tpu.memory_space<vmem>>
      %dma_wait3A_128 = tpu.memref_squeeze %dma_wait3A_127 : memref<1x128xi32, #tpu.memory_space<vmem>> -> memref<128xi32, #tpu.memory_space<vmem>>
      %dma_wait3A_129 = arith.constant 0 : i32
      %dma_wait3A_130 = tpu.memref_slice %arg7[%dma_wait3A_129] : memref<10240xf32, #tpu.memory_space<vmem_shared>> -> memref<10240xf32, #tpu.memory_space<vmem_shared>>
      %dma_wait3A_131 = tpu.memref_slice %arg8[%dma_wait3A_125] : memref<2x!tpu.dma_semaphore, #tpu.memory_space<semaphore_mem>> -> memref<1x!tpu.dma_semaphore, #tpu.memory_space<semaphore_mem>>
      %dma_wait3A_132 = tpu.memref_squeeze %dma_wait3A_131 : memref<1x!tpu.dma_semaphore, #tpu.memory_space<semaphore_mem>> -> memref<!tpu.dma_semaphore, #tpu.memory_space<semaphore_mem>>
      tpu.wait_indirect_dma semaphore(%dma_wait3A_132 : memref<!tpu.dma_semaphore, #tpu.memory_space<semaphore_mem>>) src(%arg6 : memref<128xf32, #tpu.memory_space<vmem>>) dst(%dma_wait3A_130 : memref<10240xf32, #tpu.memory_space<vmem_shared>>)
      %add3A_133 = arith.constant 1 : i32
      %add3A_134 = arith.addi %add3A_99, %add3A_133 : i32
      %dma_start3A_135 = arith.constant 1 : i32
      %dma_start3A_136 = arith.constant 0 : i32
      %dma_start3A_137 = tpu.memref_slice %arg5[%add3A_134, %dma_start3A_136] : memref<80x128xi32, #tpu.memory_space<vmem>> -> memref<1x128xi32, #tpu.memory_space<vmem>>
      %dma_start3A_138 = tpu.memref_squeeze %dma_start3A_137 : memref<1x128xi32, #tpu.memory_space<vmem>> -> memref<128xi32, #tpu.memory_space<vmem>>
      %dma_start3A_139 = arith.constant 0 : i32
      %dma_start3A_140 = tpu.memref_slice %arg7[%dma_start3A_139] : memref<10240xf32, #tpu.memory_space<vmem_shared>> -> memref<10240xf32, #tpu.memory_space<vmem_shared>>
      %dma_start3A_141 = tpu.memref_slice %arg8[%dma_start3A_135] : memref<2x!tpu.dma_semaphore, #tpu.memory_space<semaphore_mem>> -> memref<1x!tpu.dma_semaphore, #tpu.memory_space<semaphore_mem>>
      %dma_start3A_142 = tpu.memref_squeeze %dma_start3A_141 : memref<1x!tpu.dma_semaphore, #tpu.memory_space<semaphore_mem>> -> memref<!tpu.dma_semaphore, #tpu.memory_space<semaphore_mem>>
      tpu.enqueue_indirect_dma source(%arg6 : memref<128xf32, #tpu.memory_space<vmem>>) target(%dma_start3A_140 : memref<10240xf32, #tpu.memory_space<vmem_shared>>) offsets(%dma_start3A_138 : memref<128xi32, #tpu.memory_space<vmem>>) semaphore(%dma_start3A_142 : memref<!tpu.dma_semaphore, #tpu.memory_space<semaphore_mem>>) {add = true}
    }
    %scan3A_72 = arith.constant 39 : i32
    %dma_wait3A = arith.constant 78 : i32
    %dma_wait3A_73 = arith.constant 0 : i32
    %dma_wait3A_74 = arith.constant 0 : i32
    %dma_wait3A_75 = tpu.memref_slice %arg5[%dma_wait3A, %dma_wait3A_74] : memref<80x128xi32, #tpu.memory_space<vmem>> -> memref<1x128xi32, #tpu.memory_space<vmem>>
    %dma_wait3A_76 = tpu.memref_squeeze %dma_wait3A_75 : memref<1x128xi32, #tpu.memory_space<vmem>> -> memref<128xi32, #tpu.memory_space<vmem>>
    %dma_wait3A_77 = arith.constant 0 : i32
    %dma_wait3A_78 = tpu.memref_slice %arg7[%dma_wait3A_77] : memref<10240xf32, #tpu.memory_space<vmem_shared>> -> memref<10240xf32, #tpu.memory_space<vmem_shared>>
    %dma_wait3A_79 = tpu.memref_slice %arg8[%dma_wait3A_73] : memref<2x!tpu.dma_semaphore, #tpu.memory_space<semaphore_mem>> -> memref<1x!tpu.dma_semaphore, #tpu.memory_space<semaphore_mem>>
    %dma_wait3A_80 = tpu.memref_squeeze %dma_wait3A_79 : memref<1x!tpu.dma_semaphore, #tpu.memory_space<semaphore_mem>> -> memref<!tpu.dma_semaphore, #tpu.memory_space<semaphore_mem>>
    tpu.wait_indirect_dma semaphore(%dma_wait3A_80 : memref<!tpu.dma_semaphore, #tpu.memory_space<semaphore_mem>>) src(%arg6 : memref<128xf32, #tpu.memory_space<vmem>>) dst(%dma_wait3A_78 : memref<10240xf32, #tpu.memory_space<vmem_shared>>)
    %dma_wait3A_81 = arith.constant 79 : i32
    %dma_wait3A_82 = arith.constant 1 : i32
    %dma_wait3A_83 = arith.constant 0 : i32
    %dma_wait3A_84 = tpu.memref_slice %arg5[%dma_wait3A_81, %dma_wait3A_83] : memref<80x128xi32, #tpu.memory_space<vmem>> -> memref<1x128xi32, #tpu.memory_space<vmem>>
    %dma_wait3A_85 = tpu.memref_squeeze %dma_wait3A_84 : memref<1x128xi32, #tpu.memory_space<vmem>> -> memref<128xi32, #tpu.memory_space<vmem>>
    %dma_wait3A_86 = arith.constant 0 : i32
    %dma_wait3A_87 = tpu.memref_slice %arg7[%dma_wait3A_86] : memref<10240xf32, #tpu.memory_space<vmem_shared>> -> memref<10240xf32, #tpu.memory_space<vmem_shared>>
    %dma_wait3A_88 = tpu.memref_slice %arg8[%dma_wait3A_82] : memref<2x!tpu.dma_semaphore, #tpu.memory_space<semaphore_mem>> -> memref<1x!tpu.dma_semaphore, #tpu.memory_space<semaphore_mem>>
    %dma_wait3A_89 = tpu.memref_squeeze %dma_wait3A_88 : memref<1x!tpu.dma_semaphore, #tpu.memory_space<semaphore_mem>> -> memref<!tpu.dma_semaphore, #tpu.memory_space<semaphore_mem>>
    tpu.wait_indirect_dma semaphore(%dma_wait3A_89 : memref<!tpu.dma_semaphore, #tpu.memory_space<semaphore_mem>>) src(%arg6 : memref<128xf32, #tpu.memory_space<vmem>>) dst(%dma_wait3A_87 : memref<10240xf32, #tpu.memory_space<vmem_shared>>)
    %barrier3A_90 = arith.constant 0 : index
    tpu.barrier barrier_id(%barrier3A_90)
    %mul3A_91 = arith.constant 640 : i32
    %mul3A_92 = arith.muli %arg1, %mul3A_91 : i32
    %mul3A_93 = arith.constant 640 : i32
    %mul3A_94 = arith.muli %arg1, %mul3A_93 : i32
    "tpu.region"() ({
      %run_scoped3A = tpu.sem_alloc : memref<!tpu.dma_semaphore, #tpu.memory_space<semaphore_mem>>
      %dma_start3A_95 = tpu.memref_slice %arg4[%arg0, %mul3A_94] : memref<2x10240xf32, #tpu.memory_space<hbm>> -> memref<1x640xf32, #tpu.memory_space<hbm>>
      %dma_start3A_96 = tpu.memref_squeeze %dma_start3A_95 : memref<1x640xf32, #tpu.memory_space<hbm>> -> memref<640xf32, #tpu.memory_space<hbm>>
      %dma_start3A_97 = tpu.memref_slice %arg7[%mul3A_92] : memref<10240xf32, #tpu.memory_space<vmem_shared>> -> memref<640xf32, #tpu.memory_space<vmem_shared>>
      tpu.enqueue_dma source(%dma_start3A_97 : memref<640xf32, #tpu.memory_space<vmem_shared>>) target(%dma_start3A_96 : memref<640xf32, #tpu.memory_space<hbm>>) target_semaphore(%run_scoped3A : memref<!tpu.dma_semaphore, #tpu.memory_space<semaphore_mem>>)
      %dma_wait3A_98 = tpu.memref_slice %arg4[%arg0, %mul3A_94] : memref<2x10240xf32, #tpu.memory_space<hbm>> -> memref<1x640xf32, #tpu.memory_space<hbm>>
      %dma_wait3A_99 = tpu.memref_squeeze %dma_wait3A_98 : memref<1x640xf32, #tpu.memory_space<hbm>> -> memref<640xf32, #tpu.memory_space<hbm>>
      %dma_wait3A_100 = tpu.memref_slice %arg7[%mul3A_92] : memref<10240xf32, #tpu.memory_space<vmem_shared>> -> memref<640xf32, #tpu.memory_space<vmem_shared>>
      tpu.wait_dma2 semaphore(%run_scoped3A : memref<!tpu.dma_semaphore, #tpu.memory_space<semaphore_mem>>) src(%dma_wait3A_100 : memref<640xf32, #tpu.memory_space<vmem_shared>>) dst(%dma_wait3A_99 : memref<640xf32, #tpu.memory_space<hbm>>)
      tpu.yield
    }) : () -> ()
    return
  }
}

#map = affine_map<(d0, d1) -> (0, 0)>
#map1 = affine_map<(d0, d1) -> (0, 0, 0, 0, 0)>
#map2 = affine_map<(d0, d1) -> (0, 0, 0)>
module attributes {stable_mosaic.version = 14 : i64} {
  func.func @_conv_body(%arg0: i32, %arg1: i32, %arg2: memref<10240x128xf32, #tpu.memory_space<hbm>>, %arg3: memref<16x2x2x80x128xi32, #tpu.memory_space<hbm>>, %arg4: memref<10240x64xf32, #tpu.memory_space<hbm>>, %arg5: memref<2x10240x64xf32, #tpu.memory_space<hbm>>, %arg6: memref<2x80x128xi32, #tpu.memory_space<vmem>>, %arg7: memref<2x128x64xf32, #tpu.memory_space<vmem>>, %arg8: memref<10240x64xf32, #tpu.memory_space<vmem_shared>>, %arg9: memref<10240x64xf32, #tpu.memory_space<vmem_shared>>, %arg10: memref<2x!tpu.dma_semaphore, #tpu.memory_space<semaphore_mem>>, %arg11: memref<2x!tpu.dma_semaphore, #tpu.memory_space<semaphore_mem>>) attributes {dimension_semantics = [#tpu.dimension_semantics<core_parallel>, #tpu.dimension_semantics<subcore_parallel>], iteration_bounds = array<i64: 2, 16>, scalar_prefetch = 0 : i64, scratch_operands = 6 : i64, tpu.core_type = #tpu.core_type<sc_vector_subcore>, window_params = [{transform_indices = #map}, {transform_indices = #map1}, {transform_indices = #map}, {transform_indices = #map2}]} {
    %mul3A = arith.constant 16 : i32
    %mul3A_0 = arith.muli %arg0, %mul3A : i32
    %add3A = arith.addi %mul3A_0, %arg1 : i32
    %mul3A_1 = arith.constant 640 : i32
    %mul3A_2 = arith.muli %arg1, %mul3A_1 : i32
    %mul3A_3 = arith.constant 640 : i32
    %mul3A_4 = arith.muli %arg1, %mul3A_3 : i32
    "tpu.region"() ({
      %run_scoped3A_282 = tpu.sem_alloc : memref<!tpu.dma_semaphore, #tpu.memory_space<semaphore_mem>>
      %dma_start3A_283 = arith.constant 0 : i32
      %dma_start3A_284 = tpu.memref_slice %arg9[%mul3A_4, %dma_start3A_283] : memref<10240x64xf32, #tpu.memory_space<vmem_shared>> -> memref<640x64xf32, #tpu.memory_space<vmem_shared>>
      %dma_start3A_285 = arith.constant 0 : i32
      %dma_start3A_286 = tpu.memref_slice %arg4[%mul3A_2, %dma_start3A_285] : memref<10240x64xf32, #tpu.memory_space<hbm>> -> memref<640x64xf32, #tpu.memory_space<hbm>>
      tpu.enqueue_dma source(%dma_start3A_286 : memref<640x64xf32, #tpu.memory_space<hbm>>) target(%dma_start3A_284 : memref<640x64xf32, #tpu.memory_space<vmem_shared>>) target_semaphore(%run_scoped3A_282 : memref<!tpu.dma_semaphore, #tpu.memory_space<semaphore_mem>>)
      %dma_wait3A_287 = arith.constant 0 : i32
      %dma_wait3A_288 = tpu.memref_slice %arg9[%mul3A_4, %dma_wait3A_287] : memref<10240x64xf32, #tpu.memory_space<vmem_shared>> -> memref<640x64xf32, #tpu.memory_space<vmem_shared>>
      %dma_wait3A_289 = arith.constant 0 : i32
      %dma_wait3A_290 = tpu.memref_slice %arg4[%mul3A_2, %dma_wait3A_289] : memref<10240x64xf32, #tpu.memory_space<hbm>> -> memref<640x64xf32, #tpu.memory_space<hbm>>
      tpu.wait_dma2 semaphore(%run_scoped3A_282 : memref<!tpu.dma_semaphore, #tpu.memory_space<semaphore_mem>>) src(%dma_wait3A_290 : memref<640x64xf32, #tpu.memory_space<hbm>>) dst(%dma_wait3A_288 : memref<640x64xf32, #tpu.memory_space<vmem_shared>>)
      tpu.yield
    }) : () -> ()
    %mul3A_5 = arith.constant 640 : i32
    %mul3A_6 = arith.muli %arg1, %mul3A_5 : i32
    %mul3A_7 = arith.constant 64 : i32
    %mul3A_8 = arith.muli %arg0, %mul3A_7 : i32
    %mul3A_9 = arith.constant 640 : i32
    %mul3A_10 = arith.muli %arg1, %mul3A_9 : i32
    "tpu.region"() ({
      %run_scoped3A_282 = tpu.sem_alloc : memref<!tpu.dma_semaphore, #tpu.memory_space<semaphore_mem>>
      %dma_start3A_283 = arith.constant 0 : i32
      %dma_start3A_284 = tpu.memref_slice %arg8[%mul3A_10, %dma_start3A_283] : memref<10240x64xf32, #tpu.memory_space<vmem_shared>> -> memref<640x64xf32, #tpu.memory_space<vmem_shared>>
      %dma_start3A_285 = tpu.memref_slice %arg2[%mul3A_6, %mul3A_8] : memref<10240x128xf32, #tpu.memory_space<hbm>> -> memref<640x64xf32, #tpu.memory_space<hbm>>
      tpu.enqueue_dma source(%dma_start3A_285 : memref<640x64xf32, #tpu.memory_space<hbm>>) target(%dma_start3A_284 : memref<640x64xf32, #tpu.memory_space<vmem_shared>>) target_semaphore(%run_scoped3A_282 : memref<!tpu.dma_semaphore, #tpu.memory_space<semaphore_mem>>)
      %dma_wait3A_286 = arith.constant 0 : i32
      %dma_wait3A_287 = tpu.memref_slice %arg8[%mul3A_10, %dma_wait3A_286] : memref<10240x64xf32, #tpu.memory_space<vmem_shared>> -> memref<640x64xf32, #tpu.memory_space<vmem_shared>>
      %dma_wait3A_288 = tpu.memref_slice %arg2[%mul3A_6, %mul3A_8] : memref<10240x128xf32, #tpu.memory_space<hbm>> -> memref<640x64xf32, #tpu.memory_space<hbm>>
      tpu.wait_dma2 semaphore(%run_scoped3A_282 : memref<!tpu.dma_semaphore, #tpu.memory_space<semaphore_mem>>) src(%dma_wait3A_288 : memref<640x64xf32, #tpu.memory_space<hbm>>) dst(%dma_wait3A_287 : memref<640x64xf32, #tpu.memory_space<vmem_shared>>)
      tpu.yield
    }) : () -> ()
    %barrier3A = arith.constant 0 : index
    tpu.barrier barrier_id(%barrier3A)
    %run_scoped3A = arith.constant 0 : i32
    "tpu.region"() ({
      %run_scoped3A_282 = tpu.sem_alloc : memref<!tpu.dma_semaphore, #tpu.memory_space<semaphore_mem>>
      %dma_start3A_283 = arith.constant 0 : i32
      %dma_start3A_284 = arith.constant 0 : i32
      %dma_start3A_285 = arith.constant 0 : i32
      %dma_start3A_286 = tpu.memref_slice %arg3[%arg1, %run_scoped3A, %dma_start3A_283, %dma_start3A_284, %dma_start3A_285] : memref<16x2x2x80x128xi32, #tpu.memory_space<hbm>> -> memref<1x1x2x80x128xi32, #tpu.memory_space<hbm>>
      %dma_start3A_287 = tpu.memref_squeeze %dma_start3A_286 : memref<1x1x2x80x128xi32, #tpu.memory_space<hbm>> -> memref<2x80x128xi32, #tpu.memory_space<hbm>>
      %dma_start3A_288 = arith.constant 0 : i32
      %dma_start3A_289 = arith.constant 0 : i32
      %dma_start3A_290 = arith.constant 0 : i32
      %dma_start3A_291 = tpu.memref_slice %arg3[%arg1, %run_scoped3A, %dma_start3A_288, %dma_start3A_289, %dma_start3A_290] : memref<16x2x2x80x128xi32, #tpu.memory_space<hbm>> -> memref<1x1x2x80x128xi32, #tpu.memory_space<hbm>>
      %dma_start3A_292 = tpu.memref_squeeze %dma_start3A_291 : memref<1x1x2x80x128xi32, #tpu.memory_space<hbm>> -> memref<2x80x128xi32, #tpu.memory_space<hbm>>
      tpu.enqueue_dma source(%dma_start3A_292 : memref<2x80x128xi32, #tpu.memory_space<hbm>>) target(%arg6 : memref<2x80x128xi32, #tpu.memory_space<vmem>>) target_semaphore(%run_scoped3A_282 : memref<!tpu.dma_semaphore, #tpu.memory_space<semaphore_mem>>)
      %dma_wait3A_293 = arith.constant 0 : i32
      %dma_wait3A_294 = arith.constant 0 : i32
      %dma_wait3A_295 = arith.constant 0 : i32
      %dma_wait3A_296 = tpu.memref_slice %arg3[%arg1, %run_scoped3A, %dma_wait3A_293, %dma_wait3A_294, %dma_wait3A_295] : memref<16x2x2x80x128xi32, #tpu.memory_space<hbm>> -> memref<1x1x2x80x128xi32, #tpu.memory_space<hbm>>
      %dma_wait3A_297 = tpu.memref_squeeze %dma_wait3A_296 : memref<1x1x2x80x128xi32, #tpu.memory_space<hbm>> -> memref<2x80x128xi32, #tpu.memory_space<hbm>>
      %dma_wait3A_298 = arith.constant 0 : i32
      %dma_wait3A_299 = arith.constant 0 : i32
      %dma_wait3A_300 = arith.constant 0 : i32
      %dma_wait3A_301 = tpu.memref_slice %arg3[%arg1, %run_scoped3A, %dma_wait3A_298, %dma_wait3A_299, %dma_wait3A_300] : memref<16x2x2x80x128xi32, #tpu.memory_space<hbm>> -> memref<1x1x2x80x128xi32, #tpu.memory_space<hbm>>
      %dma_wait3A_302 = tpu.memref_squeeze %dma_wait3A_301 : memref<1x1x2x80x128xi32, #tpu.memory_space<hbm>> -> memref<2x80x128xi32, #tpu.memory_space<hbm>>
      tpu.wait_dma2 semaphore(%run_scoped3A_282 : memref<!tpu.dma_semaphore, #tpu.memory_space<semaphore_mem>>) src(%dma_wait3A_302 : memref<2x80x128xi32, #tpu.memory_space<hbm>>) dst(%arg6 : memref<2x80x128xi32, #tpu.memory_space<vmem>>)
      tpu.yield
    }) : () -> ()
    %dma_start3A = arith.constant 0 : i32
    %dma_start3A_11 = arith.constant 0 : i32
    %dma_start3A_12 = arith.constant 0 : i32
    %dma_start3A_13 = arith.constant 0 : i32
    %dma_start3A_14 = arith.constant 0 : i32
    %dma_start3A_15 = arith.constant 0 : i32
    %dma_start3A_16 = tpu.memref_slice %arg7[%dma_start3A_12, %dma_start3A_14, %dma_start3A_15] : memref<2x128x64xf32, #tpu.memory_space<vmem>> -> memref<1x128x64xf32, #tpu.memory_space<vmem>>
    %dma_start3A_17 = tpu.memref_squeeze %dma_start3A_16 : memref<1x128x64xf32, #tpu.memory_space<vmem>> -> memref<128x64xf32, #tpu.memory_space<vmem>>
    %dma_start3A_18 = arith.constant 0 : i32
    %dma_start3A_19 = tpu.memref_slice %arg6[%dma_start3A, %dma_start3A_11, %dma_start3A_18] : memref<2x80x128xi32, #tpu.memory_space<vmem>> -> memref<1x1x128xi32, #tpu.memory_space<vmem>>
    %dma_start3A_20 = tpu.memref_squeeze %dma_start3A_19 : memref<1x1x128xi32, #tpu.memory_space<vmem>> -> memref<128xi32, #tpu.memory_space<vmem>>
    %dma_start3A_21 = arith.constant 0 : i32
    %dma_start3A_22 = arith.constant 0 : i32
    %dma_start3A_23 = tpu.memref_slice %arg8[%dma_start3A_21, %dma_start3A_22] : memref<10240x64xf32, #tpu.memory_space<vmem_shared>> -> memref<10240x64xf32, #tpu.memory_space<vmem_shared>>
    %dma_start3A_24 = tpu.memref_slice %arg10[%dma_start3A_13] : memref<2x!tpu.dma_semaphore, #tpu.memory_space<semaphore_mem>> -> memref<1x!tpu.dma_semaphore, #tpu.memory_space<semaphore_mem>>
    %dma_start3A_25 = tpu.memref_squeeze %dma_start3A_24 : memref<1x!tpu.dma_semaphore, #tpu.memory_space<semaphore_mem>> -> memref<!tpu.dma_semaphore, #tpu.memory_space<semaphore_mem>>
    tpu.enqueue_indirect_dma source(%dma_start3A_23 : memref<10240x64xf32, #tpu.memory_space<vmem_shared>>) target(%dma_start3A_17 : memref<128x64xf32, #tpu.memory_space<vmem>>) offsets(%dma_start3A_20 : memref<128xi32, #tpu.memory_space<vmem>>) semaphore(%dma_start3A_25 : memref<!tpu.dma_semaphore, #tpu.memory_space<semaphore_mem>>)
    %dma_start3A_26 = arith.constant 0 : i32
    %dma_start3A_27 = arith.constant 1 : i32
    %dma_start3A_28 = arith.constant 1 : i32
    %dma_start3A_29 = arith.constant 1 : i32
    %dma_start3A_30 = arith.constant 0 : i32
    %dma_start3A_31 = arith.constant 0 : i32
    %dma_start3A_32 = tpu.memref_slice %arg7[%dma_start3A_28, %dma_start3A_30, %dma_start3A_31] : memref<2x128x64xf32, #tpu.memory_space<vmem>> -> memref<1x128x64xf32, #tpu.memory_space<vmem>>
    %dma_start3A_33 = tpu.memref_squeeze %dma_start3A_32 : memref<1x128x64xf32, #tpu.memory_space<vmem>> -> memref<128x64xf32, #tpu.memory_space<vmem>>
    %dma_start3A_34 = arith.constant 0 : i32
    %dma_start3A_35 = tpu.memref_slice %arg6[%dma_start3A_26, %dma_start3A_27, %dma_start3A_34] : memref<2x80x128xi32, #tpu.memory_space<vmem>> -> memref<1x1x128xi32, #tpu.memory_space<vmem>>
    %dma_start3A_36 = tpu.memref_squeeze %dma_start3A_35 : memref<1x1x128xi32, #tpu.memory_space<vmem>> -> memref<128xi32, #tpu.memory_space<vmem>>
    %dma_start3A_37 = arith.constant 0 : i32
    %dma_start3A_38 = arith.constant 0 : i32
    %dma_start3A_39 = tpu.memref_slice %arg8[%dma_start3A_37, %dma_start3A_38] : memref<10240x64xf32, #tpu.memory_space<vmem_shared>> -> memref<10240x64xf32, #tpu.memory_space<vmem_shared>>
    %dma_start3A_40 = tpu.memref_slice %arg10[%dma_start3A_29] : memref<2x!tpu.dma_semaphore, #tpu.memory_space<semaphore_mem>> -> memref<1x!tpu.dma_semaphore, #tpu.memory_space<semaphore_mem>>
    %dma_start3A_41 = tpu.memref_squeeze %dma_start3A_40 : memref<1x!tpu.dma_semaphore, #tpu.memory_space<semaphore_mem>> -> memref<!tpu.dma_semaphore, #tpu.memory_space<semaphore_mem>>
    tpu.enqueue_indirect_dma source(%dma_start3A_39 : memref<10240x64xf32, #tpu.memory_space<vmem_shared>>) target(%dma_start3A_33 : memref<128x64xf32, #tpu.memory_space<vmem>>) offsets(%dma_start3A_36 : memref<128xi32, #tpu.memory_space<vmem>>) semaphore(%dma_start3A_41 : memref<!tpu.dma_semaphore, #tpu.memory_space<semaphore_mem>>)
    %dma_wait3A = arith.constant 0 : i32
    %dma_wait3A_42 = arith.constant 0 : i32
    %dma_wait3A_43 = arith.constant 0 : i32
    %dma_wait3A_44 = arith.constant 0 : i32
    %dma_wait3A_45 = arith.constant 0 : i32
    %dma_wait3A_46 = arith.constant 0 : i32
    %dma_wait3A_47 = tpu.memref_slice %arg7[%dma_wait3A_43, %dma_wait3A_45, %dma_wait3A_46] : memref<2x128x64xf32, #tpu.memory_space<vmem>> -> memref<1x128x64xf32, #tpu.memory_space<vmem>>
    %dma_wait3A_48 = tpu.memref_squeeze %dma_wait3A_47 : memref<1x128x64xf32, #tpu.memory_space<vmem>> -> memref<128x64xf32, #tpu.memory_space<vmem>>
    %dma_wait3A_49 = arith.constant 0 : i32
    %dma_wait3A_50 = tpu.memref_slice %arg6[%dma_wait3A, %dma_wait3A_42, %dma_wait3A_49] : memref<2x80x128xi32, #tpu.memory_space<vmem>> -> memref<1x1x128xi32, #tpu.memory_space<vmem>>
    %dma_wait3A_51 = tpu.memref_squeeze %dma_wait3A_50 : memref<1x1x128xi32, #tpu.memory_space<vmem>> -> memref<128xi32, #tpu.memory_space<vmem>>
    %dma_wait3A_52 = arith.constant 0 : i32
    %dma_wait3A_53 = arith.constant 0 : i32
    %dma_wait3A_54 = tpu.memref_slice %arg8[%dma_wait3A_52, %dma_wait3A_53] : memref<10240x64xf32, #tpu.memory_space<vmem_shared>> -> memref<10240x64xf32, #tpu.memory_space<vmem_shared>>
    %dma_wait3A_55 = tpu.memref_slice %arg10[%dma_wait3A_44] : memref<2x!tpu.dma_semaphore, #tpu.memory_space<semaphore_mem>> -> memref<1x!tpu.dma_semaphore, #tpu.memory_space<semaphore_mem>>
    %dma_wait3A_56 = tpu.memref_squeeze %dma_wait3A_55 : memref<1x!tpu.dma_semaphore, #tpu.memory_space<semaphore_mem>> -> memref<!tpu.dma_semaphore, #tpu.memory_space<semaphore_mem>>
    tpu.wait_indirect_dma semaphore(%dma_wait3A_56 : memref<!tpu.dma_semaphore, #tpu.memory_space<semaphore_mem>>) src(%dma_wait3A_54 : memref<10240x64xf32, #tpu.memory_space<vmem_shared>>) dst(%dma_wait3A_48 : memref<128x64xf32, #tpu.memory_space<vmem>>)
    %dma_start3A_57 = arith.constant 0 : i32
    %dma_start3A_58 = arith.constant 1 : i32
    %dma_start3A_59 = arith.constant 0 : i32
    %dma_start3A_60 = arith.constant 0 : i32
    %dma_start3A_61 = arith.constant 0 : i32
    %dma_start3A_62 = arith.constant 0 : i32
    %dma_start3A_63 = tpu.memref_slice %arg7[%dma_start3A_57, %dma_start3A_61, %dma_start3A_62] : memref<2x128x64xf32, #tpu.memory_space<vmem>> -> memref<1x128x64xf32, #tpu.memory_space<vmem>>
    %dma_start3A_64 = tpu.memref_squeeze %dma_start3A_63 : memref<1x128x64xf32, #tpu.memory_space<vmem>> -> memref<128x64xf32, #tpu.memory_space<vmem>>
    %dma_start3A_65 = arith.constant 0 : i32
    %dma_start3A_66 = tpu.memref_slice %arg6[%dma_start3A_58, %dma_start3A_59, %dma_start3A_65] : memref<2x80x128xi32, #tpu.memory_space<vmem>> -> memref<1x1x128xi32, #tpu.memory_space<vmem>>
    %dma_start3A_67 = tpu.memref_squeeze %dma_start3A_66 : memref<1x1x128xi32, #tpu.memory_space<vmem>> -> memref<128xi32, #tpu.memory_space<vmem>>
    %dma_start3A_68 = arith.constant 0 : i32
    %dma_start3A_69 = arith.constant 0 : i32
    %dma_start3A_70 = tpu.memref_slice %arg9[%dma_start3A_68, %dma_start3A_69] : memref<10240x64xf32, #tpu.memory_space<vmem_shared>> -> memref<10240x64xf32, #tpu.memory_space<vmem_shared>>
    %dma_start3A_71 = tpu.memref_slice %arg11[%dma_start3A_60] : memref<2x!tpu.dma_semaphore, #tpu.memory_space<semaphore_mem>> -> memref<1x!tpu.dma_semaphore, #tpu.memory_space<semaphore_mem>>
    %dma_start3A_72 = tpu.memref_squeeze %dma_start3A_71 : memref<1x!tpu.dma_semaphore, #tpu.memory_space<semaphore_mem>> -> memref<!tpu.dma_semaphore, #tpu.memory_space<semaphore_mem>>
    tpu.enqueue_indirect_dma source(%dma_start3A_64 : memref<128x64xf32, #tpu.memory_space<vmem>>) target(%dma_start3A_70 : memref<10240x64xf32, #tpu.memory_space<vmem_shared>>) offsets(%dma_start3A_67 : memref<128xi32, #tpu.memory_space<vmem>>) semaphore(%dma_start3A_72 : memref<!tpu.dma_semaphore, #tpu.memory_space<semaphore_mem>>) {add = true}
    %scan3A = arith.constant 0 : i32
    %scan3A_73 = arith.constant 0 : i32
    %scan3A_74 = arith.constant 39 : i32
    %scan3A_75 = arith.addi %scan3A_73, %scan3A_74 : i32
    %scan3A_76 = arith.constant 1 : i32
    scf.for %scan3A_282 = %scan3A_73 to %scan3A_75 step %scan3A_76  : i32 {
      %mul3A_283 = arith.constant 2 : i32
      %mul3A_284 = arith.muli %scan3A_282, %mul3A_283 : i32
      %add3A_285 = arith.constant 2 : i32
      %add3A_286 = arith.addi %add3A_285, %mul3A_284 : i32
      %add3A_287 = arith.constant 0 : i32
      %add3A_288 = arith.addi %add3A_286, %add3A_287 : i32
      %sub3A = arith.constant 2 : i32
      %sub3A_289 = arith.subi %add3A_288, %sub3A : i32
      %dma_wait3A_290 = arith.constant 0 : i32
      %dma_wait3A_291 = arith.constant 1 : i32
      %dma_wait3A_292 = arith.constant 0 : i32
      %dma_wait3A_293 = arith.constant 0 : i32
      %dma_wait3A_294 = arith.constant 0 : i32
      %dma_wait3A_295 = tpu.memref_slice %arg7[%dma_wait3A_290, %dma_wait3A_293, %dma_wait3A_294] : memref<2x128x64xf32, #tpu.memory_space<vmem>> -> memref<1x128x64xf32, #tpu.memory_space<vmem>>
      %dma_wait3A_296 = tpu.memref_squeeze %dma_wait3A_295 : memref<1x128x64xf32, #tpu.memory_space<vmem>> -> memref<128x64xf32, #tpu.memory_space<vmem>>
      %dma_wait3A_297 = arith.constant 0 : i32
      %dma_wait3A_298 = tpu.memref_slice %arg6[%dma_wait3A_291, %sub3A_289, %dma_wait3A_297] : memref<2x80x128xi32, #tpu.memory_space<vmem>> -> memref<1x1x128xi32, #tpu.memory_space<vmem>>
      %dma_wait3A_299 = tpu.memref_squeeze %dma_wait3A_298 : memref<1x1x128xi32, #tpu.memory_space<vmem>> -> memref<128xi32, #tpu.memory_space<vmem>>
      %dma_wait3A_300 = arith.constant 0 : i32
      %dma_wait3A_301 = arith.constant 0 : i32
      %dma_wait3A_302 = tpu.memref_slice %arg9[%dma_wait3A_300, %dma_wait3A_301] : memref<10240x64xf32, #tpu.memory_space<vmem_shared>> -> memref<10240x64xf32, #tpu.memory_space<vmem_shared>>
      %dma_wait3A_303 = tpu.memref_slice %arg11[%dma_wait3A_292] : memref<2x!tpu.dma_semaphore, #tpu.memory_space<semaphore_mem>> -> memref<1x!tpu.dma_semaphore, #tpu.memory_space<semaphore_mem>>
      %dma_wait3A_304 = tpu.memref_squeeze %dma_wait3A_303 : memref<1x!tpu.dma_semaphore, #tpu.memory_space<semaphore_mem>> -> memref<!tpu.dma_semaphore, #tpu.memory_space<semaphore_mem>>
      tpu.wait_indirect_dma semaphore(%dma_wait3A_304 : memref<!tpu.dma_semaphore, #tpu.memory_space<semaphore_mem>>) src(%dma_wait3A_296 : memref<128x64xf32, #tpu.memory_space<vmem>>) dst(%dma_wait3A_302 : memref<10240x64xf32, #tpu.memory_space<vmem_shared>>)
      %dma_start3A_305 = arith.constant 0 : i32
      %dma_start3A_306 = arith.constant 0 : i32
      %dma_start3A_307 = arith.constant 0 : i32
      %dma_start3A_308 = arith.constant 0 : i32
      %dma_start3A_309 = arith.constant 0 : i32
      %dma_start3A_310 = tpu.memref_slice %arg7[%dma_start3A_306, %dma_start3A_308, %dma_start3A_309] : memref<2x128x64xf32, #tpu.memory_space<vmem>> -> memref<1x128x64xf32, #tpu.memory_space<vmem>>
      %dma_start3A_311 = tpu.memref_squeeze %dma_start3A_310 : memref<1x128x64xf32, #tpu.memory_space<vmem>> -> memref<128x64xf32, #tpu.memory_space<vmem>>
      %dma_start3A_312 = arith.constant 0 : i32
      %dma_start3A_313 = tpu.memref_slice %arg6[%dma_start3A_305, %add3A_288, %dma_start3A_312] : memref<2x80x128xi32, #tpu.memory_space<vmem>> -> memref<1x1x128xi32, #tpu.memory_space<vmem>>
      %dma_start3A_314 = tpu.memref_squeeze %dma_start3A_313 : memref<1x1x128xi32, #tpu.memory_space<vmem>> -> memref<128xi32, #tpu.memory_space<vmem>>
      %dma_start3A_315 = arith.constant 0 : i32
      %dma_start3A_316 = arith.constant 0 : i32
      %dma_start3A_317 = tpu.memref_slice %arg8[%dma_start3A_315, %dma_start3A_316] : memref<10240x64xf32, #tpu.memory_space<vmem_shared>> -> memref<10240x64xf32, #tpu.memory_space<vmem_shared>>
      %dma_start3A_318 = tpu.memref_slice %arg10[%dma_start3A_307] : memref<2x!tpu.dma_semaphore, #tpu.memory_space<semaphore_mem>> -> memref<1x!tpu.dma_semaphore, #tpu.memory_space<semaphore_mem>>
      %dma_start3A_319 = tpu.memref_squeeze %dma_start3A_318 : memref<1x!tpu.dma_semaphore, #tpu.memory_space<semaphore_mem>> -> memref<!tpu.dma_semaphore, #tpu.memory_space<semaphore_mem>>
      tpu.enqueue_indirect_dma source(%dma_start3A_317 : memref<10240x64xf32, #tpu.memory_space<vmem_shared>>) target(%dma_start3A_311 : memref<128x64xf32, #tpu.memory_space<vmem>>) offsets(%dma_start3A_314 : memref<128xi32, #tpu.memory_space<vmem>>) semaphore(%dma_start3A_319 : memref<!tpu.dma_semaphore, #tpu.memory_space<semaphore_mem>>)
      %sub3A_320 = arith.constant 1 : i32
      %sub3A_321 = arith.subi %add3A_288, %sub3A_320 : i32
      %dma_wait3A_322 = arith.constant 0 : i32
      %dma_wait3A_323 = arith.constant 1 : i32
      %dma_wait3A_324 = arith.constant 1 : i32
      %dma_wait3A_325 = arith.constant 0 : i32
      %dma_wait3A_326 = arith.constant 0 : i32
      %dma_wait3A_327 = tpu.memref_slice %arg7[%dma_wait3A_323, %dma_wait3A_325, %dma_wait3A_326] : memref<2x128x64xf32, #tpu.memory_space<vmem>> -> memref<1x128x64xf32, #tpu.memory_space<vmem>>
      %dma_wait3A_328 = tpu.memref_squeeze %dma_wait3A_327 : memref<1x128x64xf32, #tpu.memory_space<vmem>> -> memref<128x64xf32, #tpu.memory_space<vmem>>
      %dma_wait3A_329 = arith.constant 0 : i32
      %dma_wait3A_330 = tpu.memref_slice %arg6[%dma_wait3A_322, %sub3A_321, %dma_wait3A_329] : memref<2x80x128xi32, #tpu.memory_space<vmem>> -> memref<1x1x128xi32, #tpu.memory_space<vmem>>
      %dma_wait3A_331 = tpu.memref_squeeze %dma_wait3A_330 : memref<1x1x128xi32, #tpu.memory_space<vmem>> -> memref<128xi32, #tpu.memory_space<vmem>>
      %dma_wait3A_332 = arith.constant 0 : i32
      %dma_wait3A_333 = arith.constant 0 : i32
      %dma_wait3A_334 = tpu.memref_slice %arg8[%dma_wait3A_332, %dma_wait3A_333] : memref<10240x64xf32, #tpu.memory_space<vmem_shared>> -> memref<10240x64xf32, #tpu.memory_space<vmem_shared>>
      %dma_wait3A_335 = tpu.memref_slice %arg10[%dma_wait3A_324] : memref<2x!tpu.dma_semaphore, #tpu.memory_space<semaphore_mem>> -> memref<1x!tpu.dma_semaphore, #tpu.memory_space<semaphore_mem>>
      %dma_wait3A_336 = tpu.memref_squeeze %dma_wait3A_335 : memref<1x!tpu.dma_semaphore, #tpu.memory_space<semaphore_mem>> -> memref<!tpu.dma_semaphore, #tpu.memory_space<semaphore_mem>>
      tpu.wait_indirect_dma semaphore(%dma_wait3A_336 : memref<!tpu.dma_semaphore, #tpu.memory_space<semaphore_mem>>) src(%dma_wait3A_334 : memref<10240x64xf32, #tpu.memory_space<vmem_shared>>) dst(%dma_wait3A_328 : memref<128x64xf32, #tpu.memory_space<vmem>>)
      %sub3A_337 = arith.constant 1 : i32
      %sub3A_338 = arith.subi %add3A_288, %sub3A_337 : i32
      %dma_start3A_339 = arith.constant 1 : i32
      %dma_start3A_340 = arith.constant 1 : i32
      %dma_start3A_341 = arith.constant 1 : i32
      %dma_start3A_342 = arith.constant 0 : i32
      %dma_start3A_343 = arith.constant 0 : i32
      %dma_start3A_344 = tpu.memref_slice %arg7[%dma_start3A_339, %dma_start3A_342, %dma_start3A_343] : memref<2x128x64xf32, #tpu.memory_space<vmem>> -> memref<1x128x64xf32, #tpu.memory_space<vmem>>
      %dma_start3A_345 = tpu.memref_squeeze %dma_start3A_344 : memref<1x128x64xf32, #tpu.memory_space<vmem>> -> memref<128x64xf32, #tpu.memory_space<vmem>>
      %dma_start3A_346 = arith.constant 0 : i32
      %dma_start3A_347 = tpu.memref_slice %arg6[%dma_start3A_340, %sub3A_338, %dma_start3A_346] : memref<2x80x128xi32, #tpu.memory_space<vmem>> -> memref<1x1x128xi32, #tpu.memory_space<vmem>>
      %dma_start3A_348 = tpu.memref_squeeze %dma_start3A_347 : memref<1x1x128xi32, #tpu.memory_space<vmem>> -> memref<128xi32, #tpu.memory_space<vmem>>
      %dma_start3A_349 = arith.constant 0 : i32
      %dma_start3A_350 = arith.constant 0 : i32
      %dma_start3A_351 = tpu.memref_slice %arg9[%dma_start3A_349, %dma_start3A_350] : memref<10240x64xf32, #tpu.memory_space<vmem_shared>> -> memref<10240x64xf32, #tpu.memory_space<vmem_shared>>
      %dma_start3A_352 = tpu.memref_slice %arg11[%dma_start3A_341] : memref<2x!tpu.dma_semaphore, #tpu.memory_space<semaphore_mem>> -> memref<1x!tpu.dma_semaphore, #tpu.memory_space<semaphore_mem>>
      %dma_start3A_353 = tpu.memref_squeeze %dma_start3A_352 : memref<1x!tpu.dma_semaphore, #tpu.memory_space<semaphore_mem>> -> memref<!tpu.dma_semaphore, #tpu.memory_space<semaphore_mem>>
      tpu.enqueue_indirect_dma source(%dma_start3A_345 : memref<128x64xf32, #tpu.memory_space<vmem>>) target(%dma_start3A_351 : memref<10240x64xf32, #tpu.memory_space<vmem_shared>>) offsets(%dma_start3A_348 : memref<128xi32, #tpu.memory_space<vmem>>) semaphore(%dma_start3A_353 : memref<!tpu.dma_semaphore, #tpu.memory_space<semaphore_mem>>) {add = true}
      %add3A_354 = arith.constant 1 : i32
      %add3A_355 = arith.addi %add3A_286, %add3A_354 : i32
      %sub3A_356 = arith.constant 2 : i32
      %sub3A_357 = arith.subi %add3A_355, %sub3A_356 : i32
      %dma_wait3A_358 = arith.constant 1 : i32
      %dma_wait3A_359 = arith.constant 1 : i32
      %dma_wait3A_360 = arith.constant 1 : i32
      %dma_wait3A_361 = arith.constant 0 : i32
      %dma_wait3A_362 = arith.constant 0 : i32
      %dma_wait3A_363 = tpu.memref_slice %arg7[%dma_wait3A_358, %dma_wait3A_361, %dma_wait3A_362] : memref<2x128x64xf32, #tpu.memory_space<vmem>> -> memref<1x128x64xf32, #tpu.memory_space<vmem>>
      %dma_wait3A_364 = tpu.memref_squeeze %dma_wait3A_363 : memref<1x128x64xf32, #tpu.memory_space<vmem>> -> memref<128x64xf32, #tpu.memory_space<vmem>>
      %dma_wait3A_365 = arith.constant 0 : i32
      %dma_wait3A_366 = tpu.memref_slice %arg6[%dma_wait3A_359, %sub3A_357, %dma_wait3A_365] : memref<2x80x128xi32, #tpu.memory_space<vmem>> -> memref<1x1x128xi32, #tpu.memory_space<vmem>>
      %dma_wait3A_367 = tpu.memref_squeeze %dma_wait3A_366 : memref<1x1x128xi32, #tpu.memory_space<vmem>> -> memref<128xi32, #tpu.memory_space<vmem>>
      %dma_wait3A_368 = arith.constant 0 : i32
      %dma_wait3A_369 = arith.constant 0 : i32
      %dma_wait3A_370 = tpu.memref_slice %arg9[%dma_wait3A_368, %dma_wait3A_369] : memref<10240x64xf32, #tpu.memory_space<vmem_shared>> -> memref<10240x64xf32, #tpu.memory_space<vmem_shared>>
      %dma_wait3A_371 = tpu.memref_slice %arg11[%dma_wait3A_360] : memref<2x!tpu.dma_semaphore, #tpu.memory_space<semaphore_mem>> -> memref<1x!tpu.dma_semaphore, #tpu.memory_space<semaphore_mem>>
      %dma_wait3A_372 = tpu.memref_squeeze %dma_wait3A_371 : memref<1x!tpu.dma_semaphore, #tpu.memory_space<semaphore_mem>> -> memref<!tpu.dma_semaphore, #tpu.memory_space<semaphore_mem>>
      tpu.wait_indirect_dma semaphore(%dma_wait3A_372 : memref<!tpu.dma_semaphore, #tpu.memory_space<semaphore_mem>>) src(%dma_wait3A_364 : memref<128x64xf32, #tpu.memory_space<vmem>>) dst(%dma_wait3A_370 : memref<10240x64xf32, #tpu.memory_space<vmem_shared>>)
      %dma_start3A_373 = arith.constant 0 : i32
      %dma_start3A_374 = arith.constant 1 : i32
      %dma_start3A_375 = arith.constant 1 : i32
      %dma_start3A_376 = arith.constant 0 : i32
      %dma_start3A_377 = arith.constant 0 : i32
      %dma_start3A_378 = tpu.memref_slice %arg7[%dma_start3A_374, %dma_start3A_376, %dma_start3A_377] : memref<2x128x64xf32, #tpu.memory_space<vmem>> -> memref<1x128x64xf32, #tpu.memory_space<vmem>>
      %dma_start3A_379 = tpu.memref_squeeze %dma_start3A_378 : memref<1x128x64xf32, #tpu.memory_space<vmem>> -> memref<128x64xf32, #tpu.memory_space<vmem>>
      %dma_start3A_380 = arith.constant 0 : i32
      %dma_start3A_381 = tpu.memref_slice %arg6[%dma_start3A_373, %add3A_355, %dma_start3A_380] : memref<2x80x128xi32, #tpu.memory_space<vmem>> -> memref<1x1x128xi32, #tpu.memory_space<vmem>>
      %dma_start3A_382 = tpu.memref_squeeze %dma_start3A_381 : memref<1x1x128xi32, #tpu.memory_space<vmem>> -> memref<128xi32, #tpu.memory_space<vmem>>
      %dma_start3A_383 = arith.constant 0 : i32
      %dma_start3A_384 = arith.constant 0 : i32
      %dma_start3A_385 = tpu.memref_slice %arg8[%dma_start3A_383, %dma_start3A_384] : memref<10240x64xf32, #tpu.memory_space<vmem_shared>> -> memref<10240x64xf32, #tpu.memory_space<vmem_shared>>
      %dma_start3A_386 = tpu.memref_slice %arg10[%dma_start3A_375] : memref<2x!tpu.dma_semaphore, #tpu.memory_space<semaphore_mem>> -> memref<1x!tpu.dma_semaphore, #tpu.memory_space<semaphore_mem>>
      %dma_start3A_387 = tpu.memref_squeeze %dma_start3A_386 : memref<1x!tpu.dma_semaphore, #tpu.memory_space<semaphore_mem>> -> memref<!tpu.dma_semaphore, #tpu.memory_space<semaphore_mem>>
      tpu.enqueue_indirect_dma source(%dma_start3A_385 : memref<10240x64xf32, #tpu.memory_space<vmem_shared>>) target(%dma_start3A_379 : memref<128x64xf32, #tpu.memory_space<vmem>>) offsets(%dma_start3A_382 : memref<128xi32, #tpu.memory_space<vmem>>) semaphore(%dma_start3A_387 : memref<!tpu.dma_semaphore, #tpu.memory_space<semaphore_mem>>)
      %sub3A_388 = arith.constant 1 : i32
      %sub3A_389 = arith.subi %add3A_355, %sub3A_388 : i32
      %dma_wait3A_390 = arith.constant 0 : i32
      %dma_wait3A_391 = arith.constant 0 : i32
      %dma_wait3A_392 = arith.constant 0 : i32
      %dma_wait3A_393 = arith.constant 0 : i32
      %dma_wait3A_394 = arith.constant 0 : i32
      %dma_wait3A_395 = tpu.memref_slice %arg7[%dma_wait3A_391, %dma_wait3A_393, %dma_wait3A_394] : memref<2x128x64xf32, #tpu.memory_space<vmem>> -> memref<1x128x64xf32, #tpu.memory_space<vmem>>
      %dma_wait3A_396 = tpu.memref_squeeze %dma_wait3A_395 : memref<1x128x64xf32, #tpu.memory_space<vmem>> -> memref<128x64xf32, #tpu.memory_space<vmem>>
      %dma_wait3A_397 = arith.constant 0 : i32
      %dma_wait3A_398 = tpu.memref_slice %arg6[%dma_wait3A_390, %sub3A_389, %dma_wait3A_397] : memref<2x80x128xi32, #tpu.memory_space<vmem>> -> memref<1x1x128xi32, #tpu.memory_space<vmem>>
      %dma_wait3A_399 = tpu.memref_squeeze %dma_wait3A_398 : memref<1x1x128xi32, #tpu.memory_space<vmem>> -> memref<128xi32, #tpu.memory_space<vmem>>
      %dma_wait3A_400 = arith.constant 0 : i32
      %dma_wait3A_401 = arith.constant 0 : i32
      %dma_wait3A_402 = tpu.memref_slice %arg8[%dma_wait3A_400, %dma_wait3A_401] : memref<10240x64xf32, #tpu.memory_space<vmem_shared>> -> memref<10240x64xf32, #tpu.memory_space<vmem_shared>>
      %dma_wait3A_403 = tpu.memref_slice %arg10[%dma_wait3A_392] : memref<2x!tpu.dma_semaphore, #tpu.memory_space<semaphore_mem>> -> memref<1x!tpu.dma_semaphore, #tpu.memory_space<semaphore_mem>>
      %dma_wait3A_404 = tpu.memref_squeeze %dma_wait3A_403 : memref<1x!tpu.dma_semaphore, #tpu.memory_space<semaphore_mem>> -> memref<!tpu.dma_semaphore, #tpu.memory_space<semaphore_mem>>
      tpu.wait_indirect_dma semaphore(%dma_wait3A_404 : memref<!tpu.dma_semaphore, #tpu.memory_space<semaphore_mem>>) src(%dma_wait3A_402 : memref<10240x64xf32, #tpu.memory_space<vmem_shared>>) dst(%dma_wait3A_396 : memref<128x64xf32, #tpu.memory_space<vmem>>)
      %sub3A_405 = arith.constant 1 : i32
      %sub3A_406 = arith.subi %add3A_355, %sub3A_405 : i32
      %dma_start3A_407 = arith.constant 0 : i32
      %dma_start3A_408 = arith.constant 1 : i32
      %dma_start3A_409 = arith.constant 0 : i32
      %dma_start3A_410 = arith.constant 0 : i32
      %dma_start3A_411 = arith.constant 0 : i32
      %dma_start3A_412 = tpu.memref_slice %arg7[%dma_start3A_407, %dma_start3A_410, %dma_start3A_411] : memref<2x128x64xf32, #tpu.memory_space<vmem>> -> memref<1x128x64xf32, #tpu.memory_space<vmem>>
      %dma_start3A_413 = tpu.memref_squeeze %dma_start3A_412 : memref<1x128x64xf32, #tpu.memory_space<vmem>> -> memref<128x64xf32, #tpu.memory_space<vmem>>
      %dma_start3A_414 = arith.constant 0 : i32
      %dma_start3A_415 = tpu.memref_slice %arg6[%dma_start3A_408, %sub3A_406, %dma_start3A_414] : memref<2x80x128xi32, #tpu.memory_space<vmem>> -> memref<1x1x128xi32, #tpu.memory_space<vmem>>
      %dma_start3A_416 = tpu.memref_squeeze %dma_start3A_415 : memref<1x1x128xi32, #tpu.memory_space<vmem>> -> memref<128xi32, #tpu.memory_space<vmem>>
      %dma_start3A_417 = arith.constant 0 : i32
      %dma_start3A_418 = arith.constant 0 : i32
      %dma_start3A_419 = tpu.memref_slice %arg9[%dma_start3A_417, %dma_start3A_418] : memref<10240x64xf32, #tpu.memory_space<vmem_shared>> -> memref<10240x64xf32, #tpu.memory_space<vmem_shared>>
      %dma_start3A_420 = tpu.memref_slice %arg11[%dma_start3A_409] : memref<2x!tpu.dma_semaphore, #tpu.memory_space<semaphore_mem>> -> memref<1x!tpu.dma_semaphore, #tpu.memory_space<semaphore_mem>>
      %dma_start3A_421 = tpu.memref_squeeze %dma_start3A_420 : memref<1x!tpu.dma_semaphore, #tpu.memory_space<semaphore_mem>> -> memref<!tpu.dma_semaphore, #tpu.memory_space<semaphore_mem>>
      tpu.enqueue_indirect_dma source(%dma_start3A_413 : memref<128x64xf32, #tpu.memory_space<vmem>>) target(%dma_start3A_419 : memref<10240x64xf32, #tpu.memory_space<vmem_shared>>) offsets(%dma_start3A_416 : memref<128xi32, #tpu.memory_space<vmem>>) semaphore(%dma_start3A_421 : memref<!tpu.dma_semaphore, #tpu.memory_space<semaphore_mem>>) {add = true}
    }
    %scan3A_77 = arith.constant 39 : i32
    %dma_wait3A_78 = arith.constant 0 : i32
    %dma_wait3A_79 = arith.constant 79 : i32
    %dma_wait3A_80 = arith.constant 1 : i32
    %dma_wait3A_81 = arith.constant 1 : i32
    %dma_wait3A_82 = arith.constant 0 : i32
    %dma_wait3A_83 = arith.constant 0 : i32
    %dma_wait3A_84 = tpu.memref_slice %arg7[%dma_wait3A_80, %dma_wait3A_82, %dma_wait3A_83] : memref<2x128x64xf32, #tpu.memory_space<vmem>> -> memref<1x128x64xf32, #tpu.memory_space<vmem>>
    %dma_wait3A_85 = tpu.memref_squeeze %dma_wait3A_84 : memref<1x128x64xf32, #tpu.memory_space<vmem>> -> memref<128x64xf32, #tpu.memory_space<vmem>>
    %dma_wait3A_86 = arith.constant 0 : i32
    %dma_wait3A_87 = tpu.memref_slice %arg6[%dma_wait3A_78, %dma_wait3A_79, %dma_wait3A_86] : memref<2x80x128xi32, #tpu.memory_space<vmem>> -> memref<1x1x128xi32, #tpu.memory_space<vmem>>
    %dma_wait3A_88 = tpu.memref_squeeze %dma_wait3A_87 : memref<1x1x128xi32, #tpu.memory_space<vmem>> -> memref<128xi32, #tpu.memory_space<vmem>>
    %dma_wait3A_89 = arith.constant 0 : i32
    %dma_wait3A_90 = arith.constant 0 : i32
    %dma_wait3A_91 = tpu.memref_slice %arg8[%dma_wait3A_89, %dma_wait3A_90] : memref<10240x64xf32, #tpu.memory_space<vmem_shared>> -> memref<10240x64xf32, #tpu.memory_space<vmem_shared>>
    %dma_wait3A_92 = tpu.memref_slice %arg10[%dma_wait3A_81] : memref<2x!tpu.dma_semaphore, #tpu.memory_space<semaphore_mem>> -> memref<1x!tpu.dma_semaphore, #tpu.memory_space<semaphore_mem>>
    %dma_wait3A_93 = tpu.memref_squeeze %dma_wait3A_92 : memref<1x!tpu.dma_semaphore, #tpu.memory_space<semaphore_mem>> -> memref<!tpu.dma_semaphore, #tpu.memory_space<semaphore_mem>>
    tpu.wait_indirect_dma semaphore(%dma_wait3A_93 : memref<!tpu.dma_semaphore, #tpu.memory_space<semaphore_mem>>) src(%dma_wait3A_91 : memref<10240x64xf32, #tpu.memory_space<vmem_shared>>) dst(%dma_wait3A_85 : memref<128x64xf32, #tpu.memory_space<vmem>>)
    %dma_start3A_94 = arith.constant 1 : i32
    %dma_start3A_95 = arith.constant 1 : i32
    %dma_start3A_96 = arith.constant 79 : i32
    %dma_start3A_97 = arith.constant 1 : i32
    %dma_start3A_98 = arith.constant 0 : i32
    %dma_start3A_99 = arith.constant 0 : i32
    %dma_start3A_100 = tpu.memref_slice %arg7[%dma_start3A_94, %dma_start3A_98, %dma_start3A_99] : memref<2x128x64xf32, #tpu.memory_space<vmem>> -> memref<1x128x64xf32, #tpu.memory_space<vmem>>
    %dma_start3A_101 = tpu.memref_squeeze %dma_start3A_100 : memref<1x128x64xf32, #tpu.memory_space<vmem>> -> memref<128x64xf32, #tpu.memory_space<vmem>>
    %dma_start3A_102 = arith.constant 0 : i32
    %dma_start3A_103 = tpu.memref_slice %arg6[%dma_start3A_95, %dma_start3A_96, %dma_start3A_102] : memref<2x80x128xi32, #tpu.memory_space<vmem>> -> memref<1x1x128xi32, #tpu.memory_space<vmem>>
    %dma_start3A_104 = tpu.memref_squeeze %dma_start3A_103 : memref<1x1x128xi32, #tpu.memory_space<vmem>> -> memref<128xi32, #tpu.memory_space<vmem>>
    %dma_start3A_105 = arith.constant 0 : i32
    %dma_start3A_106 = arith.constant 0 : i32
    %dma_start3A_107 = tpu.memref_slice %arg9[%dma_start3A_105, %dma_start3A_106] : memref<10240x64xf32, #tpu.memory_space<vmem_shared>> -> memref<10240x64xf32, #tpu.memory_space<vmem_shared>>
    %dma_start3A_108 = tpu.memref_slice %arg11[%dma_start3A_97] : memref<2x!tpu.dma_semaphore, #tpu.memory_space<semaphore_mem>> -> memref<1x!tpu.dma_semaphore, #tpu.memory_space<semaphore_mem>>
    %dma_start3A_109 = tpu.memref_squeeze %dma_start3A_108 : memref<1x!tpu.dma_semaphore, #tpu.memory_space<semaphore_mem>> -> memref<!tpu.dma_semaphore, #tpu.memory_space<semaphore_mem>>
    tpu.enqueue_indirect_dma source(%dma_start3A_101 : memref<128x64xf32, #tpu.memory_space<vmem>>) target(%dma_start3A_107 : memref<10240x64xf32, #tpu.memory_space<vmem_shared>>) offsets(%dma_start3A_104 : memref<128xi32, #tpu.memory_space<vmem>>) semaphore(%dma_start3A_109 : memref<!tpu.dma_semaphore, #tpu.memory_space<semaphore_mem>>) {add = true}
    %dma_wait3A_110 = arith.constant 0 : i32
    %dma_wait3A_111 = arith.constant 1 : i32
    %dma_wait3A_112 = arith.constant 78 : i32
    %dma_wait3A_113 = arith.constant 0 : i32
    %dma_wait3A_114 = arith.constant 0 : i32
    %dma_wait3A_115 = arith.constant 0 : i32
    %dma_wait3A_116 = tpu.memref_slice %arg7[%dma_wait3A_110, %dma_wait3A_114, %dma_wait3A_115] : memref<2x128x64xf32, #tpu.memory_space<vmem>> -> memref<1x128x64xf32, #tpu.memory_space<vmem>>
    %dma_wait3A_117 = tpu.memref_squeeze %dma_wait3A_116 : memref<1x128x64xf32, #tpu.memory_space<vmem>> -> memref<128x64xf32, #tpu.memory_space<vmem>>
    %dma_wait3A_118 = arith.constant 0 : i32
    %dma_wait3A_119 = tpu.memref_slice %arg6[%dma_wait3A_111, %dma_wait3A_112, %dma_wait3A_118] : memref<2x80x128xi32, #tpu.memory_space<vmem>> -> memref<1x1x128xi32, #tpu.memory_space<vmem>>
    %dma_wait3A_120 = tpu.memref_squeeze %dma_wait3A_119 : memref<1x1x128xi32, #tpu.memory_space<vmem>> -> memref<128xi32, #tpu.memory_space<vmem>>
    %dma_wait3A_121 = arith.constant 0 : i32
    %dma_wait3A_122 = arith.constant 0 : i32
    %dma_wait3A_123 = tpu.memref_slice %arg9[%dma_wait3A_121, %dma_wait3A_122] : memref<10240x64xf32, #tpu.memory_space<vmem_shared>> -> memref<10240x64xf32, #tpu.memory_space<vmem_shared>>
    %dma_wait3A_124 = tpu.memref_slice %arg11[%dma_wait3A_113] : memref<2x!tpu.dma_semaphore, #tpu.memory_space<semaphore_mem>> -> memref<1x!tpu.dma_semaphore, #tpu.memory_space<semaphore_mem>>
    %dma_wait3A_125 = tpu.memref_squeeze %dma_wait3A_124 : memref<1x!tpu.dma_semaphore, #tpu.memory_space<semaphore_mem>> -> memref<!tpu.dma_semaphore, #tpu.memory_space<semaphore_mem>>
    tpu.wait_indirect_dma semaphore(%dma_wait3A_125 : memref<!tpu.dma_semaphore, #tpu.memory_space<semaphore_mem>>) src(%dma_wait3A_117 : memref<128x64xf32, #tpu.memory_space<vmem>>) dst(%dma_wait3A_123 : memref<10240x64xf32, #tpu.memory_space<vmem_shared>>)
    %dma_wait3A_126 = arith.constant 1 : i32
    %dma_wait3A_127 = arith.constant 1 : i32
    %dma_wait3A_128 = arith.constant 79 : i32
    %dma_wait3A_129 = arith.constant 1 : i32
    %dma_wait3A_130 = arith.constant 0 : i32
    %dma_wait3A_131 = arith.constant 0 : i32
    %dma_wait3A_132 = tpu.memref_slice %arg7[%dma_wait3A_126, %dma_wait3A_130, %dma_wait3A_131] : memref<2x128x64xf32, #tpu.memory_space<vmem>> -> memref<1x128x64xf32, #tpu.memory_space<vmem>>
    %dma_wait3A_133 = tpu.memref_squeeze %dma_wait3A_132 : memref<1x128x64xf32, #tpu.memory_space<vmem>> -> memref<128x64xf32, #tpu.memory_space<vmem>>
    %dma_wait3A_134 = arith.constant 0 : i32
    %dma_wait3A_135 = tpu.memref_slice %arg6[%dma_wait3A_127, %dma_wait3A_128, %dma_wait3A_134] : memref<2x80x128xi32, #tpu.memory_space<vmem>> -> memref<1x1x128xi32, #tpu.memory_space<vmem>>
    %dma_wait3A_136 = tpu.memref_squeeze %dma_wait3A_135 : memref<1x1x128xi32, #tpu.memory_space<vmem>> -> memref<128xi32, #tpu.memory_space<vmem>>
    %dma_wait3A_137 = arith.constant 0 : i32
    %dma_wait3A_138 = arith.constant 0 : i32
    %dma_wait3A_139 = tpu.memref_slice %arg9[%dma_wait3A_137, %dma_wait3A_138] : memref<10240x64xf32, #tpu.memory_space<vmem_shared>> -> memref<10240x64xf32, #tpu.memory_space<vmem_shared>>
    %dma_wait3A_140 = tpu.memref_slice %arg11[%dma_wait3A_129] : memref<2x!tpu.dma_semaphore, #tpu.memory_space<semaphore_mem>> -> memref<1x!tpu.dma_semaphore, #tpu.memory_space<semaphore_mem>>
    %dma_wait3A_141 = tpu.memref_squeeze %dma_wait3A_140 : memref<1x!tpu.dma_semaphore, #tpu.memory_space<semaphore_mem>> -> memref<!tpu.dma_semaphore, #tpu.memory_space<semaphore_mem>>
    tpu.wait_indirect_dma semaphore(%dma_wait3A_141 : memref<!tpu.dma_semaphore, #tpu.memory_space<semaphore_mem>>) src(%dma_wait3A_133 : memref<128x64xf32, #tpu.memory_space<vmem>>) dst(%dma_wait3A_139 : memref<10240x64xf32, #tpu.memory_space<vmem_shared>>)
    %run_scoped3A_142 = arith.constant 1 : i32
    "tpu.region"() ({
      %run_scoped3A_282 = tpu.sem_alloc : memref<!tpu.dma_semaphore, #tpu.memory_space<semaphore_mem>>
      %dma_start3A_283 = arith.constant 0 : i32
      %dma_start3A_284 = arith.constant 0 : i32
      %dma_start3A_285 = arith.constant 0 : i32
      %dma_start3A_286 = tpu.memref_slice %arg3[%arg1, %run_scoped3A_142, %dma_start3A_283, %dma_start3A_284, %dma_start3A_285] : memref<16x2x2x80x128xi32, #tpu.memory_space<hbm>> -> memref<1x1x2x80x128xi32, #tpu.memory_space<hbm>>
      %dma_start3A_287 = tpu.memref_squeeze %dma_start3A_286 : memref<1x1x2x80x128xi32, #tpu.memory_space<hbm>> -> memref<2x80x128xi32, #tpu.memory_space<hbm>>
      %dma_start3A_288 = arith.constant 0 : i32
      %dma_start3A_289 = arith.constant 0 : i32
      %dma_start3A_290 = arith.constant 0 : i32
      %dma_start3A_291 = tpu.memref_slice %arg3[%arg1, %run_scoped3A_142, %dma_start3A_288, %dma_start3A_289, %dma_start3A_290] : memref<16x2x2x80x128xi32, #tpu.memory_space<hbm>> -> memref<1x1x2x80x128xi32, #tpu.memory_space<hbm>>
      %dma_start3A_292 = tpu.memref_squeeze %dma_start3A_291 : memref<1x1x2x80x128xi32, #tpu.memory_space<hbm>> -> memref<2x80x128xi32, #tpu.memory_space<hbm>>
      tpu.enqueue_dma source(%dma_start3A_292 : memref<2x80x128xi32, #tpu.memory_space<hbm>>) target(%arg6 : memref<2x80x128xi32, #tpu.memory_space<vmem>>) target_semaphore(%run_scoped3A_282 : memref<!tpu.dma_semaphore, #tpu.memory_space<semaphore_mem>>)
      %dma_wait3A_293 = arith.constant 0 : i32
      %dma_wait3A_294 = arith.constant 0 : i32
      %dma_wait3A_295 = arith.constant 0 : i32
      %dma_wait3A_296 = tpu.memref_slice %arg3[%arg1, %run_scoped3A_142, %dma_wait3A_293, %dma_wait3A_294, %dma_wait3A_295] : memref<16x2x2x80x128xi32, #tpu.memory_space<hbm>> -> memref<1x1x2x80x128xi32, #tpu.memory_space<hbm>>
      %dma_wait3A_297 = tpu.memref_squeeze %dma_wait3A_296 : memref<1x1x2x80x128xi32, #tpu.memory_space<hbm>> -> memref<2x80x128xi32, #tpu.memory_space<hbm>>
      %dma_wait3A_298 = arith.constant 0 : i32
      %dma_wait3A_299 = arith.constant 0 : i32
      %dma_wait3A_300 = arith.constant 0 : i32
      %dma_wait3A_301 = tpu.memref_slice %arg3[%arg1, %run_scoped3A_142, %dma_wait3A_298, %dma_wait3A_299, %dma_wait3A_300] : memref<16x2x2x80x128xi32, #tpu.memory_space<hbm>> -> memref<1x1x2x80x128xi32, #tpu.memory_space<hbm>>
      %dma_wait3A_302 = tpu.memref_squeeze %dma_wait3A_301 : memref<1x1x2x80x128xi32, #tpu.memory_space<hbm>> -> memref<2x80x128xi32, #tpu.memory_space<hbm>>
      tpu.wait_dma2 semaphore(%run_scoped3A_282 : memref<!tpu.dma_semaphore, #tpu.memory_space<semaphore_mem>>) src(%dma_wait3A_302 : memref<2x80x128xi32, #tpu.memory_space<hbm>>) dst(%arg6 : memref<2x80x128xi32, #tpu.memory_space<vmem>>)
      tpu.yield
    }) : () -> ()
    %dma_start3A_143 = arith.constant 0 : i32
    %dma_start3A_144 = arith.constant 0 : i32
    %dma_start3A_145 = arith.constant 0 : i32
    %dma_start3A_146 = arith.constant 0 : i32
    %dma_start3A_147 = arith.constant 0 : i32
    %dma_start3A_148 = arith.constant 0 : i32
    %dma_start3A_149 = tpu.memref_slice %arg7[%dma_start3A_145, %dma_start3A_147, %dma_start3A_148] : memref<2x128x64xf32, #tpu.memory_space<vmem>> -> memref<1x128x64xf32, #tpu.memory_space<vmem>>
    %dma_start3A_150 = tpu.memref_squeeze %dma_start3A_149 : memref<1x128x64xf32, #tpu.memory_space<vmem>> -> memref<128x64xf32, #tpu.memory_space<vmem>>
    %dma_start3A_151 = arith.constant 0 : i32
    %dma_start3A_152 = tpu.memref_slice %arg6[%dma_start3A_143, %dma_start3A_144, %dma_start3A_151] : memref<2x80x128xi32, #tpu.memory_space<vmem>> -> memref<1x1x128xi32, #tpu.memory_space<vmem>>
    %dma_start3A_153 = tpu.memref_squeeze %dma_start3A_152 : memref<1x1x128xi32, #tpu.memory_space<vmem>> -> memref<128xi32, #tpu.memory_space<vmem>>
    %dma_start3A_154 = arith.constant 0 : i32
    %dma_start3A_155 = arith.constant 0 : i32
    %dma_start3A_156 = tpu.memref_slice %arg8[%dma_start3A_154, %dma_start3A_155] : memref<10240x64xf32, #tpu.memory_space<vmem_shared>> -> memref<10240x64xf32, #tpu.memory_space<vmem_shared>>
    %dma_start3A_157 = tpu.memref_slice %arg10[%dma_start3A_146] : memref<2x!tpu.dma_semaphore, #tpu.memory_space<semaphore_mem>> -> memref<1x!tpu.dma_semaphore, #tpu.memory_space<semaphore_mem>>
    %dma_start3A_158 = tpu.memref_squeeze %dma_start3A_157 : memref<1x!tpu.dma_semaphore, #tpu.memory_space<semaphore_mem>> -> memref<!tpu.dma_semaphore, #tpu.memory_space<semaphore_mem>>
    tpu.enqueue_indirect_dma source(%dma_start3A_156 : memref<10240x64xf32, #tpu.memory_space<vmem_shared>>) target(%dma_start3A_150 : memref<128x64xf32, #tpu.memory_space<vmem>>) offsets(%dma_start3A_153 : memref<128xi32, #tpu.memory_space<vmem>>) semaphore(%dma_start3A_158 : memref<!tpu.dma_semaphore, #tpu.memory_space<semaphore_mem>>)
    %dma_start3A_159 = arith.constant 0 : i32
    %dma_start3A_160 = arith.constant 1 : i32
    %dma_start3A_161 = arith.constant 1 : i32
    %dma_start3A_162 = arith.constant 1 : i32
    %dma_start3A_163 = arith.constant 0 : i32
    %dma_start3A_164 = arith.constant 0 : i32
    %dma_start3A_165 = tpu.memref_slice %arg7[%dma_start3A_161, %dma_start3A_163, %dma_start3A_164] : memref<2x128x64xf32, #tpu.memory_space<vmem>> -> memref<1x128x64xf32, #tpu.memory_space<vmem>>
    %dma_start3A_166 = tpu.memref_squeeze %dma_start3A_165 : memref<1x128x64xf32, #tpu.memory_space<vmem>> -> memref<128x64xf32, #tpu.memory_space<vmem>>
    %dma_start3A_167 = arith.constant 0 : i32
    %dma_start3A_168 = tpu.memref_slice %arg6[%dma_start3A_159, %dma_start3A_160, %dma_start3A_167] : memref<2x80x128xi32, #tpu.memory_space<vmem>> -> memref<1x1x128xi32, #tpu.memory_space<vmem>>
    %dma_start3A_169 = tpu.memref_squeeze %dma_start3A_168 : memref<1x1x128xi32, #tpu.memory_space<vmem>> -> memref<128xi32, #tpu.memory_space<vmem>>
    %dma_start3A_170 = arith.constant 0 : i32
    %dma_start3A_171 = arith.constant 0 : i32
    %dma_start3A_172 = tpu.memref_slice %arg8[%dma_start3A_170, %dma_start3A_171] : memref<10240x64xf32, #tpu.memory_space<vmem_shared>> -> memref<10240x64xf32, #tpu.memory_space<vmem_shared>>
    %dma_start3A_173 = tpu.memref_slice %arg10[%dma_start3A_162] : memref<2x!tpu.dma_semaphore, #tpu.memory_space<semaphore_mem>> -> memref<1x!tpu.dma_semaphore, #tpu.memory_space<semaphore_mem>>
    %dma_start3A_174 = tpu.memref_squeeze %dma_start3A_173 : memref<1x!tpu.dma_semaphore, #tpu.memory_space<semaphore_mem>> -> memref<!tpu.dma_semaphore, #tpu.memory_space<semaphore_mem>>
    tpu.enqueue_indirect_dma source(%dma_start3A_172 : memref<10240x64xf32, #tpu.memory_space<vmem_shared>>) target(%dma_start3A_166 : memref<128x64xf32, #tpu.memory_space<vmem>>) offsets(%dma_start3A_169 : memref<128xi32, #tpu.memory_space<vmem>>) semaphore(%dma_start3A_174 : memref<!tpu.dma_semaphore, #tpu.memory_space<semaphore_mem>>)
    %dma_wait3A_175 = arith.constant 0 : i32
    %dma_wait3A_176 = arith.constant 0 : i32
    %dma_wait3A_177 = arith.constant 0 : i32
    %dma_wait3A_178 = arith.constant 0 : i32
    %dma_wait3A_179 = arith.constant 0 : i32
    %dma_wait3A_180 = arith.constant 0 : i32
    %dma_wait3A_181 = tpu.memref_slice %arg7[%dma_wait3A_177, %dma_wait3A_179, %dma_wait3A_180] : memref<2x128x64xf32, #tpu.memory_space<vmem>> -> memref<1x128x64xf32, #tpu.memory_space<vmem>>
    %dma_wait3A_182 = tpu.memref_squeeze %dma_wait3A_181 : memref<1x128x64xf32, #tpu.memory_space<vmem>> -> memref<128x64xf32, #tpu.memory_space<vmem>>
    %dma_wait3A_183 = arith.constant 0 : i32
    %dma_wait3A_184 = tpu.memref_slice %arg6[%dma_wait3A_175, %dma_wait3A_176, %dma_wait3A_183] : memref<2x80x128xi32, #tpu.memory_space<vmem>> -> memref<1x1x128xi32, #tpu.memory_space<vmem>>
    %dma_wait3A_185 = tpu.memref_squeeze %dma_wait3A_184 : memref<1x1x128xi32, #tpu.memory_space<vmem>> -> memref<128xi32, #tpu.memory_space<vmem>>
    %dma_wait3A_186 = arith.constant 0 : i32
    %dma_wait3A_187 = arith.constant 0 : i32
    %dma_wait3A_188 = tpu.memref_slice %arg8[%dma_wait3A_186, %dma_wait3A_187] : memref<10240x64xf32, #tpu.memory_space<vmem_shared>> -> memref<10240x64xf32, #tpu.memory_space<vmem_shared>>
    %dma_wait3A_189 = tpu.memref_slice %arg10[%dma_wait3A_178] : memref<2x!tpu.dma_semaphore, #tpu.memory_space<semaphore_mem>> -> memref<1x!tpu.dma_semaphore, #tpu.memory_space<semaphore_mem>>
    %dma_wait3A_190 = tpu.memref_squeeze %dma_wait3A_189 : memref<1x!tpu.dma_semaphore, #tpu.memory_space<semaphore_mem>> -> memref<!tpu.dma_semaphore, #tpu.memory_space<semaphore_mem>>
    tpu.wait_indirect_dma semaphore(%dma_wait3A_190 : memref<!tpu.dma_semaphore, #tpu.memory_space<semaphore_mem>>) src(%dma_wait3A_188 : memref<10240x64xf32, #tpu.memory_space<vmem_shared>>) dst(%dma_wait3A_182 : memref<128x64xf32, #tpu.memory_space<vmem>>)
    %dma_start3A_191 = arith.constant 0 : i32
    %dma_start3A_192 = arith.constant 1 : i32
    %dma_start3A_193 = arith.constant 0 : i32
    %dma_start3A_194 = arith.constant 0 : i32
    %dma_start3A_195 = arith.constant 0 : i32
    %dma_start3A_196 = arith.constant 0 : i32
    %dma_start3A_197 = tpu.memref_slice %arg7[%dma_start3A_191, %dma_start3A_195, %dma_start3A_196] : memref<2x128x64xf32, #tpu.memory_space<vmem>> -> memref<1x128x64xf32, #tpu.memory_space<vmem>>
    %dma_start3A_198 = tpu.memref_squeeze %dma_start3A_197 : memref<1x128x64xf32, #tpu.memory_space<vmem>> -> memref<128x64xf32, #tpu.memory_space<vmem>>
    %dma_start3A_199 = arith.constant 0 : i32
    %dma_start3A_200 = tpu.memref_slice %arg6[%dma_start3A_192, %dma_start3A_193, %dma_start3A_199] : memref<2x80x128xi32, #tpu.memory_space<vmem>> -> memref<1x1x128xi32, #tpu.memory_space<vmem>>
    %dma_start3A_201 = tpu.memref_squeeze %dma_start3A_200 : memref<1x1x128xi32, #tpu.memory_space<vmem>> -> memref<128xi32, #tpu.memory_space<vmem>>
    %dma_start3A_202 = arith.constant 0 : i32
    %dma_start3A_203 = arith.constant 0 : i32
    %dma_start3A_204 = tpu.memref_slice %arg9[%dma_start3A_202, %dma_start3A_203] : memref<10240x64xf32, #tpu.memory_space<vmem_shared>> -> memref<10240x64xf32, #tpu.memory_space<vmem_shared>>
    %dma_start3A_205 = tpu.memref_slice %arg11[%dma_start3A_194] : memref<2x!tpu.dma_semaphore, #tpu.memory_space<semaphore_mem>> -> memref<1x!tpu.dma_semaphore, #tpu.memory_space<semaphore_mem>>
    %dma_start3A_206 = tpu.memref_squeeze %dma_start3A_205 : memref<1x!tpu.dma_semaphore, #tpu.memory_space<semaphore_mem>> -> memref<!tpu.dma_semaphore, #tpu.memory_space<semaphore_mem>>
    tpu.enqueue_indirect_dma source(%dma_start3A_198 : memref<128x64xf32, #tpu.memory_space<vmem>>) target(%dma_start3A_204 : memref<10240x64xf32, #tpu.memory_space<vmem_shared>>) offsets(%dma_start3A_201 : memref<128xi32, #tpu.memory_space<vmem>>) semaphore(%dma_start3A_206 : memref<!tpu.dma_semaphore, #tpu.memory_space<semaphore_mem>>) {add = true}
    %scan3A_207 = arith.constant 0 : i32
    %scan3A_208 = arith.constant 0 : i32
    %scan3A_209 = arith.constant 39 : i32
    %scan3A_210 = arith.addi %scan3A_208, %scan3A_209 : i32
    %scan3A_211 = arith.constant 1 : i32
    scf.for %scan3A_282 = %scan3A_208 to %scan3A_210 step %scan3A_211  : i32 {
      %mul3A_283 = arith.constant 2 : i32
      %mul3A_284 = arith.muli %scan3A_282, %mul3A_283 : i32
      %add3A_285 = arith.constant 2 : i32
      %add3A_286 = arith.addi %add3A_285, %mul3A_284 : i32
      %add3A_287 = arith.constant 0 : i32
      %add3A_288 = arith.addi %add3A_286, %add3A_287 : i32
      %sub3A = arith.constant 2 : i32
      %sub3A_289 = arith.subi %add3A_288, %sub3A : i32
      %dma_wait3A_290 = arith.constant 0 : i32
      %dma_wait3A_291 = arith.constant 1 : i32
      %dma_wait3A_292 = arith.constant 0 : i32
      %dma_wait3A_293 = arith.constant 0 : i32
      %dma_wait3A_294 = arith.constant 0 : i32
      %dma_wait3A_295 = tpu.memref_slice %arg7[%dma_wait3A_290, %dma_wait3A_293, %dma_wait3A_294] : memref<2x128x64xf32, #tpu.memory_space<vmem>> -> memref<1x128x64xf32, #tpu.memory_space<vmem>>
      %dma_wait3A_296 = tpu.memref_squeeze %dma_wait3A_295 : memref<1x128x64xf32, #tpu.memory_space<vmem>> -> memref<128x64xf32, #tpu.memory_space<vmem>>
      %dma_wait3A_297 = arith.constant 0 : i32
      %dma_wait3A_298 = tpu.memref_slice %arg6[%dma_wait3A_291, %sub3A_289, %dma_wait3A_297] : memref<2x80x128xi32, #tpu.memory_space<vmem>> -> memref<1x1x128xi32, #tpu.memory_space<vmem>>
      %dma_wait3A_299 = tpu.memref_squeeze %dma_wait3A_298 : memref<1x1x128xi32, #tpu.memory_space<vmem>> -> memref<128xi32, #tpu.memory_space<vmem>>
      %dma_wait3A_300 = arith.constant 0 : i32
      %dma_wait3A_301 = arith.constant 0 : i32
      %dma_wait3A_302 = tpu.memref_slice %arg9[%dma_wait3A_300, %dma_wait3A_301] : memref<10240x64xf32, #tpu.memory_space<vmem_shared>> -> memref<10240x64xf32, #tpu.memory_space<vmem_shared>>
      %dma_wait3A_303 = tpu.memref_slice %arg11[%dma_wait3A_292] : memref<2x!tpu.dma_semaphore, #tpu.memory_space<semaphore_mem>> -> memref<1x!tpu.dma_semaphore, #tpu.memory_space<semaphore_mem>>
      %dma_wait3A_304 = tpu.memref_squeeze %dma_wait3A_303 : memref<1x!tpu.dma_semaphore, #tpu.memory_space<semaphore_mem>> -> memref<!tpu.dma_semaphore, #tpu.memory_space<semaphore_mem>>
      tpu.wait_indirect_dma semaphore(%dma_wait3A_304 : memref<!tpu.dma_semaphore, #tpu.memory_space<semaphore_mem>>) src(%dma_wait3A_296 : memref<128x64xf32, #tpu.memory_space<vmem>>) dst(%dma_wait3A_302 : memref<10240x64xf32, #tpu.memory_space<vmem_shared>>)
      %dma_start3A_305 = arith.constant 0 : i32
      %dma_start3A_306 = arith.constant 0 : i32
      %dma_start3A_307 = arith.constant 0 : i32
      %dma_start3A_308 = arith.constant 0 : i32
      %dma_start3A_309 = arith.constant 0 : i32
      %dma_start3A_310 = tpu.memref_slice %arg7[%dma_start3A_306, %dma_start3A_308, %dma_start3A_309] : memref<2x128x64xf32, #tpu.memory_space<vmem>> -> memref<1x128x64xf32, #tpu.memory_space<vmem>>
      %dma_start3A_311 = tpu.memref_squeeze %dma_start3A_310 : memref<1x128x64xf32, #tpu.memory_space<vmem>> -> memref<128x64xf32, #tpu.memory_space<vmem>>
      %dma_start3A_312 = arith.constant 0 : i32
      %dma_start3A_313 = tpu.memref_slice %arg6[%dma_start3A_305, %add3A_288, %dma_start3A_312] : memref<2x80x128xi32, #tpu.memory_space<vmem>> -> memref<1x1x128xi32, #tpu.memory_space<vmem>>
      %dma_start3A_314 = tpu.memref_squeeze %dma_start3A_313 : memref<1x1x128xi32, #tpu.memory_space<vmem>> -> memref<128xi32, #tpu.memory_space<vmem>>
      %dma_start3A_315 = arith.constant 0 : i32
      %dma_start3A_316 = arith.constant 0 : i32
      %dma_start3A_317 = tpu.memref_slice %arg8[%dma_start3A_315, %dma_start3A_316] : memref<10240x64xf32, #tpu.memory_space<vmem_shared>> -> memref<10240x64xf32, #tpu.memory_space<vmem_shared>>
      %dma_start3A_318 = tpu.memref_slice %arg10[%dma_start3A_307] : memref<2x!tpu.dma_semaphore, #tpu.memory_space<semaphore_mem>> -> memref<1x!tpu.dma_semaphore, #tpu.memory_space<semaphore_mem>>
      %dma_start3A_319 = tpu.memref_squeeze %dma_start3A_318 : memref<1x!tpu.dma_semaphore, #tpu.memory_space<semaphore_mem>> -> memref<!tpu.dma_semaphore, #tpu.memory_space<semaphore_mem>>
      tpu.enqueue_indirect_dma source(%dma_start3A_317 : memref<10240x64xf32, #tpu.memory_space<vmem_shared>>) target(%dma_start3A_311 : memref<128x64xf32, #tpu.memory_space<vmem>>) offsets(%dma_start3A_314 : memref<128xi32, #tpu.memory_space<vmem>>) semaphore(%dma_start3A_319 : memref<!tpu.dma_semaphore, #tpu.memory_space<semaphore_mem>>)
      %sub3A_320 = arith.constant 1 : i32
      %sub3A_321 = arith.subi %add3A_288, %sub3A_320 : i32
      %dma_wait3A_322 = arith.constant 0 : i32
      %dma_wait3A_323 = arith.constant 1 : i32
      %dma_wait3A_324 = arith.constant 1 : i32
      %dma_wait3A_325 = arith.constant 0 : i32
      %dma_wait3A_326 = arith.constant 0 : i32
      %dma_wait3A_327 = tpu.memref_slice %arg7[%dma_wait3A_323, %dma_wait3A_325, %dma_wait3A_326] : memref<2x128x64xf32, #tpu.memory_space<vmem>> -> memref<1x128x64xf32, #tpu.memory_space<vmem>>
      %dma_wait3A_328 = tpu.memref_squeeze %dma_wait3A_327 : memref<1x128x64xf32, #tpu.memory_space<vmem>> -> memref<128x64xf32, #tpu.memory_space<vmem>>
      %dma_wait3A_329 = arith.constant 0 : i32
      %dma_wait3A_330 = tpu.memref_slice %arg6[%dma_wait3A_322, %sub3A_321, %dma_wait3A_329] : memref<2x80x128xi32, #tpu.memory_space<vmem>> -> memref<1x1x128xi32, #tpu.memory_space<vmem>>
      %dma_wait3A_331 = tpu.memref_squeeze %dma_wait3A_330 : memref<1x1x128xi32, #tpu.memory_space<vmem>> -> memref<128xi32, #tpu.memory_space<vmem>>
      %dma_wait3A_332 = arith.constant 0 : i32
      %dma_wait3A_333 = arith.constant 0 : i32
      %dma_wait3A_334 = tpu.memref_slice %arg8[%dma_wait3A_332, %dma_wait3A_333] : memref<10240x64xf32, #tpu.memory_space<vmem_shared>> -> memref<10240x64xf32, #tpu.memory_space<vmem_shared>>
      %dma_wait3A_335 = tpu.memref_slice %arg10[%dma_wait3A_324] : memref<2x!tpu.dma_semaphore, #tpu.memory_space<semaphore_mem>> -> memref<1x!tpu.dma_semaphore, #tpu.memory_space<semaphore_mem>>
      %dma_wait3A_336 = tpu.memref_squeeze %dma_wait3A_335 : memref<1x!tpu.dma_semaphore, #tpu.memory_space<semaphore_mem>> -> memref<!tpu.dma_semaphore, #tpu.memory_space<semaphore_mem>>
      tpu.wait_indirect_dma semaphore(%dma_wait3A_336 : memref<!tpu.dma_semaphore, #tpu.memory_space<semaphore_mem>>) src(%dma_wait3A_334 : memref<10240x64xf32, #tpu.memory_space<vmem_shared>>) dst(%dma_wait3A_328 : memref<128x64xf32, #tpu.memory_space<vmem>>)
      %sub3A_337 = arith.constant 1 : i32
      %sub3A_338 = arith.subi %add3A_288, %sub3A_337 : i32
      %dma_start3A_339 = arith.constant 1 : i32
      %dma_start3A_340 = arith.constant 1 : i32
      %dma_start3A_341 = arith.constant 1 : i32
      %dma_start3A_342 = arith.constant 0 : i32
      %dma_start3A_343 = arith.constant 0 : i32
      %dma_start3A_344 = tpu.memref_slice %arg7[%dma_start3A_339, %dma_start3A_342, %dma_start3A_343] : memref<2x128x64xf32, #tpu.memory_space<vmem>> -> memref<1x128x64xf32, #tpu.memory_space<vmem>>
      %dma_start3A_345 = tpu.memref_squeeze %dma_start3A_344 : memref<1x128x64xf32, #tpu.memory_space<vmem>> -> memref<128x64xf32, #tpu.memory_space<vmem>>
      %dma_start3A_346 = arith.constant 0 : i32
      %dma_start3A_347 = tpu.memref_slice %arg6[%dma_start3A_340, %sub3A_338, %dma_start3A_346] : memref<2x80x128xi32, #tpu.memory_space<vmem>> -> memref<1x1x128xi32, #tpu.memory_space<vmem>>
      %dma_start3A_348 = tpu.memref_squeeze %dma_start3A_347 : memref<1x1x128xi32, #tpu.memory_space<vmem>> -> memref<128xi32, #tpu.memory_space<vmem>>
      %dma_start3A_349 = arith.constant 0 : i32
      %dma_start3A_350 = arith.constant 0 : i32
      %dma_start3A_351 = tpu.memref_slice %arg9[%dma_start3A_349, %dma_start3A_350] : memref<10240x64xf32, #tpu.memory_space<vmem_shared>> -> memref<10240x64xf32, #tpu.memory_space<vmem_shared>>
      %dma_start3A_352 = tpu.memref_slice %arg11[%dma_start3A_341] : memref<2x!tpu.dma_semaphore, #tpu.memory_space<semaphore_mem>> -> memref<1x!tpu.dma_semaphore, #tpu.memory_space<semaphore_mem>>
      %dma_start3A_353 = tpu.memref_squeeze %dma_start3A_352 : memref<1x!tpu.dma_semaphore, #tpu.memory_space<semaphore_mem>> -> memref<!tpu.dma_semaphore, #tpu.memory_space<semaphore_mem>>
      tpu.enqueue_indirect_dma source(%dma_start3A_345 : memref<128x64xf32, #tpu.memory_space<vmem>>) target(%dma_start3A_351 : memref<10240x64xf32, #tpu.memory_space<vmem_shared>>) offsets(%dma_start3A_348 : memref<128xi32, #tpu.memory_space<vmem>>) semaphore(%dma_start3A_353 : memref<!tpu.dma_semaphore, #tpu.memory_space<semaphore_mem>>) {add = true}
      %add3A_354 = arith.constant 1 : i32
      %add3A_355 = arith.addi %add3A_286, %add3A_354 : i32
      %sub3A_356 = arith.constant 2 : i32
      %sub3A_357 = arith.subi %add3A_355, %sub3A_356 : i32
      %dma_wait3A_358 = arith.constant 1 : i32
      %dma_wait3A_359 = arith.constant 1 : i32
      %dma_wait3A_360 = arith.constant 1 : i32
      %dma_wait3A_361 = arith.constant 0 : i32
      %dma_wait3A_362 = arith.constant 0 : i32
      %dma_wait3A_363 = tpu.memref_slice %arg7[%dma_wait3A_358, %dma_wait3A_361, %dma_wait3A_362] : memref<2x128x64xf32, #tpu.memory_space<vmem>> -> memref<1x128x64xf32, #tpu.memory_space<vmem>>
      %dma_wait3A_364 = tpu.memref_squeeze %dma_wait3A_363 : memref<1x128x64xf32, #tpu.memory_space<vmem>> -> memref<128x64xf32, #tpu.memory_space<vmem>>
      %dma_wait3A_365 = arith.constant 0 : i32
      %dma_wait3A_366 = tpu.memref_slice %arg6[%dma_wait3A_359, %sub3A_357, %dma_wait3A_365] : memref<2x80x128xi32, #tpu.memory_space<vmem>> -> memref<1x1x128xi32, #tpu.memory_space<vmem>>
      %dma_wait3A_367 = tpu.memref_squeeze %dma_wait3A_366 : memref<1x1x128xi32, #tpu.memory_space<vmem>> -> memref<128xi32, #tpu.memory_space<vmem>>
      %dma_wait3A_368 = arith.constant 0 : i32
      %dma_wait3A_369 = arith.constant 0 : i32
      %dma_wait3A_370 = tpu.memref_slice %arg9[%dma_wait3A_368, %dma_wait3A_369] : memref<10240x64xf32, #tpu.memory_space<vmem_shared>> -> memref<10240x64xf32, #tpu.memory_space<vmem_shared>>
      %dma_wait3A_371 = tpu.memref_slice %arg11[%dma_wait3A_360] : memref<2x!tpu.dma_semaphore, #tpu.memory_space<semaphore_mem>> -> memref<1x!tpu.dma_semaphore, #tpu.memory_space<semaphore_mem>>
      %dma_wait3A_372 = tpu.memref_squeeze %dma_wait3A_371 : memref<1x!tpu.dma_semaphore, #tpu.memory_space<semaphore_mem>> -> memref<!tpu.dma_semaphore, #tpu.memory_space<semaphore_mem>>
      tpu.wait_indirect_dma semaphore(%dma_wait3A_372 : memref<!tpu.dma_semaphore, #tpu.memory_space<semaphore_mem>>) src(%dma_wait3A_364 : memref<128x64xf32, #tpu.memory_space<vmem>>) dst(%dma_wait3A_370 : memref<10240x64xf32, #tpu.memory_space<vmem_shared>>)
      %dma_start3A_373 = arith.constant 0 : i32
      %dma_start3A_374 = arith.constant 1 : i32
      %dma_start3A_375 = arith.constant 1 : i32
      %dma_start3A_376 = arith.constant 0 : i32
      %dma_start3A_377 = arith.constant 0 : i32
      %dma_start3A_378 = tpu.memref_slice %arg7[%dma_start3A_374, %dma_start3A_376, %dma_start3A_377] : memref<2x128x64xf32, #tpu.memory_space<vmem>> -> memref<1x128x64xf32, #tpu.memory_space<vmem>>
      %dma_start3A_379 = tpu.memref_squeeze %dma_start3A_378 : memref<1x128x64xf32, #tpu.memory_space<vmem>> -> memref<128x64xf32, #tpu.memory_space<vmem>>
      %dma_start3A_380 = arith.constant 0 : i32
      %dma_start3A_381 = tpu.memref_slice %arg6[%dma_start3A_373, %add3A_355, %dma_start3A_380] : memref<2x80x128xi32, #tpu.memory_space<vmem>> -> memref<1x1x128xi32, #tpu.memory_space<vmem>>
      %dma_start3A_382 = tpu.memref_squeeze %dma_start3A_381 : memref<1x1x128xi32, #tpu.memory_space<vmem>> -> memref<128xi32, #tpu.memory_space<vmem>>
      %dma_start3A_383 = arith.constant 0 : i32
      %dma_start3A_384 = arith.constant 0 : i32
      %dma_start3A_385 = tpu.memref_slice %arg8[%dma_start3A_383, %dma_start3A_384] : memref<10240x64xf32, #tpu.memory_space<vmem_shared>> -> memref<10240x64xf32, #tpu.memory_space<vmem_shared>>
      %dma_start3A_386 = tpu.memref_slice %arg10[%dma_start3A_375] : memref<2x!tpu.dma_semaphore, #tpu.memory_space<semaphore_mem>> -> memref<1x!tpu.dma_semaphore, #tpu.memory_space<semaphore_mem>>
      %dma_start3A_387 = tpu.memref_squeeze %dma_start3A_386 : memref<1x!tpu.dma_semaphore, #tpu.memory_space<semaphore_mem>> -> memref<!tpu.dma_semaphore, #tpu.memory_space<semaphore_mem>>
      tpu.enqueue_indirect_dma source(%dma_start3A_385 : memref<10240x64xf32, #tpu.memory_space<vmem_shared>>) target(%dma_start3A_379 : memref<128x64xf32, #tpu.memory_space<vmem>>) offsets(%dma_start3A_382 : memref<128xi32, #tpu.memory_space<vmem>>) semaphore(%dma_start3A_387 : memref<!tpu.dma_semaphore, #tpu.memory_space<semaphore_mem>>)
      %sub3A_388 = arith.constant 1 : i32
      %sub3A_389 = arith.subi %add3A_355, %sub3A_388 : i32
      %dma_wait3A_390 = arith.constant 0 : i32
      %dma_wait3A_391 = arith.constant 0 : i32
      %dma_wait3A_392 = arith.constant 0 : i32
      %dma_wait3A_393 = arith.constant 0 : i32
      %dma_wait3A_394 = arith.constant 0 : i32
      %dma_wait3A_395 = tpu.memref_slice %arg7[%dma_wait3A_391, %dma_wait3A_393, %dma_wait3A_394] : memref<2x128x64xf32, #tpu.memory_space<vmem>> -> memref<1x128x64xf32, #tpu.memory_space<vmem>>
      %dma_wait3A_396 = tpu.memref_squeeze %dma_wait3A_395 : memref<1x128x64xf32, #tpu.memory_space<vmem>> -> memref<128x64xf32, #tpu.memory_space<vmem>>
      %dma_wait3A_397 = arith.constant 0 : i32
      %dma_wait3A_398 = tpu.memref_slice %arg6[%dma_wait3A_390, %sub3A_389, %dma_wait3A_397] : memref<2x80x128xi32, #tpu.memory_space<vmem>> -> memref<1x1x128xi32, #tpu.memory_space<vmem>>
      %dma_wait3A_399 = tpu.memref_squeeze %dma_wait3A_398 : memref<1x1x128xi32, #tpu.memory_space<vmem>> -> memref<128xi32, #tpu.memory_space<vmem>>
      %dma_wait3A_400 = arith.constant 0 : i32
      %dma_wait3A_401 = arith.constant 0 : i32
      %dma_wait3A_402 = tpu.memref_slice %arg8[%dma_wait3A_400, %dma_wait3A_401] : memref<10240x64xf32, #tpu.memory_space<vmem_shared>> -> memref<10240x64xf32, #tpu.memory_space<vmem_shared>>
      %dma_wait3A_403 = tpu.memref_slice %arg10[%dma_wait3A_392] : memref<2x!tpu.dma_semaphore, #tpu.memory_space<semaphore_mem>> -> memref<1x!tpu.dma_semaphore, #tpu.memory_space<semaphore_mem>>
      %dma_wait3A_404 = tpu.memref_squeeze %dma_wait3A_403 : memref<1x!tpu.dma_semaphore, #tpu.memory_space<semaphore_mem>> -> memref<!tpu.dma_semaphore, #tpu.memory_space<semaphore_mem>>
      tpu.wait_indirect_dma semaphore(%dma_wait3A_404 : memref<!tpu.dma_semaphore, #tpu.memory_space<semaphore_mem>>) src(%dma_wait3A_402 : memref<10240x64xf32, #tpu.memory_space<vmem_shared>>) dst(%dma_wait3A_396 : memref<128x64xf32, #tpu.memory_space<vmem>>)
      %sub3A_405 = arith.constant 1 : i32
      %sub3A_406 = arith.subi %add3A_355, %sub3A_405 : i32
      %dma_start3A_407 = arith.constant 0 : i32
      %dma_start3A_408 = arith.constant 1 : i32
      %dma_start3A_409 = arith.constant 0 : i32
      %dma_start3A_410 = arith.constant 0 : i32
      %dma_start3A_411 = arith.constant 0 : i32
      %dma_start3A_412 = tpu.memref_slice %arg7[%dma_start3A_407, %dma_start3A_410, %dma_start3A_411] : memref<2x128x64xf32, #tpu.memory_space<vmem>> -> memref<1x128x64xf32, #tpu.memory_space<vmem>>
      %dma_start3A_413 = tpu.memref_squeeze %dma_start3A_412 : memref<1x128x64xf32, #tpu.memory_space<vmem>> -> memref<128x64xf32, #tpu.memory_space<vmem>>
      %dma_start3A_414 = arith.constant 0 : i32
      %dma_start3A_415 = tpu.memref_slice %arg6[%dma_start3A_408, %sub3A_406, %dma_start3A_414] : memref<2x80x128xi32, #tpu.memory_space<vmem>> -> memref<1x1x128xi32, #tpu.memory_space<vmem>>
      %dma_start3A_416 = tpu.memref_squeeze %dma_start3A_415 : memref<1x1x128xi32, #tpu.memory_space<vmem>> -> memref<128xi32, #tpu.memory_space<vmem>>
      %dma_start3A_417 = arith.constant 0 : i32
      %dma_start3A_418 = arith.constant 0 : i32
      %dma_start3A_419 = tpu.memref_slice %arg9[%dma_start3A_417, %dma_start3A_418] : memref<10240x64xf32, #tpu.memory_space<vmem_shared>> -> memref<10240x64xf32, #tpu.memory_space<vmem_shared>>
      %dma_start3A_420 = tpu.memref_slice %arg11[%dma_start3A_409] : memref<2x!tpu.dma_semaphore, #tpu.memory_space<semaphore_mem>> -> memref<1x!tpu.dma_semaphore, #tpu.memory_space<semaphore_mem>>
      %dma_start3A_421 = tpu.memref_squeeze %dma_start3A_420 : memref<1x!tpu.dma_semaphore, #tpu.memory_space<semaphore_mem>> -> memref<!tpu.dma_semaphore, #tpu.memory_space<semaphore_mem>>
      tpu.enqueue_indirect_dma source(%dma_start3A_413 : memref<128x64xf32, #tpu.memory_space<vmem>>) target(%dma_start3A_419 : memref<10240x64xf32, #tpu.memory_space<vmem_shared>>) offsets(%dma_start3A_416 : memref<128xi32, #tpu.memory_space<vmem>>) semaphore(%dma_start3A_421 : memref<!tpu.dma_semaphore, #tpu.memory_space<semaphore_mem>>) {add = true}
    }
    %scan3A_212 = arith.constant 39 : i32
    %dma_wait3A_213 = arith.constant 0 : i32
    %dma_wait3A_214 = arith.constant 79 : i32
    %dma_wait3A_215 = arith.constant 1 : i32
    %dma_wait3A_216 = arith.constant 1 : i32
    %dma_wait3A_217 = arith.constant 0 : i32
    %dma_wait3A_218 = arith.constant 0 : i32
    %dma_wait3A_219 = tpu.memref_slice %arg7[%dma_wait3A_215, %dma_wait3A_217, %dma_wait3A_218] : memref<2x128x64xf32, #tpu.memory_space<vmem>> -> memref<1x128x64xf32, #tpu.memory_space<vmem>>
    %dma_wait3A_220 = tpu.memref_squeeze %dma_wait3A_219 : memref<1x128x64xf32, #tpu.memory_space<vmem>> -> memref<128x64xf32, #tpu.memory_space<vmem>>
    %dma_wait3A_221 = arith.constant 0 : i32
    %dma_wait3A_222 = tpu.memref_slice %arg6[%dma_wait3A_213, %dma_wait3A_214, %dma_wait3A_221] : memref<2x80x128xi32, #tpu.memory_space<vmem>> -> memref<1x1x128xi32, #tpu.memory_space<vmem>>
    %dma_wait3A_223 = tpu.memref_squeeze %dma_wait3A_222 : memref<1x1x128xi32, #tpu.memory_space<vmem>> -> memref<128xi32, #tpu.memory_space<vmem>>
    %dma_wait3A_224 = arith.constant 0 : i32
    %dma_wait3A_225 = arith.constant 0 : i32
    %dma_wait3A_226 = tpu.memref_slice %arg8[%dma_wait3A_224, %dma_wait3A_225] : memref<10240x64xf32, #tpu.memory_space<vmem_shared>> -> memref<10240x64xf32, #tpu.memory_space<vmem_shared>>
    %dma_wait3A_227 = tpu.memref_slice %arg10[%dma_wait3A_216] : memref<2x!tpu.dma_semaphore, #tpu.memory_space<semaphore_mem>> -> memref<1x!tpu.dma_semaphore, #tpu.memory_space<semaphore_mem>>
    %dma_wait3A_228 = tpu.memref_squeeze %dma_wait3A_227 : memref<1x!tpu.dma_semaphore, #tpu.memory_space<semaphore_mem>> -> memref<!tpu.dma_semaphore, #tpu.memory_space<semaphore_mem>>
    tpu.wait_indirect_dma semaphore(%dma_wait3A_228 : memref<!tpu.dma_semaphore, #tpu.memory_space<semaphore_mem>>) src(%dma_wait3A_226 : memref<10240x64xf32, #tpu.memory_space<vmem_shared>>) dst(%dma_wait3A_220 : memref<128x64xf32, #tpu.memory_space<vmem>>)
    %dma_start3A_229 = arith.constant 1 : i32
    %dma_start3A_230 = arith.constant 1 : i32
    %dma_start3A_231 = arith.constant 79 : i32
    %dma_start3A_232 = arith.constant 1 : i32
    %dma_start3A_233 = arith.constant 0 : i32
    %dma_start3A_234 = arith.constant 0 : i32
    %dma_start3A_235 = tpu.memref_slice %arg7[%dma_start3A_229, %dma_start3A_233, %dma_start3A_234] : memref<2x128x64xf32, #tpu.memory_space<vmem>> -> memref<1x128x64xf32, #tpu.memory_space<vmem>>
    %dma_start3A_236 = tpu.memref_squeeze %dma_start3A_235 : memref<1x128x64xf32, #tpu.memory_space<vmem>> -> memref<128x64xf32, #tpu.memory_space<vmem>>
    %dma_start3A_237 = arith.constant 0 : i32
    %dma_start3A_238 = tpu.memref_slice %arg6[%dma_start3A_230, %dma_start3A_231, %dma_start3A_237] : memref<2x80x128xi32, #tpu.memory_space<vmem>> -> memref<1x1x128xi32, #tpu.memory_space<vmem>>
    %dma_start3A_239 = tpu.memref_squeeze %dma_start3A_238 : memref<1x1x128xi32, #tpu.memory_space<vmem>> -> memref<128xi32, #tpu.memory_space<vmem>>
    %dma_start3A_240 = arith.constant 0 : i32
    %dma_start3A_241 = arith.constant 0 : i32
    %dma_start3A_242 = tpu.memref_slice %arg9[%dma_start3A_240, %dma_start3A_241] : memref<10240x64xf32, #tpu.memory_space<vmem_shared>> -> memref<10240x64xf32, #tpu.memory_space<vmem_shared>>
    %dma_start3A_243 = tpu.memref_slice %arg11[%dma_start3A_232] : memref<2x!tpu.dma_semaphore, #tpu.memory_space<semaphore_mem>> -> memref<1x!tpu.dma_semaphore, #tpu.memory_space<semaphore_mem>>
    %dma_start3A_244 = tpu.memref_squeeze %dma_start3A_243 : memref<1x!tpu.dma_semaphore, #tpu.memory_space<semaphore_mem>> -> memref<!tpu.dma_semaphore, #tpu.memory_space<semaphore_mem>>
    tpu.enqueue_indirect_dma source(%dma_start3A_236 : memref<128x64xf32, #tpu.memory_space<vmem>>) target(%dma_start3A_242 : memref<10240x64xf32, #tpu.memory_space<vmem_shared>>) offsets(%dma_start3A_239 : memref<128xi32, #tpu.memory_space<vmem>>) semaphore(%dma_start3A_244 : memref<!tpu.dma_semaphore, #tpu.memory_space<semaphore_mem>>) {add = true}
    %dma_wait3A_245 = arith.constant 0 : i32
    %dma_wait3A_246 = arith.constant 1 : i32
    %dma_wait3A_247 = arith.constant 78 : i32
    %dma_wait3A_248 = arith.constant 0 : i32
    %dma_wait3A_249 = arith.constant 0 : i32
    %dma_wait3A_250 = arith.constant 0 : i32
    %dma_wait3A_251 = tpu.memref_slice %arg7[%dma_wait3A_245, %dma_wait3A_249, %dma_wait3A_250] : memref<2x128x64xf32, #tpu.memory_space<vmem>> -> memref<1x128x64xf32, #tpu.memory_space<vmem>>
    %dma_wait3A_252 = tpu.memref_squeeze %dma_wait3A_251 : memref<1x128x64xf32, #tpu.memory_space<vmem>> -> memref<128x64xf32, #tpu.memory_space<vmem>>
    %dma_wait3A_253 = arith.constant 0 : i32
    %dma_wait3A_254 = tpu.memref_slice %arg6[%dma_wait3A_246, %dma_wait3A_247, %dma_wait3A_253] : memref<2x80x128xi32, #tpu.memory_space<vmem>> -> memref<1x1x128xi32, #tpu.memory_space<vmem>>
    %dma_wait3A_255 = tpu.memref_squeeze %dma_wait3A_254 : memref<1x1x128xi32, #tpu.memory_space<vmem>> -> memref<128xi32, #tpu.memory_space<vmem>>
    %dma_wait3A_256 = arith.constant 0 : i32
    %dma_wait3A_257 = arith.constant 0 : i32
    %dma_wait3A_258 = tpu.memref_slice %arg9[%dma_wait3A_256, %dma_wait3A_257] : memref<10240x64xf32, #tpu.memory_space<vmem_shared>> -> memref<10240x64xf32, #tpu.memory_space<vmem_shared>>
    %dma_wait3A_259 = tpu.memref_slice %arg11[%dma_wait3A_248] : memref<2x!tpu.dma_semaphore, #tpu.memory_space<semaphore_mem>> -> memref<1x!tpu.dma_semaphore, #tpu.memory_space<semaphore_mem>>
    %dma_wait3A_260 = tpu.memref_squeeze %dma_wait3A_259 : memref<1x!tpu.dma_semaphore, #tpu.memory_space<semaphore_mem>> -> memref<!tpu.dma_semaphore, #tpu.memory_space<semaphore_mem>>
    tpu.wait_indirect_dma semaphore(%dma_wait3A_260 : memref<!tpu.dma_semaphore, #tpu.memory_space<semaphore_mem>>) src(%dma_wait3A_252 : memref<128x64xf32, #tpu.memory_space<vmem>>) dst(%dma_wait3A_258 : memref<10240x64xf32, #tpu.memory_space<vmem_shared>>)
    %dma_wait3A_261 = arith.constant 1 : i32
    %dma_wait3A_262 = arith.constant 1 : i32
    %dma_wait3A_263 = arith.constant 79 : i32
    %dma_wait3A_264 = arith.constant 1 : i32
    %dma_wait3A_265 = arith.constant 0 : i32
    %dma_wait3A_266 = arith.constant 0 : i32
    %dma_wait3A_267 = tpu.memref_slice %arg7[%dma_wait3A_261, %dma_wait3A_265, %dma_wait3A_266] : memref<2x128x64xf32, #tpu.memory_space<vmem>> -> memref<1x128x64xf32, #tpu.memory_space<vmem>>
    %dma_wait3A_268 = tpu.memref_squeeze %dma_wait3A_267 : memref<1x128x64xf32, #tpu.memory_space<vmem>> -> memref<128x64xf32, #tpu.memory_space<vmem>>
    %dma_wait3A_269 = arith.constant 0 : i32
    %dma_wait3A_270 = tpu.memref_slice %arg6[%dma_wait3A_262, %dma_wait3A_263, %dma_wait3A_269] : memref<2x80x128xi32, #tpu.memory_space<vmem>> -> memref<1x1x128xi32, #tpu.memory_space<vmem>>
    %dma_wait3A_271 = tpu.memref_squeeze %dma_wait3A_270 : memref<1x1x128xi32, #tpu.memory_space<vmem>> -> memref<128xi32, #tpu.memory_space<vmem>>
    %dma_wait3A_272 = arith.constant 0 : i32
    %dma_wait3A_273 = arith.constant 0 : i32
    %dma_wait3A_274 = tpu.memref_slice %arg9[%dma_wait3A_272, %dma_wait3A_273] : memref<10240x64xf32, #tpu.memory_space<vmem_shared>> -> memref<10240x64xf32, #tpu.memory_space<vmem_shared>>
    %dma_wait3A_275 = tpu.memref_slice %arg11[%dma_wait3A_264] : memref<2x!tpu.dma_semaphore, #tpu.memory_space<semaphore_mem>> -> memref<1x!tpu.dma_semaphore, #tpu.memory_space<semaphore_mem>>
    %dma_wait3A_276 = tpu.memref_squeeze %dma_wait3A_275 : memref<1x!tpu.dma_semaphore, #tpu.memory_space<semaphore_mem>> -> memref<!tpu.dma_semaphore, #tpu.memory_space<semaphore_mem>>
    tpu.wait_indirect_dma semaphore(%dma_wait3A_276 : memref<!tpu.dma_semaphore, #tpu.memory_space<semaphore_mem>>) src(%dma_wait3A_268 : memref<128x64xf32, #tpu.memory_space<vmem>>) dst(%dma_wait3A_274 : memref<10240x64xf32, #tpu.memory_space<vmem_shared>>)
    %barrier3A_277 = arith.constant 0 : index
    tpu.barrier barrier_id(%barrier3A_277)
    %mul3A_278 = arith.constant 640 : i32
    %mul3A_279 = arith.muli %arg1, %mul3A_278 : i32
    %mul3A_280 = arith.constant 640 : i32
    %mul3A_281 = arith.muli %arg1, %mul3A_280 : i32
    "tpu.region"() ({
      %run_scoped3A_282 = tpu.sem_alloc : memref<!tpu.dma_semaphore, #tpu.memory_space<semaphore_mem>>
      %dma_start3A_283 = arith.constant 0 : i32
      %dma_start3A_284 = tpu.memref_slice %arg5[%arg0, %mul3A_281, %dma_start3A_283] : memref<2x10240x64xf32, #tpu.memory_space<hbm>> -> memref<1x640x64xf32, #tpu.memory_space<hbm>>
      %dma_start3A_285 = tpu.memref_squeeze %dma_start3A_284 : memref<1x640x64xf32, #tpu.memory_space<hbm>> -> memref<640x64xf32, #tpu.memory_space<hbm>>
      %dma_start3A_286 = arith.constant 0 : i32
      %dma_start3A_287 = tpu.memref_slice %arg9[%mul3A_279, %dma_start3A_286] : memref<10240x64xf32, #tpu.memory_space<vmem_shared>> -> memref<640x64xf32, #tpu.memory_space<vmem_shared>>
      tpu.enqueue_dma source(%dma_start3A_287 : memref<640x64xf32, #tpu.memory_space<vmem_shared>>) target(%dma_start3A_285 : memref<640x64xf32, #tpu.memory_space<hbm>>) target_semaphore(%run_scoped3A_282 : memref<!tpu.dma_semaphore, #tpu.memory_space<semaphore_mem>>)
      %dma_wait3A_288 = arith.constant 0 : i32
      %dma_wait3A_289 = tpu.memref_slice %arg5[%arg0, %mul3A_281, %dma_wait3A_288] : memref<2x10240x64xf32, #tpu.memory_space<hbm>> -> memref<1x640x64xf32, #tpu.memory_space<hbm>>
      %dma_wait3A_290 = tpu.memref_squeeze %dma_wait3A_289 : memref<1x640x64xf32, #tpu.memory_space<hbm>> -> memref<640x64xf32, #tpu.memory_space<hbm>>
      %dma_wait3A_291 = arith.constant 0 : i32
      %dma_wait3A_292 = tpu.memref_slice %arg9[%mul3A_279, %dma_wait3A_291] : memref<10240x64xf32, #tpu.memory_space<vmem_shared>> -> memref<640x64xf32, #tpu.memory_space<vmem_shared>>
      tpu.wait_dma2 semaphore(%run_scoped3A_282 : memref<!tpu.dma_semaphore, #tpu.memory_space<semaphore_mem>>) src(%dma_wait3A_292 : memref<640x64xf32, #tpu.memory_space<vmem_shared>>) dst(%dma_wait3A_290 : memref<640x64xf32, #tpu.memory_space<hbm>>)
      tpu.yield
    }) : () -> ()
    return
  }
}

#map = affine_map<(d0, d1) -> (0, 0)>
#map1 = affine_map<(d0, d1) -> (0, 0, 0, 0, 0)>
#map2 = affine_map<(d0, d1) -> (0, 0, 0)>
module attributes {stable_mosaic.version = 14 : i64} {
  func.func @_conv_body(%arg0: i32, %arg1: i32, %arg2: memref<10240x64xf32, #tpu.memory_space<hbm>>, %arg3: memref<32x1x2x80x128xi32, #tpu.memory_space<hbm>>, %arg4: memref<10240x64xf32, #tpu.memory_space<hbm>>, %arg5: memref<2x10240x64xf32, #tpu.memory_space<hbm>>, %arg6: memref<2x80x128xi32, #tpu.memory_space<vmem>>, %arg7: memref<2x128x64xf32, #tpu.memory_space<vmem>>, %arg8: memref<10240x64xf32, #tpu.memory_space<vmem_shared>>, %arg9: memref<10240x64xf32, #tpu.memory_space<vmem_shared>>, %arg10: memref<2x!tpu.dma_semaphore, #tpu.memory_space<semaphore_mem>>, %arg11: memref<2x!tpu.dma_semaphore, #tpu.memory_space<semaphore_mem>>) attributes {dimension_semantics = [#tpu.dimension_semantics<core_parallel>, #tpu.dimension_semantics<subcore_parallel>], iteration_bounds = array<i64: 2, 16>, scalar_prefetch = 0 : i64, scratch_operands = 6 : i64, tpu.core_type = #tpu.core_type<sc_vector_subcore>, window_params = [{transform_indices = #map}, {transform_indices = #map1}, {transform_indices = #map}, {transform_indices = #map2}]} {
    %mul3A = arith.constant 16 : i32
    %mul3A_0 = arith.muli %arg0, %mul3A : i32
    %add3A = arith.addi %mul3A_0, %arg1 : i32
    %mul3A_1 = arith.constant 640 : i32
    %mul3A_2 = arith.muli %arg1, %mul3A_1 : i32
    %mul3A_3 = arith.constant 640 : i32
    %mul3A_4 = arith.muli %arg1, %mul3A_3 : i32
    "tpu.region"() ({
      %run_scoped3A_145 = tpu.sem_alloc : memref<!tpu.dma_semaphore, #tpu.memory_space<semaphore_mem>>
      %dma_start3A_146 = arith.constant 0 : i32
      %dma_start3A_147 = tpu.memref_slice %arg9[%mul3A_4, %dma_start3A_146] : memref<10240x64xf32, #tpu.memory_space<vmem_shared>> -> memref<640x64xf32, #tpu.memory_space<vmem_shared>>
      %dma_start3A_148 = arith.constant 0 : i32
      %dma_start3A_149 = tpu.memref_slice %arg4[%mul3A_2, %dma_start3A_148] : memref<10240x64xf32, #tpu.memory_space<hbm>> -> memref<640x64xf32, #tpu.memory_space<hbm>>
      tpu.enqueue_dma source(%dma_start3A_149 : memref<640x64xf32, #tpu.memory_space<hbm>>) target(%dma_start3A_147 : memref<640x64xf32, #tpu.memory_space<vmem_shared>>) target_semaphore(%run_scoped3A_145 : memref<!tpu.dma_semaphore, #tpu.memory_space<semaphore_mem>>)
      %dma_wait3A_150 = arith.constant 0 : i32
      %dma_wait3A_151 = tpu.memref_slice %arg9[%mul3A_4, %dma_wait3A_150] : memref<10240x64xf32, #tpu.memory_space<vmem_shared>> -> memref<640x64xf32, #tpu.memory_space<vmem_shared>>
      %dma_wait3A_152 = arith.constant 0 : i32
      %dma_wait3A_153 = tpu.memref_slice %arg4[%mul3A_2, %dma_wait3A_152] : memref<10240x64xf32, #tpu.memory_space<hbm>> -> memref<640x64xf32, #tpu.memory_space<hbm>>
      tpu.wait_dma2 semaphore(%run_scoped3A_145 : memref<!tpu.dma_semaphore, #tpu.memory_space<semaphore_mem>>) src(%dma_wait3A_153 : memref<640x64xf32, #tpu.memory_space<hbm>>) dst(%dma_wait3A_151 : memref<640x64xf32, #tpu.memory_space<vmem_shared>>)
      tpu.yield
    }) : () -> ()
    %mul3A_5 = arith.constant 640 : i32
    %mul3A_6 = arith.muli %arg1, %mul3A_5 : i32
    %mul3A_7 = arith.constant 640 : i32
    %mul3A_8 = arith.muli %arg1, %mul3A_7 : i32
    "tpu.region"() ({
      %run_scoped3A_145 = tpu.sem_alloc : memref<!tpu.dma_semaphore, #tpu.memory_space<semaphore_mem>>
      %dma_start3A_146 = arith.constant 0 : i32
      %dma_start3A_147 = tpu.memref_slice %arg8[%mul3A_8, %dma_start3A_146] : memref<10240x64xf32, #tpu.memory_space<vmem_shared>> -> memref<640x64xf32, #tpu.memory_space<vmem_shared>>
      %dma_start3A_148 = arith.constant 0 : i32
      %dma_start3A_149 = tpu.memref_slice %arg2[%mul3A_6, %dma_start3A_148] : memref<10240x64xf32, #tpu.memory_space<hbm>> -> memref<640x64xf32, #tpu.memory_space<hbm>>
      tpu.enqueue_dma source(%dma_start3A_149 : memref<640x64xf32, #tpu.memory_space<hbm>>) target(%dma_start3A_147 : memref<640x64xf32, #tpu.memory_space<vmem_shared>>) target_semaphore(%run_scoped3A_145 : memref<!tpu.dma_semaphore, #tpu.memory_space<semaphore_mem>>)
      %dma_wait3A_150 = arith.constant 0 : i32
      %dma_wait3A_151 = tpu.memref_slice %arg8[%mul3A_8, %dma_wait3A_150] : memref<10240x64xf32, #tpu.memory_space<vmem_shared>> -> memref<640x64xf32, #tpu.memory_space<vmem_shared>>
      %dma_wait3A_152 = arith.constant 0 : i32
      %dma_wait3A_153 = tpu.memref_slice %arg2[%mul3A_6, %dma_wait3A_152] : memref<10240x64xf32, #tpu.memory_space<hbm>> -> memref<640x64xf32, #tpu.memory_space<hbm>>
      tpu.wait_dma2 semaphore(%run_scoped3A_145 : memref<!tpu.dma_semaphore, #tpu.memory_space<semaphore_mem>>) src(%dma_wait3A_153 : memref<640x64xf32, #tpu.memory_space<hbm>>) dst(%dma_wait3A_151 : memref<640x64xf32, #tpu.memory_space<vmem_shared>>)
      tpu.yield
    }) : () -> ()
    %barrier3A = arith.constant 0 : index
    tpu.barrier barrier_id(%barrier3A)
    %run_scoped3A = arith.constant 0 : i32
    "tpu.region"() ({
      %run_scoped3A_145 = tpu.sem_alloc : memref<!tpu.dma_semaphore, #tpu.memory_space<semaphore_mem>>
      %dma_start3A_146 = arith.constant 0 : i32
      %dma_start3A_147 = arith.constant 0 : i32
      %dma_start3A_148 = arith.constant 0 : i32
      %dma_start3A_149 = tpu.memref_slice %arg3[%add3A, %run_scoped3A, %dma_start3A_146, %dma_start3A_147, %dma_start3A_148] : memref<32x1x2x80x128xi32, #tpu.memory_space<hbm>> -> memref<1x1x2x80x128xi32, #tpu.memory_space<hbm>>
      %dma_start3A_150 = tpu.memref_squeeze %dma_start3A_149 : memref<1x1x2x80x128xi32, #tpu.memory_space<hbm>> -> memref<2x80x128xi32, #tpu.memory_space<hbm>>
      %dma_start3A_151 = arith.constant 0 : i32
      %dma_start3A_152 = arith.constant 0 : i32
      %dma_start3A_153 = arith.constant 0 : i32
      %dma_start3A_154 = tpu.memref_slice %arg3[%add3A, %run_scoped3A, %dma_start3A_151, %dma_start3A_152, %dma_start3A_153] : memref<32x1x2x80x128xi32, #tpu.memory_space<hbm>> -> memref<1x1x2x80x128xi32, #tpu.memory_space<hbm>>
      %dma_start3A_155 = tpu.memref_squeeze %dma_start3A_154 : memref<1x1x2x80x128xi32, #tpu.memory_space<hbm>> -> memref<2x80x128xi32, #tpu.memory_space<hbm>>
      tpu.enqueue_dma source(%dma_start3A_155 : memref<2x80x128xi32, #tpu.memory_space<hbm>>) target(%arg6 : memref<2x80x128xi32, #tpu.memory_space<vmem>>) target_semaphore(%run_scoped3A_145 : memref<!tpu.dma_semaphore, #tpu.memory_space<semaphore_mem>>)
      %dma_wait3A_156 = arith.constant 0 : i32
      %dma_wait3A_157 = arith.constant 0 : i32
      %dma_wait3A_158 = arith.constant 0 : i32
      %dma_wait3A_159 = tpu.memref_slice %arg3[%add3A, %run_scoped3A, %dma_wait3A_156, %dma_wait3A_157, %dma_wait3A_158] : memref<32x1x2x80x128xi32, #tpu.memory_space<hbm>> -> memref<1x1x2x80x128xi32, #tpu.memory_space<hbm>>
      %dma_wait3A_160 = tpu.memref_squeeze %dma_wait3A_159 : memref<1x1x2x80x128xi32, #tpu.memory_space<hbm>> -> memref<2x80x128xi32, #tpu.memory_space<hbm>>
      %dma_wait3A_161 = arith.constant 0 : i32
      %dma_wait3A_162 = arith.constant 0 : i32
      %dma_wait3A_163 = arith.constant 0 : i32
      %dma_wait3A_164 = tpu.memref_slice %arg3[%add3A, %run_scoped3A, %dma_wait3A_161, %dma_wait3A_162, %dma_wait3A_163] : memref<32x1x2x80x128xi32, #tpu.memory_space<hbm>> -> memref<1x1x2x80x128xi32, #tpu.memory_space<hbm>>
      %dma_wait3A_165 = tpu.memref_squeeze %dma_wait3A_164 : memref<1x1x2x80x128xi32, #tpu.memory_space<hbm>> -> memref<2x80x128xi32, #tpu.memory_space<hbm>>
      tpu.wait_dma2 semaphore(%run_scoped3A_145 : memref<!tpu.dma_semaphore, #tpu.memory_space<semaphore_mem>>) src(%dma_wait3A_165 : memref<2x80x128xi32, #tpu.memory_space<hbm>>) dst(%arg6 : memref<2x80x128xi32, #tpu.memory_space<vmem>>)
      tpu.yield
    }) : () -> ()
    %dma_start3A = arith.constant 0 : i32
    %dma_start3A_9 = arith.constant 0 : i32
    %dma_start3A_10 = arith.constant 0 : i32
    %dma_start3A_11 = arith.constant 0 : i32
    %dma_start3A_12 = arith.constant 0 : i32
    %dma_start3A_13 = arith.constant 0 : i32
    %dma_start3A_14 = tpu.memref_slice %arg7[%dma_start3A_10, %dma_start3A_12, %dma_start3A_13] : memref<2x128x64xf32, #tpu.memory_space<vmem>> -> memref<1x128x64xf32, #tpu.memory_space<vmem>>
    %dma_start3A_15 = tpu.memref_squeeze %dma_start3A_14 : memref<1x128x64xf32, #tpu.memory_space<vmem>> -> memref<128x64xf32, #tpu.memory_space<vmem>>
    %dma_start3A_16 = arith.constant 0 : i32
    %dma_start3A_17 = tpu.memref_slice %arg6[%dma_start3A, %dma_start3A_9, %dma_start3A_16] : memref<2x80x128xi32, #tpu.memory_space<vmem>> -> memref<1x1x128xi32, #tpu.memory_space<vmem>>
    %dma_start3A_18 = tpu.memref_squeeze %dma_start3A_17 : memref<1x1x128xi32, #tpu.memory_space<vmem>> -> memref<128xi32, #tpu.memory_space<vmem>>
    %dma_start3A_19 = arith.constant 0 : i32
    %dma_start3A_20 = arith.constant 0 : i32
    %dma_start3A_21 = tpu.memref_slice %arg8[%dma_start3A_19, %dma_start3A_20] : memref<10240x64xf32, #tpu.memory_space<vmem_shared>> -> memref<10240x64xf32, #tpu.memory_space<vmem_shared>>
    %dma_start3A_22 = tpu.memref_slice %arg10[%dma_start3A_11] : memref<2x!tpu.dma_semaphore, #tpu.memory_space<semaphore_mem>> -> memref<1x!tpu.dma_semaphore, #tpu.memory_space<semaphore_mem>>
    %dma_start3A_23 = tpu.memref_squeeze %dma_start3A_22 : memref<1x!tpu.dma_semaphore, #tpu.memory_space<semaphore_mem>> -> memref<!tpu.dma_semaphore, #tpu.memory_space<semaphore_mem>>
    tpu.enqueue_indirect_dma source(%dma_start3A_21 : memref<10240x64xf32, #tpu.memory_space<vmem_shared>>) target(%dma_start3A_15 : memref<128x64xf32, #tpu.memory_space<vmem>>) offsets(%dma_start3A_18 : memref<128xi32, #tpu.memory_space<vmem>>) semaphore(%dma_start3A_23 : memref<!tpu.dma_semaphore, #tpu.memory_space<semaphore_mem>>)
    %dma_start3A_24 = arith.constant 0 : i32
    %dma_start3A_25 = arith.constant 1 : i32
    %dma_start3A_26 = arith.constant 1 : i32
    %dma_start3A_27 = arith.constant 1 : i32
    %dma_start3A_28 = arith.constant 0 : i32
    %dma_start3A_29 = arith.constant 0 : i32
    %dma_start3A_30 = tpu.memref_slice %arg7[%dma_start3A_26, %dma_start3A_28, %dma_start3A_29] : memref<2x128x64xf32, #tpu.memory_space<vmem>> -> memref<1x128x64xf32, #tpu.memory_space<vmem>>
    %dma_start3A_31 = tpu.memref_squeeze %dma_start3A_30 : memref<1x128x64xf32, #tpu.memory_space<vmem>> -> memref<128x64xf32, #tpu.memory_space<vmem>>
    %dma_start3A_32 = arith.constant 0 : i32
    %dma_start3A_33 = tpu.memref_slice %arg6[%dma_start3A_24, %dma_start3A_25, %dma_start3A_32] : memref<2x80x128xi32, #tpu.memory_space<vmem>> -> memref<1x1x128xi32, #tpu.memory_space<vmem>>
    %dma_start3A_34 = tpu.memref_squeeze %dma_start3A_33 : memref<1x1x128xi32, #tpu.memory_space<vmem>> -> memref<128xi32, #tpu.memory_space<vmem>>
    %dma_start3A_35 = arith.constant 0 : i32
    %dma_start3A_36 = arith.constant 0 : i32
    %dma_start3A_37 = tpu.memref_slice %arg8[%dma_start3A_35, %dma_start3A_36] : memref<10240x64xf32, #tpu.memory_space<vmem_shared>> -> memref<10240x64xf32, #tpu.memory_space<vmem_shared>>
    %dma_start3A_38 = tpu.memref_slice %arg10[%dma_start3A_27] : memref<2x!tpu.dma_semaphore, #tpu.memory_space<semaphore_mem>> -> memref<1x!tpu.dma_semaphore, #tpu.memory_space<semaphore_mem>>
    %dma_start3A_39 = tpu.memref_squeeze %dma_start3A_38 : memref<1x!tpu.dma_semaphore, #tpu.memory_space<semaphore_mem>> -> memref<!tpu.dma_semaphore, #tpu.memory_space<semaphore_mem>>
    tpu.enqueue_indirect_dma source(%dma_start3A_37 : memref<10240x64xf32, #tpu.memory_space<vmem_shared>>) target(%dma_start3A_31 : memref<128x64xf32, #tpu.memory_space<vmem>>) offsets(%dma_start3A_34 : memref<128xi32, #tpu.memory_space<vmem>>) semaphore(%dma_start3A_39 : memref<!tpu.dma_semaphore, #tpu.memory_space<semaphore_mem>>)
    %dma_wait3A = arith.constant 0 : i32
    %dma_wait3A_40 = arith.constant 0 : i32
    %dma_wait3A_41 = arith.constant 0 : i32
    %dma_wait3A_42 = arith.constant 0 : i32
    %dma_wait3A_43 = arith.constant 0 : i32
    %dma_wait3A_44 = arith.constant 0 : i32
    %dma_wait3A_45 = tpu.memref_slice %arg7[%dma_wait3A_41, %dma_wait3A_43, %dma_wait3A_44] : memref<2x128x64xf32, #tpu.memory_space<vmem>> -> memref<1x128x64xf32, #tpu.memory_space<vmem>>
    %dma_wait3A_46 = tpu.memref_squeeze %dma_wait3A_45 : memref<1x128x64xf32, #tpu.memory_space<vmem>> -> memref<128x64xf32, #tpu.memory_space<vmem>>
    %dma_wait3A_47 = arith.constant 0 : i32
    %dma_wait3A_48 = tpu.memref_slice %arg6[%dma_wait3A, %dma_wait3A_40, %dma_wait3A_47] : memref<2x80x128xi32, #tpu.memory_space<vmem>> -> memref<1x1x128xi32, #tpu.memory_space<vmem>>
    %dma_wait3A_49 = tpu.memref_squeeze %dma_wait3A_48 : memref<1x1x128xi32, #tpu.memory_space<vmem>> -> memref<128xi32, #tpu.memory_space<vmem>>
    %dma_wait3A_50 = arith.constant 0 : i32
    %dma_wait3A_51 = arith.constant 0 : i32
    %dma_wait3A_52 = tpu.memref_slice %arg8[%dma_wait3A_50, %dma_wait3A_51] : memref<10240x64xf32, #tpu.memory_space<vmem_shared>> -> memref<10240x64xf32, #tpu.memory_space<vmem_shared>>
    %dma_wait3A_53 = tpu.memref_slice %arg10[%dma_wait3A_42] : memref<2x!tpu.dma_semaphore, #tpu.memory_space<semaphore_mem>> -> memref<1x!tpu.dma_semaphore, #tpu.memory_space<semaphore_mem>>
    %dma_wait3A_54 = tpu.memref_squeeze %dma_wait3A_53 : memref<1x!tpu.dma_semaphore, #tpu.memory_space<semaphore_mem>> -> memref<!tpu.dma_semaphore, #tpu.memory_space<semaphore_mem>>
    tpu.wait_indirect_dma semaphore(%dma_wait3A_54 : memref<!tpu.dma_semaphore, #tpu.memory_space<semaphore_mem>>) src(%dma_wait3A_52 : memref<10240x64xf32, #tpu.memory_space<vmem_shared>>) dst(%dma_wait3A_46 : memref<128x64xf32, #tpu.memory_space<vmem>>)
    %dma_start3A_55 = arith.constant 0 : i32
    %dma_start3A_56 = arith.constant 1 : i32
    %dma_start3A_57 = arith.constant 0 : i32
    %dma_start3A_58 = arith.constant 0 : i32
    %dma_start3A_59 = arith.constant 0 : i32
    %dma_start3A_60 = arith.constant 0 : i32
    %dma_start3A_61 = tpu.memref_slice %arg7[%dma_start3A_55, %dma_start3A_59, %dma_start3A_60] : memref<2x128x64xf32, #tpu.memory_space<vmem>> -> memref<1x128x64xf32, #tpu.memory_space<vmem>>
    %dma_start3A_62 = tpu.memref_squeeze %dma_start3A_61 : memref<1x128x64xf32, #tpu.memory_space<vmem>> -> memref<128x64xf32, #tpu.memory_space<vmem>>
    %dma_start3A_63 = arith.constant 0 : i32
    %dma_start3A_64 = tpu.memref_slice %arg6[%dma_start3A_56, %dma_start3A_57, %dma_start3A_63] : memref<2x80x128xi32, #tpu.memory_space<vmem>> -> memref<1x1x128xi32, #tpu.memory_space<vmem>>
    %dma_start3A_65 = tpu.memref_squeeze %dma_start3A_64 : memref<1x1x128xi32, #tpu.memory_space<vmem>> -> memref<128xi32, #tpu.memory_space<vmem>>
    %dma_start3A_66 = arith.constant 0 : i32
    %dma_start3A_67 = arith.constant 0 : i32
    %dma_start3A_68 = tpu.memref_slice %arg9[%dma_start3A_66, %dma_start3A_67] : memref<10240x64xf32, #tpu.memory_space<vmem_shared>> -> memref<10240x64xf32, #tpu.memory_space<vmem_shared>>
    %dma_start3A_69 = tpu.memref_slice %arg11[%dma_start3A_58] : memref<2x!tpu.dma_semaphore, #tpu.memory_space<semaphore_mem>> -> memref<1x!tpu.dma_semaphore, #tpu.memory_space<semaphore_mem>>
    %dma_start3A_70 = tpu.memref_squeeze %dma_start3A_69 : memref<1x!tpu.dma_semaphore, #tpu.memory_space<semaphore_mem>> -> memref<!tpu.dma_semaphore, #tpu.memory_space<semaphore_mem>>
    tpu.enqueue_indirect_dma source(%dma_start3A_62 : memref<128x64xf32, #tpu.memory_space<vmem>>) target(%dma_start3A_68 : memref<10240x64xf32, #tpu.memory_space<vmem_shared>>) offsets(%dma_start3A_65 : memref<128xi32, #tpu.memory_space<vmem>>) semaphore(%dma_start3A_70 : memref<!tpu.dma_semaphore, #tpu.memory_space<semaphore_mem>>) {add = true}
    %scan3A = arith.constant 0 : i32
    %scan3A_71 = arith.constant 0 : i32
    %scan3A_72 = arith.constant 39 : i32
    %scan3A_73 = arith.addi %scan3A_71, %scan3A_72 : i32
    %scan3A_74 = arith.constant 1 : i32
    scf.for %scan3A_145 = %scan3A_71 to %scan3A_73 step %scan3A_74  : i32 {
      %mul3A_146 = arith.constant 2 : i32
      %mul3A_147 = arith.muli %scan3A_145, %mul3A_146 : i32
      %add3A_148 = arith.constant 2 : i32
      %add3A_149 = arith.addi %add3A_148, %mul3A_147 : i32
      %add3A_150 = arith.constant 0 : i32
      %add3A_151 = arith.addi %add3A_149, %add3A_150 : i32
      %sub3A = arith.constant 2 : i32
      %sub3A_152 = arith.subi %add3A_151, %sub3A : i32
      %dma_wait3A_153 = arith.constant 0 : i32
      %dma_wait3A_154 = arith.constant 1 : i32
      %dma_wait3A_155 = arith.constant 0 : i32
      %dma_wait3A_156 = arith.constant 0 : i32
      %dma_wait3A_157 = arith.constant 0 : i32
      %dma_wait3A_158 = tpu.memref_slice %arg7[%dma_wait3A_153, %dma_wait3A_156, %dma_wait3A_157] : memref<2x128x64xf32, #tpu.memory_space<vmem>> -> memref<1x128x64xf32, #tpu.memory_space<vmem>>
      %dma_wait3A_159 = tpu.memref_squeeze %dma_wait3A_158 : memref<1x128x64xf32, #tpu.memory_space<vmem>> -> memref<128x64xf32, #tpu.memory_space<vmem>>
      %dma_wait3A_160 = arith.constant 0 : i32
      %dma_wait3A_161 = tpu.memref_slice %arg6[%dma_wait3A_154, %sub3A_152, %dma_wait3A_160] : memref<2x80x128xi32, #tpu.memory_space<vmem>> -> memref<1x1x128xi32, #tpu.memory_space<vmem>>
      %dma_wait3A_162 = tpu.memref_squeeze %dma_wait3A_161 : memref<1x1x128xi32, #tpu.memory_space<vmem>> -> memref<128xi32, #tpu.memory_space<vmem>>
      %dma_wait3A_163 = arith.constant 0 : i32
      %dma_wait3A_164 = arith.constant 0 : i32
      %dma_wait3A_165 = tpu.memref_slice %arg9[%dma_wait3A_163, %dma_wait3A_164] : memref<10240x64xf32, #tpu.memory_space<vmem_shared>> -> memref<10240x64xf32, #tpu.memory_space<vmem_shared>>
      %dma_wait3A_166 = tpu.memref_slice %arg11[%dma_wait3A_155] : memref<2x!tpu.dma_semaphore, #tpu.memory_space<semaphore_mem>> -> memref<1x!tpu.dma_semaphore, #tpu.memory_space<semaphore_mem>>
      %dma_wait3A_167 = tpu.memref_squeeze %dma_wait3A_166 : memref<1x!tpu.dma_semaphore, #tpu.memory_space<semaphore_mem>> -> memref<!tpu.dma_semaphore, #tpu.memory_space<semaphore_mem>>
      tpu.wait_indirect_dma semaphore(%dma_wait3A_167 : memref<!tpu.dma_semaphore, #tpu.memory_space<semaphore_mem>>) src(%dma_wait3A_159 : memref<128x64xf32, #tpu.memory_space<vmem>>) dst(%dma_wait3A_165 : memref<10240x64xf32, #tpu.memory_space<vmem_shared>>)
      %dma_start3A_168 = arith.constant 0 : i32
      %dma_start3A_169 = arith.constant 0 : i32
      %dma_start3A_170 = arith.constant 0 : i32
      %dma_start3A_171 = arith.constant 0 : i32
      %dma_start3A_172 = arith.constant 0 : i32
      %dma_start3A_173 = tpu.memref_slice %arg7[%dma_start3A_169, %dma_start3A_171, %dma_start3A_172] : memref<2x128x64xf32, #tpu.memory_space<vmem>> -> memref<1x128x64xf32, #tpu.memory_space<vmem>>
      %dma_start3A_174 = tpu.memref_squeeze %dma_start3A_173 : memref<1x128x64xf32, #tpu.memory_space<vmem>> -> memref<128x64xf32, #tpu.memory_space<vmem>>
      %dma_start3A_175 = arith.constant 0 : i32
      %dma_start3A_176 = tpu.memref_slice %arg6[%dma_start3A_168, %add3A_151, %dma_start3A_175] : memref<2x80x128xi32, #tpu.memory_space<vmem>> -> memref<1x1x128xi32, #tpu.memory_space<vmem>>
      %dma_start3A_177 = tpu.memref_squeeze %dma_start3A_176 : memref<1x1x128xi32, #tpu.memory_space<vmem>> -> memref<128xi32, #tpu.memory_space<vmem>>
      %dma_start3A_178 = arith.constant 0 : i32
      %dma_start3A_179 = arith.constant 0 : i32
      %dma_start3A_180 = tpu.memref_slice %arg8[%dma_start3A_178, %dma_start3A_179] : memref<10240x64xf32, #tpu.memory_space<vmem_shared>> -> memref<10240x64xf32, #tpu.memory_space<vmem_shared>>
      %dma_start3A_181 = tpu.memref_slice %arg10[%dma_start3A_170] : memref<2x!tpu.dma_semaphore, #tpu.memory_space<semaphore_mem>> -> memref<1x!tpu.dma_semaphore, #tpu.memory_space<semaphore_mem>>
      %dma_start3A_182 = tpu.memref_squeeze %dma_start3A_181 : memref<1x!tpu.dma_semaphore, #tpu.memory_space<semaphore_mem>> -> memref<!tpu.dma_semaphore, #tpu.memory_space<semaphore_mem>>
      tpu.enqueue_indirect_dma source(%dma_start3A_180 : memref<10240x64xf32, #tpu.memory_space<vmem_shared>>) target(%dma_start3A_174 : memref<128x64xf32, #tpu.memory_space<vmem>>) offsets(%dma_start3A_177 : memref<128xi32, #tpu.memory_space<vmem>>) semaphore(%dma_start3A_182 : memref<!tpu.dma_semaphore, #tpu.memory_space<semaphore_mem>>)
      %sub3A_183 = arith.constant 1 : i32
      %sub3A_184 = arith.subi %add3A_151, %sub3A_183 : i32
      %dma_wait3A_185 = arith.constant 0 : i32
      %dma_wait3A_186 = arith.constant 1 : i32
      %dma_wait3A_187 = arith.constant 1 : i32
      %dma_wait3A_188 = arith.constant 0 : i32
      %dma_wait3A_189 = arith.constant 0 : i32
      %dma_wait3A_190 = tpu.memref_slice %arg7[%dma_wait3A_186, %dma_wait3A_188, %dma_wait3A_189] : memref<2x128x64xf32, #tpu.memory_space<vmem>> -> memref<1x128x64xf32, #tpu.memory_space<vmem>>
      %dma_wait3A_191 = tpu.memref_squeeze %dma_wait3A_190 : memref<1x128x64xf32, #tpu.memory_space<vmem>> -> memref<128x64xf32, #tpu.memory_space<vmem>>
      %dma_wait3A_192 = arith.constant 0 : i32
      %dma_wait3A_193 = tpu.memref_slice %arg6[%dma_wait3A_185, %sub3A_184, %dma_wait3A_192] : memref<2x80x128xi32, #tpu.memory_space<vmem>> -> memref<1x1x128xi32, #tpu.memory_space<vmem>>
      %dma_wait3A_194 = tpu.memref_squeeze %dma_wait3A_193 : memref<1x1x128xi32, #tpu.memory_space<vmem>> -> memref<128xi32, #tpu.memory_space<vmem>>
      %dma_wait3A_195 = arith.constant 0 : i32
      %dma_wait3A_196 = arith.constant 0 : i32
      %dma_wait3A_197 = tpu.memref_slice %arg8[%dma_wait3A_195, %dma_wait3A_196] : memref<10240x64xf32, #tpu.memory_space<vmem_shared>> -> memref<10240x64xf32, #tpu.memory_space<vmem_shared>>
      %dma_wait3A_198 = tpu.memref_slice %arg10[%dma_wait3A_187] : memref<2x!tpu.dma_semaphore, #tpu.memory_space<semaphore_mem>> -> memref<1x!tpu.dma_semaphore, #tpu.memory_space<semaphore_mem>>
      %dma_wait3A_199 = tpu.memref_squeeze %dma_wait3A_198 : memref<1x!tpu.dma_semaphore, #tpu.memory_space<semaphore_mem>> -> memref<!tpu.dma_semaphore, #tpu.memory_space<semaphore_mem>>
      tpu.wait_indirect_dma semaphore(%dma_wait3A_199 : memref<!tpu.dma_semaphore, #tpu.memory_space<semaphore_mem>>) src(%dma_wait3A_197 : memref<10240x64xf32, #tpu.memory_space<vmem_shared>>) dst(%dma_wait3A_191 : memref<128x64xf32, #tpu.memory_space<vmem>>)
      %sub3A_200 = arith.constant 1 : i32
      %sub3A_201 = arith.subi %add3A_151, %sub3A_200 : i32
      %dma_start3A_202 = arith.constant 1 : i32
      %dma_start3A_203 = arith.constant 1 : i32
      %dma_start3A_204 = arith.constant 1 : i32
      %dma_start3A_205 = arith.constant 0 : i32
      %dma_start3A_206 = arith.constant 0 : i32
      %dma_start3A_207 = tpu.memref_slice %arg7[%dma_start3A_202, %dma_start3A_205, %dma_start3A_206] : memref<2x128x64xf32, #tpu.memory_space<vmem>> -> memref<1x128x64xf32, #tpu.memory_space<vmem>>
      %dma_start3A_208 = tpu.memref_squeeze %dma_start3A_207 : memref<1x128x64xf32, #tpu.memory_space<vmem>> -> memref<128x64xf32, #tpu.memory_space<vmem>>
      %dma_start3A_209 = arith.constant 0 : i32
      %dma_start3A_210 = tpu.memref_slice %arg6[%dma_start3A_203, %sub3A_201, %dma_start3A_209] : memref<2x80x128xi32, #tpu.memory_space<vmem>> -> memref<1x1x128xi32, #tpu.memory_space<vmem>>
      %dma_start3A_211 = tpu.memref_squeeze %dma_start3A_210 : memref<1x1x128xi32, #tpu.memory_space<vmem>> -> memref<128xi32, #tpu.memory_space<vmem>>
      %dma_start3A_212 = arith.constant 0 : i32
      %dma_start3A_213 = arith.constant 0 : i32
      %dma_start3A_214 = tpu.memref_slice %arg9[%dma_start3A_212, %dma_start3A_213] : memref<10240x64xf32, #tpu.memory_space<vmem_shared>> -> memref<10240x64xf32, #tpu.memory_space<vmem_shared>>
      %dma_start3A_215 = tpu.memref_slice %arg11[%dma_start3A_204] : memref<2x!tpu.dma_semaphore, #tpu.memory_space<semaphore_mem>> -> memref<1x!tpu.dma_semaphore, #tpu.memory_space<semaphore_mem>>
      %dma_start3A_216 = tpu.memref_squeeze %dma_start3A_215 : memref<1x!tpu.dma_semaphore, #tpu.memory_space<semaphore_mem>> -> memref<!tpu.dma_semaphore, #tpu.memory_space<semaphore_mem>>
      tpu.enqueue_indirect_dma source(%dma_start3A_208 : memref<128x64xf32, #tpu.memory_space<vmem>>) target(%dma_start3A_214 : memref<10240x64xf32, #tpu.memory_space<vmem_shared>>) offsets(%dma_start3A_211 : memref<128xi32, #tpu.memory_space<vmem>>) semaphore(%dma_start3A_216 : memref<!tpu.dma_semaphore, #tpu.memory_space<semaphore_mem>>) {add = true}
      %add3A_217 = arith.constant 1 : i32
      %add3A_218 = arith.addi %add3A_149, %add3A_217 : i32
      %sub3A_219 = arith.constant 2 : i32
      %sub3A_220 = arith.subi %add3A_218, %sub3A_219 : i32
      %dma_wait3A_221 = arith.constant 1 : i32
      %dma_wait3A_222 = arith.constant 1 : i32
      %dma_wait3A_223 = arith.constant 1 : i32
      %dma_wait3A_224 = arith.constant 0 : i32
      %dma_wait3A_225 = arith.constant 0 : i32
      %dma_wait3A_226 = tpu.memref_slice %arg7[%dma_wait3A_221, %dma_wait3A_224, %dma_wait3A_225] : memref<2x128x64xf32, #tpu.memory_space<vmem>> -> memref<1x128x64xf32, #tpu.memory_space<vmem>>
      %dma_wait3A_227 = tpu.memref_squeeze %dma_wait3A_226 : memref<1x128x64xf32, #tpu.memory_space<vmem>> -> memref<128x64xf32, #tpu.memory_space<vmem>>
      %dma_wait3A_228 = arith.constant 0 : i32
      %dma_wait3A_229 = tpu.memref_slice %arg6[%dma_wait3A_222, %sub3A_220, %dma_wait3A_228] : memref<2x80x128xi32, #tpu.memory_space<vmem>> -> memref<1x1x128xi32, #tpu.memory_space<vmem>>
      %dma_wait3A_230 = tpu.memref_squeeze %dma_wait3A_229 : memref<1x1x128xi32, #tpu.memory_space<vmem>> -> memref<128xi32, #tpu.memory_space<vmem>>
      %dma_wait3A_231 = arith.constant 0 : i32
      %dma_wait3A_232 = arith.constant 0 : i32
      %dma_wait3A_233 = tpu.memref_slice %arg9[%dma_wait3A_231, %dma_wait3A_232] : memref<10240x64xf32, #tpu.memory_space<vmem_shared>> -> memref<10240x64xf32, #tpu.memory_space<vmem_shared>>
      %dma_wait3A_234 = tpu.memref_slice %arg11[%dma_wait3A_223] : memref<2x!tpu.dma_semaphore, #tpu.memory_space<semaphore_mem>> -> memref<1x!tpu.dma_semaphore, #tpu.memory_space<semaphore_mem>>
      %dma_wait3A_235 = tpu.memref_squeeze %dma_wait3A_234 : memref<1x!tpu.dma_semaphore, #tpu.memory_space<semaphore_mem>> -> memref<!tpu.dma_semaphore, #tpu.memory_space<semaphore_mem>>
      tpu.wait_indirect_dma semaphore(%dma_wait3A_235 : memref<!tpu.dma_semaphore, #tpu.memory_space<semaphore_mem>>) src(%dma_wait3A_227 : memref<128x64xf32, #tpu.memory_space<vmem>>) dst(%dma_wait3A_233 : memref<10240x64xf32, #tpu.memory_space<vmem_shared>>)
      %dma_start3A_236 = arith.constant 0 : i32
      %dma_start3A_237 = arith.constant 1 : i32
      %dma_start3A_238 = arith.constant 1 : i32
      %dma_start3A_239 = arith.constant 0 : i32
      %dma_start3A_240 = arith.constant 0 : i32
      %dma_start3A_241 = tpu.memref_slice %arg7[%dma_start3A_237, %dma_start3A_239, %dma_start3A_240] : memref<2x128x64xf32, #tpu.memory_space<vmem>> -> memref<1x128x64xf32, #tpu.memory_space<vmem>>
      %dma_start3A_242 = tpu.memref_squeeze %dma_start3A_241 : memref<1x128x64xf32, #tpu.memory_space<vmem>> -> memref<128x64xf32, #tpu.memory_space<vmem>>
      %dma_start3A_243 = arith.constant 0 : i32
      %dma_start3A_244 = tpu.memref_slice %arg6[%dma_start3A_236, %add3A_218, %dma_start3A_243] : memref<2x80x128xi32, #tpu.memory_space<vmem>> -> memref<1x1x128xi32, #tpu.memory_space<vmem>>
      %dma_start3A_245 = tpu.memref_squeeze %dma_start3A_244 : memref<1x1x128xi32, #tpu.memory_space<vmem>> -> memref<128xi32, #tpu.memory_space<vmem>>
      %dma_start3A_246 = arith.constant 0 : i32
      %dma_start3A_247 = arith.constant 0 : i32
      %dma_start3A_248 = tpu.memref_slice %arg8[%dma_start3A_246, %dma_start3A_247] : memref<10240x64xf32, #tpu.memory_space<vmem_shared>> -> memref<10240x64xf32, #tpu.memory_space<vmem_shared>>
      %dma_start3A_249 = tpu.memref_slice %arg10[%dma_start3A_238] : memref<2x!tpu.dma_semaphore, #tpu.memory_space<semaphore_mem>> -> memref<1x!tpu.dma_semaphore, #tpu.memory_space<semaphore_mem>>
      %dma_start3A_250 = tpu.memref_squeeze %dma_start3A_249 : memref<1x!tpu.dma_semaphore, #tpu.memory_space<semaphore_mem>> -> memref<!tpu.dma_semaphore, #tpu.memory_space<semaphore_mem>>
      tpu.enqueue_indirect_dma source(%dma_start3A_248 : memref<10240x64xf32, #tpu.memory_space<vmem_shared>>) target(%dma_start3A_242 : memref<128x64xf32, #tpu.memory_space<vmem>>) offsets(%dma_start3A_245 : memref<128xi32, #tpu.memory_space<vmem>>) semaphore(%dma_start3A_250 : memref<!tpu.dma_semaphore, #tpu.memory_space<semaphore_mem>>)
      %sub3A_251 = arith.constant 1 : i32
      %sub3A_252 = arith.subi %add3A_218, %sub3A_251 : i32
      %dma_wait3A_253 = arith.constant 0 : i32
      %dma_wait3A_254 = arith.constant 0 : i32
      %dma_wait3A_255 = arith.constant 0 : i32
      %dma_wait3A_256 = arith.constant 0 : i32
      %dma_wait3A_257 = arith.constant 0 : i32
      %dma_wait3A_258 = tpu.memref_slice %arg7[%dma_wait3A_254, %dma_wait3A_256, %dma_wait3A_257] : memref<2x128x64xf32, #tpu.memory_space<vmem>> -> memref<1x128x64xf32, #tpu.memory_space<vmem>>
      %dma_wait3A_259 = tpu.memref_squeeze %dma_wait3A_258 : memref<1x128x64xf32, #tpu.memory_space<vmem>> -> memref<128x64xf32, #tpu.memory_space<vmem>>
      %dma_wait3A_260 = arith.constant 0 : i32
      %dma_wait3A_261 = tpu.memref_slice %arg6[%dma_wait3A_253, %sub3A_252, %dma_wait3A_260] : memref<2x80x128xi32, #tpu.memory_space<vmem>> -> memref<1x1x128xi32, #tpu.memory_space<vmem>>
      %dma_wait3A_262 = tpu.memref_squeeze %dma_wait3A_261 : memref<1x1x128xi32, #tpu.memory_space<vmem>> -> memref<128xi32, #tpu.memory_space<vmem>>
      %dma_wait3A_263 = arith.constant 0 : i32
      %dma_wait3A_264 = arith.constant 0 : i32
      %dma_wait3A_265 = tpu.memref_slice %arg8[%dma_wait3A_263, %dma_wait3A_264] : memref<10240x64xf32, #tpu.memory_space<vmem_shared>> -> memref<10240x64xf32, #tpu.memory_space<vmem_shared>>
      %dma_wait3A_266 = tpu.memref_slice %arg10[%dma_wait3A_255] : memref<2x!tpu.dma_semaphore, #tpu.memory_space<semaphore_mem>> -> memref<1x!tpu.dma_semaphore, #tpu.memory_space<semaphore_mem>>
      %dma_wait3A_267 = tpu.memref_squeeze %dma_wait3A_266 : memref<1x!tpu.dma_semaphore, #tpu.memory_space<semaphore_mem>> -> memref<!tpu.dma_semaphore, #tpu.memory_space<semaphore_mem>>
      tpu.wait_indirect_dma semaphore(%dma_wait3A_267 : memref<!tpu.dma_semaphore, #tpu.memory_space<semaphore_mem>>) src(%dma_wait3A_265 : memref<10240x64xf32, #tpu.memory_space<vmem_shared>>) dst(%dma_wait3A_259 : memref<128x64xf32, #tpu.memory_space<vmem>>)
      %sub3A_268 = arith.constant 1 : i32
      %sub3A_269 = arith.subi %add3A_218, %sub3A_268 : i32
      %dma_start3A_270 = arith.constant 0 : i32
      %dma_start3A_271 = arith.constant 1 : i32
      %dma_start3A_272 = arith.constant 0 : i32
      %dma_start3A_273 = arith.constant 0 : i32
      %dma_start3A_274 = arith.constant 0 : i32
      %dma_start3A_275 = tpu.memref_slice %arg7[%dma_start3A_270, %dma_start3A_273, %dma_start3A_274] : memref<2x128x64xf32, #tpu.memory_space<vmem>> -> memref<1x128x64xf32, #tpu.memory_space<vmem>>
      %dma_start3A_276 = tpu.memref_squeeze %dma_start3A_275 : memref<1x128x64xf32, #tpu.memory_space<vmem>> -> memref<128x64xf32, #tpu.memory_space<vmem>>
      %dma_start3A_277 = arith.constant 0 : i32
      %dma_start3A_278 = tpu.memref_slice %arg6[%dma_start3A_271, %sub3A_269, %dma_start3A_277] : memref<2x80x128xi32, #tpu.memory_space<vmem>> -> memref<1x1x128xi32, #tpu.memory_space<vmem>>
      %dma_start3A_279 = tpu.memref_squeeze %dma_start3A_278 : memref<1x1x128xi32, #tpu.memory_space<vmem>> -> memref<128xi32, #tpu.memory_space<vmem>>
      %dma_start3A_280 = arith.constant 0 : i32
      %dma_start3A_281 = arith.constant 0 : i32
      %dma_start3A_282 = tpu.memref_slice %arg9[%dma_start3A_280, %dma_start3A_281] : memref<10240x64xf32, #tpu.memory_space<vmem_shared>> -> memref<10240x64xf32, #tpu.memory_space<vmem_shared>>
      %dma_start3A_283 = tpu.memref_slice %arg11[%dma_start3A_272] : memref<2x!tpu.dma_semaphore, #tpu.memory_space<semaphore_mem>> -> memref<1x!tpu.dma_semaphore, #tpu.memory_space<semaphore_mem>>
      %dma_start3A_284 = tpu.memref_squeeze %dma_start3A_283 : memref<1x!tpu.dma_semaphore, #tpu.memory_space<semaphore_mem>> -> memref<!tpu.dma_semaphore, #tpu.memory_space<semaphore_mem>>
      tpu.enqueue_indirect_dma source(%dma_start3A_276 : memref<128x64xf32, #tpu.memory_space<vmem>>) target(%dma_start3A_282 : memref<10240x64xf32, #tpu.memory_space<vmem_shared>>) offsets(%dma_start3A_279 : memref<128xi32, #tpu.memory_space<vmem>>) semaphore(%dma_start3A_284 : memref<!tpu.dma_semaphore, #tpu.memory_space<semaphore_mem>>) {add = true}
    }
    %scan3A_75 = arith.constant 39 : i32
    %dma_wait3A_76 = arith.constant 0 : i32
    %dma_wait3A_77 = arith.constant 79 : i32
    %dma_wait3A_78 = arith.constant 1 : i32
    %dma_wait3A_79 = arith.constant 1 : i32
    %dma_wait3A_80 = arith.constant 0 : i32
    %dma_wait3A_81 = arith.constant 0 : i32
    %dma_wait3A_82 = tpu.memref_slice %arg7[%dma_wait3A_78, %dma_wait3A_80, %dma_wait3A_81] : memref<2x128x64xf32, #tpu.memory_space<vmem>> -> memref<1x128x64xf32, #tpu.memory_space<vmem>>
    %dma_wait3A_83 = tpu.memref_squeeze %dma_wait3A_82 : memref<1x128x64xf32, #tpu.memory_space<vmem>> -> memref<128x64xf32, #tpu.memory_space<vmem>>
    %dma_wait3A_84 = arith.constant 0 : i32
    %dma_wait3A_85 = tpu.memref_slice %arg6[%dma_wait3A_76, %dma_wait3A_77, %dma_wait3A_84] : memref<2x80x128xi32, #tpu.memory_space<vmem>> -> memref<1x1x128xi32, #tpu.memory_space<vmem>>
    %dma_wait3A_86 = tpu.memref_squeeze %dma_wait3A_85 : memref<1x1x128xi32, #tpu.memory_space<vmem>> -> memref<128xi32, #tpu.memory_space<vmem>>
    %dma_wait3A_87 = arith.constant 0 : i32
    %dma_wait3A_88 = arith.constant 0 : i32
    %dma_wait3A_89 = tpu.memref_slice %arg8[%dma_wait3A_87, %dma_wait3A_88] : memref<10240x64xf32, #tpu.memory_space<vmem_shared>> -> memref<10240x64xf32, #tpu.memory_space<vmem_shared>>
    %dma_wait3A_90 = tpu.memref_slice %arg10[%dma_wait3A_79] : memref<2x!tpu.dma_semaphore, #tpu.memory_space<semaphore_mem>> -> memref<1x!tpu.dma_semaphore, #tpu.memory_space<semaphore_mem>>
    %dma_wait3A_91 = tpu.memref_squeeze %dma_wait3A_90 : memref<1x!tpu.dma_semaphore, #tpu.memory_space<semaphore_mem>> -> memref<!tpu.dma_semaphore, #tpu.memory_space<semaphore_mem>>
    tpu.wait_indirect_dma semaphore(%dma_wait3A_91 : memref<!tpu.dma_semaphore, #tpu.memory_space<semaphore_mem>>) src(%dma_wait3A_89 : memref<10240x64xf32, #tpu.memory_space<vmem_shared>>) dst(%dma_wait3A_83 : memref<128x64xf32, #tpu.memory_space<vmem>>)
    %dma_start3A_92 = arith.constant 1 : i32
    %dma_start3A_93 = arith.constant 1 : i32
    %dma_start3A_94 = arith.constant 79 : i32
    %dma_start3A_95 = arith.constant 1 : i32
    %dma_start3A_96 = arith.constant 0 : i32
    %dma_start3A_97 = arith.constant 0 : i32
    %dma_start3A_98 = tpu.memref_slice %arg7[%dma_start3A_92, %dma_start3A_96, %dma_start3A_97] : memref<2x128x64xf32, #tpu.memory_space<vmem>> -> memref<1x128x64xf32, #tpu.memory_space<vmem>>
    %dma_start3A_99 = tpu.memref_squeeze %dma_start3A_98 : memref<1x128x64xf32, #tpu.memory_space<vmem>> -> memref<128x64xf32, #tpu.memory_space<vmem>>
    %dma_start3A_100 = arith.constant 0 : i32
    %dma_start3A_101 = tpu.memref_slice %arg6[%dma_start3A_93, %dma_start3A_94, %dma_start3A_100] : memref<2x80x128xi32, #tpu.memory_space<vmem>> -> memref<1x1x128xi32, #tpu.memory_space<vmem>>
    %dma_start3A_102 = tpu.memref_squeeze %dma_start3A_101 : memref<1x1x128xi32, #tpu.memory_space<vmem>> -> memref<128xi32, #tpu.memory_space<vmem>>
    %dma_start3A_103 = arith.constant 0 : i32
    %dma_start3A_104 = arith.constant 0 : i32
    %dma_start3A_105 = tpu.memref_slice %arg9[%dma_start3A_103, %dma_start3A_104] : memref<10240x64xf32, #tpu.memory_space<vmem_shared>> -> memref<10240x64xf32, #tpu.memory_space<vmem_shared>>
    %dma_start3A_106 = tpu.memref_slice %arg11[%dma_start3A_95] : memref<2x!tpu.dma_semaphore, #tpu.memory_space<semaphore_mem>> -> memref<1x!tpu.dma_semaphore, #tpu.memory_space<semaphore_mem>>
    %dma_start3A_107 = tpu.memref_squeeze %dma_start3A_106 : memref<1x!tpu.dma_semaphore, #tpu.memory_space<semaphore_mem>> -> memref<!tpu.dma_semaphore, #tpu.memory_space<semaphore_mem>>
    tpu.enqueue_indirect_dma source(%dma_start3A_99 : memref<128x64xf32, #tpu.memory_space<vmem>>) target(%dma_start3A_105 : memref<10240x64xf32, #tpu.memory_space<vmem_shared>>) offsets(%dma_start3A_102 : memref<128xi32, #tpu.memory_space<vmem>>) semaphore(%dma_start3A_107 : memref<!tpu.dma_semaphore, #tpu.memory_space<semaphore_mem>>) {add = true}
    %dma_wait3A_108 = arith.constant 0 : i32
    %dma_wait3A_109 = arith.constant 1 : i32
    %dma_wait3A_110 = arith.constant 78 : i32
    %dma_wait3A_111 = arith.constant 0 : i32
    %dma_wait3A_112 = arith.constant 0 : i32
    %dma_wait3A_113 = arith.constant 0 : i32
    %dma_wait3A_114 = tpu.memref_slice %arg7[%dma_wait3A_108, %dma_wait3A_112, %dma_wait3A_113] : memref<2x128x64xf32, #tpu.memory_space<vmem>> -> memref<1x128x64xf32, #tpu.memory_space<vmem>>
    %dma_wait3A_115 = tpu.memref_squeeze %dma_wait3A_114 : memref<1x128x64xf32, #tpu.memory_space<vmem>> -> memref<128x64xf32, #tpu.memory_space<vmem>>
    %dma_wait3A_116 = arith.constant 0 : i32
    %dma_wait3A_117 = tpu.memref_slice %arg6[%dma_wait3A_109, %dma_wait3A_110, %dma_wait3A_116] : memref<2x80x128xi32, #tpu.memory_space<vmem>> -> memref<1x1x128xi32, #tpu.memory_space<vmem>>
    %dma_wait3A_118 = tpu.memref_squeeze %dma_wait3A_117 : memref<1x1x128xi32, #tpu.memory_space<vmem>> -> memref<128xi32, #tpu.memory_space<vmem>>
    %dma_wait3A_119 = arith.constant 0 : i32
    %dma_wait3A_120 = arith.constant 0 : i32
    %dma_wait3A_121 = tpu.memref_slice %arg9[%dma_wait3A_119, %dma_wait3A_120] : memref<10240x64xf32, #tpu.memory_space<vmem_shared>> -> memref<10240x64xf32, #tpu.memory_space<vmem_shared>>
    %dma_wait3A_122 = tpu.memref_slice %arg11[%dma_wait3A_111] : memref<2x!tpu.dma_semaphore, #tpu.memory_space<semaphore_mem>> -> memref<1x!tpu.dma_semaphore, #tpu.memory_space<semaphore_mem>>
    %dma_wait3A_123 = tpu.memref_squeeze %dma_wait3A_122 : memref<1x!tpu.dma_semaphore, #tpu.memory_space<semaphore_mem>> -> memref<!tpu.dma_semaphore, #tpu.memory_space<semaphore_mem>>
    tpu.wait_indirect_dma semaphore(%dma_wait3A_123 : memref<!tpu.dma_semaphore, #tpu.memory_space<semaphore_mem>>) src(%dma_wait3A_115 : memref<128x64xf32, #tpu.memory_space<vmem>>) dst(%dma_wait3A_121 : memref<10240x64xf32, #tpu.memory_space<vmem_shared>>)
    %dma_wait3A_124 = arith.constant 1 : i32
    %dma_wait3A_125 = arith.constant 1 : i32
    %dma_wait3A_126 = arith.constant 79 : i32
    %dma_wait3A_127 = arith.constant 1 : i32
    %dma_wait3A_128 = arith.constant 0 : i32
    %dma_wait3A_129 = arith.constant 0 : i32
    %dma_wait3A_130 = tpu.memref_slice %arg7[%dma_wait3A_124, %dma_wait3A_128, %dma_wait3A_129] : memref<2x128x64xf32, #tpu.memory_space<vmem>> -> memref<1x128x64xf32, #tpu.memory_space<vmem>>
    %dma_wait3A_131 = tpu.memref_squeeze %dma_wait3A_130 : memref<1x128x64xf32, #tpu.memory_space<vmem>> -> memref<128x64xf32, #tpu.memory_space<vmem>>
    %dma_wait3A_132 = arith.constant 0 : i32
    %dma_wait3A_133 = tpu.memref_slice %arg6[%dma_wait3A_125, %dma_wait3A_126, %dma_wait3A_132] : memref<2x80x128xi32, #tpu.memory_space<vmem>> -> memref<1x1x128xi32, #tpu.memory_space<vmem>>
    %dma_wait3A_134 = tpu.memref_squeeze %dma_wait3A_133 : memref<1x1x128xi32, #tpu.memory_space<vmem>> -> memref<128xi32, #tpu.memory_space<vmem>>
    %dma_wait3A_135 = arith.constant 0 : i32
    %dma_wait3A_136 = arith.constant 0 : i32
    %dma_wait3A_137 = tpu.memref_slice %arg9[%dma_wait3A_135, %dma_wait3A_136] : memref<10240x64xf32, #tpu.memory_space<vmem_shared>> -> memref<10240x64xf32, #tpu.memory_space<vmem_shared>>
    %dma_wait3A_138 = tpu.memref_slice %arg11[%dma_wait3A_127] : memref<2x!tpu.dma_semaphore, #tpu.memory_space<semaphore_mem>> -> memref<1x!tpu.dma_semaphore, #tpu.memory_space<semaphore_mem>>
    %dma_wait3A_139 = tpu.memref_squeeze %dma_wait3A_138 : memref<1x!tpu.dma_semaphore, #tpu.memory_space<semaphore_mem>> -> memref<!tpu.dma_semaphore, #tpu.memory_space<semaphore_mem>>
    tpu.wait_indirect_dma semaphore(%dma_wait3A_139 : memref<!tpu.dma_semaphore, #tpu.memory_space<semaphore_mem>>) src(%dma_wait3A_131 : memref<128x64xf32, #tpu.memory_space<vmem>>) dst(%dma_wait3A_137 : memref<10240x64xf32, #tpu.memory_space<vmem_shared>>)
    %barrier3A_140 = arith.constant 0 : index
    tpu.barrier barrier_id(%barrier3A_140)
    %mul3A_141 = arith.constant 640 : i32
    %mul3A_142 = arith.muli %arg1, %mul3A_141 : i32
    %mul3A_143 = arith.constant 640 : i32
    %mul3A_144 = arith.muli %arg1, %mul3A_143 : i32
    "tpu.region"() ({
      %run_scoped3A_145 = tpu.sem_alloc : memref<!tpu.dma_semaphore, #tpu.memory_space<semaphore_mem>>
      %dma_start3A_146 = arith.constant 0 : i32
      %dma_start3A_147 = tpu.memref_slice %arg5[%arg0, %mul3A_144, %dma_start3A_146] : memref<2x10240x64xf32, #tpu.memory_space<hbm>> -> memref<1x640x64xf32, #tpu.memory_space<hbm>>
      %dma_start3A_148 = tpu.memref_squeeze %dma_start3A_147 : memref<1x640x64xf32, #tpu.memory_space<hbm>> -> memref<640x64xf32, #tpu.memory_space<hbm>>
      %dma_start3A_149 = arith.constant 0 : i32
      %dma_start3A_150 = tpu.memref_slice %arg9[%mul3A_142, %dma_start3A_149] : memref<10240x64xf32, #tpu.memory_space<vmem_shared>> -> memref<640x64xf32, #tpu.memory_space<vmem_shared>>
      tpu.enqueue_dma source(%dma_start3A_150 : memref<640x64xf32, #tpu.memory_space<vmem_shared>>) target(%dma_start3A_148 : memref<640x64xf32, #tpu.memory_space<hbm>>) target_semaphore(%run_scoped3A_145 : memref<!tpu.dma_semaphore, #tpu.memory_space<semaphore_mem>>)
      %dma_wait3A_151 = arith.constant 0 : i32
      %dma_wait3A_152 = tpu.memref_slice %arg5[%arg0, %mul3A_144, %dma_wait3A_151] : memref<2x10240x64xf32, #tpu.memory_space<hbm>> -> memref<1x640x64xf32, #tpu.memory_space<hbm>>
      %dma_wait3A_153 = tpu.memref_squeeze %dma_wait3A_152 : memref<1x640x64xf32, #tpu.memory_space<hbm>> -> memref<640x64xf32, #tpu.memory_space<hbm>>
      %dma_wait3A_154 = arith.constant 0 : i32
      %dma_wait3A_155 = tpu.memref_slice %arg9[%mul3A_142, %dma_wait3A_154] : memref<10240x64xf32, #tpu.memory_space<vmem_shared>> -> memref<640x64xf32, #tpu.memory_space<vmem_shared>>
      tpu.wait_dma2 semaphore(%run_scoped3A_145 : memref<!tpu.dma_semaphore, #tpu.memory_space<semaphore_mem>>) src(%dma_wait3A_155 : memref<640x64xf32, #tpu.memory_space<vmem_shared>>) dst(%dma_wait3A_153 : memref<640x64xf32, #tpu.memory_space<hbm>>)
      tpu.yield
    }) : () -> ()
    return
  }
}

module attributes {stable_mosaic.version = 14 : i64} {
  func.func @_mm1_body(%arg0: i32, %arg1: memref<1280x128xf32, #tpu.memory_space<vmem>>, %arg2: memref<128x128xf32, #tpu.memory_space<vmem>>, %arg3: memref<2x1280x1xf32, #tpu.memory_space<vmem>>, %arg4: memref<1280x128xf32, #tpu.memory_space<vmem>>) attributes {dimension_semantics = [#tpu.dimension_semantics<arbitrary>], iteration_bounds = array<i64: 8>, scalar_prefetch = 0 : i64, scratch_operands = 0 : i64, tpu.core_type = #tpu.core_type<tc>, window_params = [{transform_indices = @transform_0, window_bounds = array<i64: 1280, 128>}, {pipeline_mode = #tpu.pipeline_mode<synchronous>, transform_indices = @transform_1, window_bounds = array<i64: 128, 128>}, {transform_indices = @transform_2, window_bounds = array<i64: 2, 1280, 1>}, {transform_indices = @transform_3, window_bounds = array<i64: 1280, 128>}]} {
    %iota3A = tpu.iota {dimensions = array<i32: 0>} : vector<1280x1xi32>
    %mul3A = arith.constant 1280 : i32
    %mul3A_0 = arith.muli %arg0, %mul3A : i32
    %add3A = vector.broadcast %mul3A_0 : i32 to vector<1280x1xi32>
    %add3A_1 = arith.addi %iota3A, %add3A : vector<1280x1xi32>
    %get3A = arith.constant 0 : index
    %get3A_2 = arith.constant 0 : index
    %get3A_3 = arith.constant 0 : index
    %get3A_4 = vector.load %arg3[%get3A, %get3A_2, %get3A_3] : memref<2x1280x1xf32, #tpu.memory_space<vmem>>, vector<1x1280x1xf32>
    %get3A_5 = vector.shape_cast %get3A_4 : vector<1x1280x1xf32> to vector<1280x1xf32>
    %get3A_6 = arith.constant 1 : index
    %get3A_7 = arith.constant 0 : index
    %get3A_8 = arith.constant 0 : index
    %get3A_9 = vector.load %arg3[%get3A_6, %get3A_7, %get3A_8] : memref<2x1280x1xf32, #tpu.memory_space<vmem>>, vector<1x1280x1xf32>
    %get3A_10 = vector.shape_cast %get3A_9 : vector<1x1280x1xf32> to vector<1280x1xf32>
    %add3A_11 = arith.addf %get3A_5, %get3A_10 : vector<1280x1xf32>
    %add3A_12 = arith.constant 1.000000e+00 : f32
    %add3A_13 = vector.broadcast %add3A_12 : f32 to vector<1280x1xf32>
    %add3A_14 = arith.addf %add3A_11, %add3A_13 : vector<1280x1xf32>
    %lt3A = arith.constant 10000 : i32
    %lt3A_15 = vector.broadcast %lt3A : i32 to vector<1280x1xi32>
    %lt3A_16 = arith.cmpi slt, %add3A_1, %lt3A_15 : vector<1280x1xi32>
    %rsqrt3A = math.rsqrt %add3A_14 : vector<1280x1xf32>
    %jit3A = arith.constant 0.000000e+00 : f32
    %broadcast_in_dim3A = vector.broadcast %jit3A : f32 to vector<1280x1xf32>
    %select_n3A = arith.select %lt3A_16, %rsqrt3A, %broadcast_in_dim3A : vector<1280x1xi1>, vector<1280x1xf32>
    %get3A_17 = arith.constant 0 : index
    %get3A_18 = arith.constant 0 : index
    %get3A_19 = vector.load %arg1[%get3A_17, %get3A_18] : memref<1280x128xf32, #tpu.memory_space<vmem>>, vector<1280x128xf32>
    %get3A_20 = arith.constant 0 : index
    %get3A_21 = arith.constant 0 : index
    %get3A_22 = vector.load %arg2[%get3A_20, %get3A_21] : memref<128x128xf32, #tpu.memory_space<vmem>>, vector<128x128xf32>
    %dot_general3A = arith.constant dense<0.000000e+00> : vector<1280x128xf32>
    %dot_general3A_23 = tpu.matmul %get3A_19, %get3A_22, %dot_general3A {dimension_numbers = #tpu.dot_dimension_numbers<[1], [0], [0], [1], [0, 0, 1, 1], [], []>, transpose_lhs_hint = false} : vector<1280x128xf32>, vector<128x128xf32>, vector<1280x128xf32> -> vector<1280x128xf32>
    %mul3A_24 = vector.broadcast %select_n3A : vector<1280x1xf32> to vector<1280x128xf32>
    %mul3A_25 = arith.mulf %dot_general3A_23, %mul3A_24 : vector<1280x128xf32>
    %swap3A = arith.constant 0 : index
    %swap3A_26 = arith.constant 0 : index
    %swap3A_27 = vector.load %arg4[%swap3A, %swap3A_26] : memref<1280x128xf32, #tpu.memory_space<vmem>>, vector<1280x128xf32>
    tpu.vector_store %arg4[%swap3A, %swap3A_26], %mul3A_25 {strides = array<i32>} : memref<1280x128xf32, #tpu.memory_space<vmem>>, vector<1280x128xf32>,
    return
  }
  func.func @transform_0(%arg0: i32) -> (i32, i32) {
    %c0_i32 = arith.constant 0 : i32
    %c0_i32_0 = arith.constant 0 : i32
    return %arg0, %c0_i32 : i32, i32
  }
  func.func @transform_1(%arg0: i32) -> (i32, i32) {
    %c0_i32 = arith.constant 0 : i32
    %c0_i32_0 = arith.constant 0 : i32
    %c0_i32_1 = arith.constant 0 : i32
    return %c0_i32, %c0_i32_0 : i32, i32
  }
  func.func @transform_2(%arg0: i32) -> (i32, i32, i32) {
    %c0_i32 = arith.constant 0 : i32
    %c0_i32_0 = arith.constant 0 : i32
    %c0_i32_1 = arith.constant 0 : i32
    return %c0_i32, %arg0, %c0_i32_0 : i32, i32, i32
  }
  func.func @transform_3(%arg0: i32) -> (i32, i32) {
    %c0_i32 = arith.constant 0 : i32
    %c0_i32_0 = arith.constant 0 : i32
    return %arg0, %c0_i32 : i32, i32
  }
}

module attributes {stable_mosaic.version = 14 : i64} {
  func.func @_mid_body(%arg0: i32, %arg1: memref<2x1280x64xf32, #tpu.memory_space<vmem>>, %arg2: memref<1280x128xf32, #tpu.memory_space<vmem>>, %arg3: memref<2x1280x1xf32, #tpu.memory_space<vmem>>, %arg4: memref<1x128xf32, #tpu.memory_space<vmem>>, %arg5: memref<128x64xf32, #tpu.memory_space<vmem>>, %arg6: memref<1280x64xf32, #tpu.memory_space<vmem>>) attributes {dimension_semantics = [#tpu.dimension_semantics<arbitrary>], iteration_bounds = array<i64: 8>, scalar_prefetch = 0 : i64, scratch_operands = 0 : i64, tpu.core_type = #tpu.core_type<tc>, window_params = [{transform_indices = @transform_0, window_bounds = array<i64: 2, 1280, 64>}, {transform_indices = @transform_1, window_bounds = array<i64: 1280, 128>}, {transform_indices = @transform_2, window_bounds = array<i64: 2, 1280, 1>}, {pipeline_mode = #tpu.pipeline_mode<synchronous>, transform_indices = @transform_3, window_bounds = array<i64: 1, 128>}, {pipeline_mode = #tpu.pipeline_mode<synchronous>, transform_indices = @transform_4, window_bounds = array<i64: 128, 64>}, {transform_indices = @transform_5, window_bounds = array<i64: 1280, 64>}]} {
    %iota3A = tpu.iota {dimensions = array<i32: 0>} : vector<1280x1xi32>
    %mul3A = arith.constant 1280 : i32
    %mul3A_0 = arith.muli %arg0, %mul3A : i32
    %add3A = vector.broadcast %mul3A_0 : i32 to vector<1280x1xi32>
    %add3A_1 = arith.addi %iota3A, %add3A : vector<1280x1xi32>
    %get3A = arith.constant 0 : index
    %get3A_2 = arith.constant 0 : index
    %get3A_3 = arith.constant 0 : index
    %get3A_4 = vector.load %arg3[%get3A, %get3A_2, %get3A_3] : memref<2x1280x1xf32, #tpu.memory_space<vmem>>, vector<1x1280x1xf32>
    %get3A_5 = vector.shape_cast %get3A_4 : vector<1x1280x1xf32> to vector<1280x1xf32>
    %get3A_6 = arith.constant 1 : index
    %get3A_7 = arith.constant 0 : index
    %get3A_8 = arith.constant 0 : index
    %get3A_9 = vector.load %arg3[%get3A_6, %get3A_7, %get3A_8] : memref<2x1280x1xf32, #tpu.memory_space<vmem>>, vector<1x1280x1xf32>
    %get3A_10 = vector.shape_cast %get3A_9 : vector<1x1280x1xf32> to vector<1280x1xf32>
    %add3A_11 = arith.addf %get3A_5, %get3A_10 : vector<1280x1xf32>
    %add3A_12 = arith.constant 1.000000e+00 : f32
    %add3A_13 = vector.broadcast %add3A_12 : f32 to vector<1280x1xf32>
    %add3A_14 = arith.addf %add3A_11, %add3A_13 : vector<1280x1xf32>
    %lt3A = arith.constant 10000 : i32
    %lt3A_15 = vector.broadcast %lt3A : i32 to vector<1280x1xi32>
    %lt3A_16 = arith.cmpi slt, %add3A_1, %lt3A_15 : vector<1280x1xi32>
    %rsqrt3A = math.rsqrt %add3A_14 : vector<1280x1xf32>
    %jit3A = arith.constant 0.000000e+00 : f32
    %broadcast_in_dim3A = vector.broadcast %jit3A : f32 to vector<1280x1xf32>
    %select_n3A = arith.select %lt3A_16, %rsqrt3A, %broadcast_in_dim3A : vector<1280x1xi1>, vector<1280x1xf32>
    %get3A_17 = arith.constant 0 : index
    %get3A_18 = arith.constant 0 : index
    %get3A_19 = arith.constant 0 : index
    %get3A_20 = vector.load %arg1[%get3A_17, %get3A_18, %get3A_19] : memref<2x1280x64xf32, #tpu.memory_space<vmem>>, vector<1x1280x64xf32>
    %get3A_21 = vector.shape_cast %get3A_20 : vector<1x1280x64xf32> to vector<1280x64xf32>
    %get3A_22 = arith.constant 1 : index
    %get3A_23 = arith.constant 0 : index
    %get3A_24 = arith.constant 0 : index
    %get3A_25 = vector.load %arg1[%get3A_22, %get3A_23, %get3A_24] : memref<2x1280x64xf32, #tpu.memory_space<vmem>>, vector<1x1280x64xf32>
    %get3A_26 = vector.shape_cast %get3A_25 : vector<1x1280x64xf32> to vector<1280x64xf32>
    %concatenate3A = tpu.concatenate %get3A_21, %get3A_26 in 1 : vector<1280x64xf32>, vector<1280x64xf32> -> vector<1280x128xf32>
    %get3A_27 = arith.constant 0 : index
    %get3A_28 = arith.constant 0 : index
    %get3A_29 = vector.load %arg2[%get3A_27, %get3A_28] : memref<1280x128xf32, #tpu.memory_space<vmem>>, vector<1280x128xf32>
    %add3A_30 = arith.addf %concatenate3A, %get3A_29 : vector<1280x128xf32>
    %mul3A_31 = vector.broadcast %select_n3A : vector<1280x1xf32> to vector<1280x128xf32>
    %mul3A_32 = arith.mulf %add3A_30, %mul3A_31 : vector<1280x128xf32>
    %get3A_33 = arith.constant 0 : index
    %get3A_34 = arith.constant 0 : index
    %get3A_35 = vector.load %arg4[%get3A_33, %get3A_34] : memref<1x128xf32, #tpu.memory_space<vmem>>, vector<1x128xf32>
    %add3A_36 = vector.broadcast %get3A_35 : vector<1x128xf32> to vector<1280x128xf32>
    %add3A_37 = arith.addf %mul3A_32, %add3A_36 : vector<1280x128xf32>
    %max3A = arith.constant 0.000000e+00 : f32
    %max3A_38 = vector.broadcast %max3A : f32 to vector<1280x128xf32>
    %max3A_39 = arith.maximumf %add3A_37, %max3A_38 : vector<1280x128xf32>
    %get3A_40 = arith.constant 0 : index
    %get3A_41 = arith.constant 0 : index
    %get3A_42 = vector.load %arg5[%get3A_40, %get3A_41] : memref<128x64xf32, #tpu.memory_space<vmem>>, vector<128x64xf32>
    %dot_general3A = arith.constant dense<0.000000e+00> : vector<1280x64xf32>
    %dot_general3A_43 = tpu.matmul %max3A_39, %get3A_42, %dot_general3A {dimension_numbers = #tpu.dot_dimension_numbers<[1], [0], [0], [1], [0, 0, 1, 1], [], []>, transpose_lhs_hint = false} : vector<1280x128xf32>, vector<128x64xf32>, vector<1280x64xf32> -> vector<1280x64xf32>
    %mul3A_44 = vector.broadcast %select_n3A : vector<1280x1xf32> to vector<1280x64xf32>
    %mul3A_45 = arith.mulf %dot_general3A_43, %mul3A_44 : vector<1280x64xf32>
    %swap3A = arith.constant 0 : index
    %swap3A_46 = arith.constant 0 : index
    %swap3A_47 = vector.load %arg6[%swap3A, %swap3A_46] : memref<1280x64xf32, #tpu.memory_space<vmem>>, vector<1280x64xf32>
    tpu.vector_store %arg6[%swap3A, %swap3A_46], %mul3A_45 {strides = array<i32>} : memref<1280x64xf32, #tpu.memory_space<vmem>>, vector<1280x64xf32>,
    return
  }
  func.func @transform_0(%arg0: i32) -> (i32, i32, i32) {
    %c0_i32 = arith.constant 0 : i32
    %c0_i32_0 = arith.constant 0 : i32
    %c0_i32_1 = arith.constant 0 : i32
    return %c0_i32, %arg0, %c0_i32_0 : i32, i32, i32
  }
  func.func @transform_1(%arg0: i32) -> (i32, i32) {
    %c0_i32 = arith.constant 0 : i32
    %c0_i32_0 = arith.constant 0 : i32
    return %arg0, %c0_i32 : i32, i32
  }
  func.func @transform_2(%arg0: i32) -> (i32, i32, i32) {
    %c0_i32 = arith.constant 0 : i32
    %c0_i32_0 = arith.constant 0 : i32
    %c0_i32_1 = arith.constant 0 : i32
    return %c0_i32, %arg0, %c0_i32_0 : i32, i32, i32
  }
  func.func @transform_3(%arg0: i32) -> (i32, i32) {
    %c0_i32 = arith.constant 0 : i32
    %c0_i32_0 = arith.constant 0 : i32
    %c0_i32_1 = arith.constant 0 : i32
    return %c0_i32, %c0_i32_0 : i32, i32
  }
  func.func @transform_4(%arg0: i32) -> (i32, i32) {
    %c0_i32 = arith.constant 0 : i32
    %c0_i32_0 = arith.constant 0 : i32
    %c0_i32_1 = arith.constant 0 : i32
    return %c0_i32, %c0_i32_0 : i32, i32
  }
  func.func @transform_5(%arg0: i32) -> (i32, i32) {
    %c0_i32 = arith.constant 0 : i32
    %c0_i32_0 = arith.constant 0 : i32
    return %arg0, %c0_i32 : i32, i32
  }
}

module attributes {stable_mosaic.version = 14 : i64} {
  func.func @_fin_body(%arg0: i32, %arg1: memref<2x1280x64xf32, #tpu.memory_space<vmem>>, %arg2: memref<1280x64xf32, #tpu.memory_space<vmem>>, %arg3: memref<2x1280x1xf32, #tpu.memory_space<vmem>>, %arg4: memref<1x64xf32, #tpu.memory_space<vmem>>, %arg5: memref<64x128xf32, #tpu.memory_space<vmem>>, %arg6: memref<1x128xf32, #tpu.memory_space<vmem>>, %arg7: memref<128x128xf32, #tpu.memory_space<vmem>>, %arg8: memref<1x128xf32, #tpu.memory_space<vmem>>, %arg9: memref<1280x128xf32, #tpu.memory_space<vmem>>) attributes {dimension_semantics = [#tpu.dimension_semantics<arbitrary>], iteration_bounds = array<i64: 8>, scalar_prefetch = 0 : i64, scratch_operands = 0 : i64, tpu.core_type = #tpu.core_type<tc>, window_params = [{transform_indices = @transform_0, window_bounds = array<i64: 2, 1280, 64>}, {transform_indices = @transform_1, window_bounds = array<i64: 1280, 64>}, {transform_indices = @transform_2, window_bounds = array<i64: 2, 1280, 1>}, {pipeline_mode = #tpu.pipeline_mode<synchronous>, transform_indices = @transform_3, window_bounds = array<i64: 1, 64>}, {pipeline_mode = #tpu.pipeline_mode<synchronous>, transform_indices = @transform_4, window_bounds = array<i64: 64, 128>}, {pipeline_mode = #tpu.pipeline_mode<synchronous>, transform_indices = @transform_5, window_bounds = array<i64: 1, 128>}, {pipeline_mode = #tpu.pipeline_mode<synchronous>, transform_indices = @transform_6, window_bounds = array<i64: 128, 128>}, {pipeline_mode = #tpu.pipeline_mode<synchronous>, transform_indices = @transform_7, window_bounds = array<i64: 1, 128>}, {transform_indices = @transform_8, window_bounds = array<i64: 1280, 128>}]} {
    %iota3A = tpu.iota {dimensions = array<i32: 0>} : vector<1280x1xi32>
    %mul3A = arith.constant 1280 : i32
    %mul3A_0 = arith.muli %arg0, %mul3A : i32
    %add3A = vector.broadcast %mul3A_0 : i32 to vector<1280x1xi32>
    %add3A_1 = arith.addi %iota3A, %add3A : vector<1280x1xi32>
    %get3A = arith.constant 0 : index
    %get3A_2 = arith.constant 0 : index
    %get3A_3 = arith.constant 0 : index
    %get3A_4 = vector.load %arg3[%get3A, %get3A_2, %get3A_3] : memref<2x1280x1xf32, #tpu.memory_space<vmem>>, vector<1x1280x1xf32>
    %get3A_5 = vector.shape_cast %get3A_4 : vector<1x1280x1xf32> to vector<1280x1xf32>
    %get3A_6 = arith.constant 1 : index
    %get3A_7 = arith.constant 0 : index
    %get3A_8 = arith.constant 0 : index
    %get3A_9 = vector.load %arg3[%get3A_6, %get3A_7, %get3A_8] : memref<2x1280x1xf32, #tpu.memory_space<vmem>>, vector<1x1280x1xf32>
    %get3A_10 = vector.shape_cast %get3A_9 : vector<1x1280x1xf32> to vector<1280x1xf32>
    %add3A_11 = arith.addf %get3A_5, %get3A_10 : vector<1280x1xf32>
    %add3A_12 = arith.constant 1.000000e+00 : f32
    %add3A_13 = vector.broadcast %add3A_12 : f32 to vector<1280x1xf32>
    %add3A_14 = arith.addf %add3A_11, %add3A_13 : vector<1280x1xf32>
    %lt3A = arith.constant 10000 : i32
    %lt3A_15 = vector.broadcast %lt3A : i32 to vector<1280x1xi32>
    %lt3A_16 = arith.cmpi slt, %add3A_1, %lt3A_15 : vector<1280x1xi32>
    %rsqrt3A = math.rsqrt %add3A_14 : vector<1280x1xf32>
    %jit3A = arith.constant 0.000000e+00 : f32
    %broadcast_in_dim3A = vector.broadcast %jit3A : f32 to vector<1280x1xf32>
    %select_n3A = arith.select %lt3A_16, %rsqrt3A, %broadcast_in_dim3A : vector<1280x1xi1>, vector<1280x1xf32>
    %get3A_17 = arith.constant 0 : index
    %get3A_18 = arith.constant 0 : index
    %get3A_19 = arith.constant 0 : index
    %get3A_20 = vector.load %arg1[%get3A_17, %get3A_18, %get3A_19] : memref<2x1280x64xf32, #tpu.memory_space<vmem>>, vector<1x1280x64xf32>
    %get3A_21 = vector.shape_cast %get3A_20 : vector<1x1280x64xf32> to vector<1280x64xf32>
    %get3A_22 = arith.constant 1 : index
    %get3A_23 = arith.constant 0 : index
    %get3A_24 = arith.constant 0 : index
    %get3A_25 = vector.load %arg1[%get3A_22, %get3A_23, %get3A_24] : memref<2x1280x64xf32, #tpu.memory_space<vmem>>, vector<1x1280x64xf32>
    %get3A_26 = vector.shape_cast %get3A_25 : vector<1x1280x64xf32> to vector<1280x64xf32>
    %add3A_27 = arith.addf %get3A_21, %get3A_26 : vector<1280x64xf32>
    %get3A_28 = arith.constant 0 : index
    %get3A_29 = arith.constant 0 : index
    %get3A_30 = vector.load %arg2[%get3A_28, %get3A_29] : memref<1280x64xf32, #tpu.memory_space<vmem>>, vector<1280x64xf32>
    %add3A_31 = arith.addf %add3A_27, %get3A_30 : vector<1280x64xf32>
    %mul3A_32 = vector.broadcast %select_n3A : vector<1280x1xf32> to vector<1280x64xf32>
    %mul3A_33 = arith.mulf %add3A_31, %mul3A_32 : vector<1280x64xf32>
    %get3A_34 = arith.constant 0 : index
    %get3A_35 = arith.constant 0 : index
    %get3A_36 = vector.load %arg4[%get3A_34, %get3A_35] : memref<1x64xf32, #tpu.memory_space<vmem>>, vector<1x64xf32>
    %add3A_37 = vector.broadcast %get3A_36 : vector<1x64xf32> to vector<1280x64xf32>
    %add3A_38 = arith.addf %mul3A_33, %add3A_37 : vector<1280x64xf32>
    %max3A = arith.constant 0.000000e+00 : f32
    %max3A_39 = vector.broadcast %max3A : f32 to vector<1280x64xf32>
    %max3A_40 = arith.maximumf %add3A_38, %max3A_39 : vector<1280x64xf32>
    %get3A_41 = arith.constant 0 : index
    %get3A_42 = arith.constant 0 : index
    %get3A_43 = vector.load %arg5[%get3A_41, %get3A_42] : memref<64x128xf32, #tpu.memory_space<vmem>>, vector<64x128xf32>
    %dot_general3A = arith.constant dense<0.000000e+00> : vector<1280x128xf32>
    %dot_general3A_44 = tpu.matmul %max3A_40, %get3A_43, %dot_general3A {dimension_numbers = #tpu.dot_dimension_numbers<[1], [0], [0], [1], [0, 0, 1, 1], [], []>, transpose_lhs_hint = false} : vector<1280x64xf32>, vector<64x128xf32>, vector<1280x128xf32> -> vector<1280x128xf32>
    %get3A_45 = arith.constant 0 : index
    %get3A_46 = arith.constant 0 : index
    %get3A_47 = vector.load %arg6[%get3A_45, %get3A_46] : memref<1x128xf32, #tpu.memory_space<vmem>>, vector<1x128xf32>
    %add3A_48 = vector.broadcast %get3A_47 : vector<1x128xf32> to vector<1280x128xf32>
    %add3A_49 = arith.addf %dot_general3A_44, %add3A_48 : vector<1280x128xf32>
    %max3A_50 = arith.constant 0.000000e+00 : f32
    %max3A_51 = vector.broadcast %max3A_50 : f32 to vector<1280x128xf32>
    %max3A_52 = arith.maximumf %add3A_49, %max3A_51 : vector<1280x128xf32>
    %get3A_53 = arith.constant 0 : index
    %get3A_54 = arith.constant 0 : index
    %get3A_55 = vector.load %arg7[%get3A_53, %get3A_54] : memref<128x128xf32, #tpu.memory_space<vmem>>, vector<128x128xf32>
    %dot_general3A_56 = arith.constant dense<0.000000e+00> : vector<1280x128xf32>
    %dot_general3A_57 = tpu.matmul %max3A_52, %get3A_55, %dot_general3A_56 {dimension_numbers = #tpu.dot_dimension_numbers<[1], [0], [0], [1], [0, 0, 1, 1], [], []>, transpose_lhs_hint = false} : vector<1280x128xf32>, vector<128x128xf32>, vector<1280x128xf32> -> vector<1280x128xf32>
    %get3A_58 = arith.constant 0 : index
    %get3A_59 = arith.constant 0 : index
    %get3A_60 = vector.load %arg8[%get3A_58, %get3A_59] : memref<1x128xf32, #tpu.memory_space<vmem>>, vector<1x128xf32>
    %add3A_61 = vector.broadcast %get3A_60 : vector<1x128xf32> to vector<1280x128xf32>
    %add3A_62 = arith.addf %dot_general3A_57, %add3A_61 : vector<1280x128xf32>
    %swap3A = arith.constant 0 : index
    %swap3A_63 = arith.constant 0 : index
    %swap3A_64 = vector.load %arg9[%swap3A, %swap3A_63] : memref<1280x128xf32, #tpu.memory_space<vmem>>, vector<1280x128xf32>
    tpu.vector_store %arg9[%swap3A, %swap3A_63], %add3A_62 {strides = array<i32>} : memref<1280x128xf32, #tpu.memory_space<vmem>>, vector<1280x128xf32>,
    return
  }
  func.func @transform_0(%arg0: i32) -> (i32, i32, i32) {
    %c0_i32 = arith.constant 0 : i32
    %c0_i32_0 = arith.constant 0 : i32
    %c0_i32_1 = arith.constant 0 : i32
    return %c0_i32, %arg0, %c0_i32_0 : i32, i32, i32
  }
  func.func @transform_1(%arg0: i32) -> (i32, i32) {
    %c0_i32 = arith.constant 0 : i32
    %c0_i32_0 = arith.constant 0 : i32
    return %arg0, %c0_i32 : i32, i32
  }
  func.func @transform_2(%arg0: i32) -> (i32, i32, i32) {
    %c0_i32 = arith.constant 0 : i32
    %c0_i32_0 = arith.constant 0 : i32
    %c0_i32_1 = arith.constant 0 : i32
    return %c0_i32, %arg0, %c0_i32_0 : i32, i32, i32
  }
  func.func @transform_3(%arg0: i32) -> (i32, i32) {
    %c0_i32 = arith.constant 0 : i32
    %c0_i32_0 = arith.constant 0 : i32
    %c0_i32_1 = arith.constant 0 : i32
    return %c0_i32, %c0_i32_0 : i32, i32
  }
  func.func @transform_4(%arg0: i32) -> (i32, i32) {
    %c0_i32 = arith.constant 0 : i32
    %c0_i32_0 = arith.constant 0 : i32
    %c0_i32_1 = arith.constant 0 : i32
    return %c0_i32, %c0_i32_0 : i32, i32
  }
  func.func @transform_5(%arg0: i32) -> (i32, i32) {
    %c0_i32 = arith.constant 0 : i32
    %c0_i32_0 = arith.constant 0 : i32
    %c0_i32_1 = arith.constant 0 : i32
    return %c0_i32, %c0_i32_0 : i32, i32
  }
  func.func @transform_6(%arg0: i32) -> (i32, i32) {
    %c0_i32 = arith.constant 0 : i32
    %c0_i32_0 = arith.constant 0 : i32
    %c0_i32_1 = arith.constant 0 : i32
    return %c0_i32, %c0_i32_0 : i32, i32
  }
  func.func @transform_7(%arg0: i32) -> (i32, i32) {
    %c0_i32 = arith.constant 0 : i32
    %c0_i32_0 = arith.constant 0 : i32
    %c0_i32_1 = arith.constant 0 : i32
    return %c0_i32, %c0_i32_0 : i32, i32
  }
  func.func @transform_8(%arg0: i32) -> (i32, i32) {
    %c0_i32 = arith.constant 0 : i32
    %c0_i32_0 = arith.constant 0 : i32
    return %arg0, %c0_i32 : i32, i32
  }
}

</mosaic_0001>

<sc_bundles>
// kernel: kernel.11.cloned.1.call-start
scs
__scs_entry_jumppad:
0x0: {  	(pc) =	sbr.rel $0x88, $3  }
0x1: {  	(tag) =	ssettag $0x0;
	lr =	simm.s32 $0x1  }
0x2: {  	[smem:$0x3F97] =	sst lr;
	_ =	strace $0xD0000000  }
0x3: {  	_ = 	snop  }
0x4: {  	_ = 	snop  }
0x5: {  	_ = 	snop  }
0x6: {  	_ = 	snop  }
0x7: {  	_ = 	snop  }
__scs_overlays_trampoline_lowered:
0x8: {  	[smem:$0x3FA6] =	sst s0  }
0x9: {  	[smem:$0x3FA7] =	sst s1  }
0xa: {  	[smem:$0x3FA8] =	sst s2  }
0xb: {  	[smem:$0x3FA9] =	sst s3  }
0xc: {  	[smem:$0x3FAA] =	sst s4  }
0xd: {  	[smem:$0x3FAB] =	sst s5  }
0xe: {  	[smem:$0x3FAC] =	sst s6  }
0xf: {  	[smem:$0x3FAD] =	sst s7  }
0x10: {  	[smem:$0x3FAE] =	sst s8  }
0x11: {  	[smem:$0x3FAF] =	sst s9;
	s0 =	simm.s32 @!p0 $0x0  }
0x12: {  	s1 =	sld [smem:$0x3F95];
	s0 =	simm.s32 @p0 $0x1  }
0x13: {  	[smem:$0x3FB0] =	sst s0;
	s0 =	simm.s32 @!p1 $0x0  }
0x14: {  	s2 =	sld [smem:$0x3F94];
	s0 =	simm.s32 @p1 $0x1  }
0x15: {  	[smem:$0x3FB1] =	sst s0;
	s0 =	simm.s32 @!p2 $0x0  }
0x16: {  	s3 =	sld [smem:$0x3FDB];
	s0 =	simm.s32 @p2 $0x1  }
0x17: {  	s4 =	simm.s32 $0x1BF5;
	[smem:$0x3FB3] =	sst s0  }
0x18: {  	s0 =	sld [smem:$0x3F96];
	_ =	swait.ge [sflag:s4], $0x0  }
0x19: {  	s7 =	sld [smem:$0x3F97]  }
0x1a: {  	s8 =	sadd.s32 $0xFFFFE003, lr  }
0x1b: {  	s9 =	sadd.s32 $0xFFFFFEF7, lr;
	s5 =	simm.s32 $0xFFFFFFFF;
	p2 =	slt.u32 s8, $0xFFFFF086  }
0x1c: {  	p1 =	slt.u32 s9, $0xF7A;
	s5 =	simm.s32 @!p2 $0x0  }
0x1d: {  	s5 =	simm.s32 @p1 $0x1;
	p0 =	seq.s32 s7, s2  }
0x1e: {  	s7 =	smul.u32 @!p0 $0xF7A, s2;
	p2 =	seq.s32 @!p0 s5, $0x0  }
0x1f: {  	s9 =	smul.u32 $0xF7A, s1;
	s8 =	simm.s32 @!p0 $0x1BF5;
	p2 =	por !p2, p0  }
0x20: {  	[sflag:s8] =	ssyncset.s32 @!p0 $0xFFFFF086;
	s6 =	sadd.s32 @!p0 s3, s7;
	s7 =	simm.s32 @!p0 $0x108  }
0x21: {  	s3 =	sadd.s32 s3, s9;
	s6 =	sadd.s32 @!p0 $0x88, s6;
	s7 =	simm.s32 @p2 $0x1082  }
0x22: {  	[simem:s7], [sflag:s8] =	dma.local @!p0 [hbm:s6], $0xF7A  }
0x23: {  	s9 =	sor.u32 $0xD0000000, s2;
	s6 =	simm.s32 $0x108;
	_ =	swait.ge @!p0 [sflag:s8], $0x0  }
0x24: {  	s3 =	sadd.s32 $0x88, s3;
	s6 =	simm.s32 @!p1 $0x1082;
	[sflag:s4] =	ssyncset.s32 $0xFFFFF086  }
0x25: {  	[simem:s6], [sflag:s4] =	dma.local [hbm:s3], $0xF7A  }
0x26: {  	[smem:$0x3F97] =	sst s1;
	(tag) =	ssettag s2;
	_ =	strace s9  }
0x27: {  	s1 =	sld [smem:$0x3FA7]  }
0x28: {  	s2 =	sld [smem:$0x3FA8]  }
0x29: {  	s4 =	sld [smem:$0x3FAA]  }
0x2a: {  	p0 =	seq.s32 s5, $0x0;
	s5 =	sld [smem:$0x3FAB]  }
0x2b: {  	s6 =	sld [smem:$0x3FAC]  }
0x2c: {  	s7 =	sld [smem:$0x3FAD]  }
0x2d: {  	s3 =	simm.s32 $0x108;
	s8 =	sld [smem:$0x3FAE]  }
0x2e: {  	s3 =	simm.s32 @!p0 $0x1082;
	s9 =	sld [smem:$0x3FAF]  }
0x2f: {  	lr =	sadd.s32 s0, s3;
	s0 =	sld [smem:$0x3FA6]  }
0x30: {  	s3 =	sld [smem:$0x3FA9]  }
0x31: {  	[smem:$0x3FB2] =	sst s10  }
0x32: {  	s10 =	sld [smem:$0x3FB0];
	_ =	sdelay $0x3  }
0x33: {  	p0 =	seq.s32 s10, $0x1;
	s10 =	sld [smem:$0x3FB2];
	_ =	sdelay $0x3  }
0x34: {  	[smem:$0x3FB2] =	sst s10  }
0x35: {  	s10 =	sld [smem:$0x3FB1];
	_ =	sdelay $0x3  }
0x36: {  	p1 =	seq.s32 s10, $0x1;
	s10 =	sld [smem:$0x3FB2];
	_ =	sdelay $0x3  }
0x37: {  	[smem:$0x3FB2] =	sst s10  }
0x38: {  	s10 =	sld [smem:$0x3FB3]  }
0x39: {  	_ = 	snop;
	(pc) =	sbr.ind lr, $3  }
0x3a: {  	_ = 	snop  }
0x3b: {  	_ = 	snop  }
0x3c: {  	p2 =	seq.s32 s10, $0x1;
	s10 =	sld [smem:$0x3FB2]  }
0x3d: {  	_ =	shalt  }
0x3e: {  	_ =	shalt  }
0x3f: {  	_ =	shalt  }
0x40: {  	_ =	shalt  }
0x41: {  	_ =	shalt  }
0x42: {  	_ =	shalt  }
0x43: {  	_ =	shalt  }
0x44: {  	_ =	shalt  }
0x45: {  	_ =	shalt  }
0x46: {  	_ =	shalt  }
0x47: {  	_ =	shalt  }
0x48: {  	_ =	shalt  }
0x49: {  	_ =	shalt  }
0x4a: {  	_ =	shalt  }
0x4b: {  	_ =	shalt  }
0x4c: {  	_ =	shalt  }
0x4d: {  	_ =	shalt  }
0x4e: {  	_ =	shalt  }
0x4f: {  	_ =	shalt  }
0x50: {  	_ =	shalt  }
0x51: {  	_ =	shalt  }
0x52: {  	_ =	shalt  }
0x53: {  	_ =	shalt  }
0x54: {  	_ =	shalt  }
0x55: {  	_ =	shalt  }
0x56: {  	_ =	shalt  }
0x57: {  	_ =	shalt  }
0x58: {  	_ =	shalt  }
0x59: {  	_ =	shalt  }
0x5a: {  	_ =	shalt  }
0x5b: {  	_ =	shalt  }
0x5c: {  	_ =	shalt  }
0x5d: {  	_ =	shalt  }
0x5e: {  	_ =	shalt  }
0x5f: {  	_ =	shalt  }
0x60: {  	_ =	shalt  }
0x61: {  	_ =	shalt  }
0x62: {  	_ =	shalt  }
0x63: {  	_ =	shalt  }
0x64: {  	_ =	shalt  }
0x65: {  	_ =	shalt  }
0x66: {  	_ =	shalt  }
0x67: {  	_ =	shalt  }
0x68: {  	_ =	shalt  }
0x69: {  	_ =	shalt  }
0x6a: {  	_ =	shalt  }
0x6b: {  	_ =	shalt  }
0x6c: {  	_ =	shalt  }
0x6d: {  	_ =	shalt  }
0x6e: {  	_ =	shalt  }
0x6f: {  	_ =	shalt  }
0x70: {  	_ =	shalt  }
0x71: {  	_ =	shalt  }
0x72: {  	_ =	shalt  }
0x73: {  	_ =	shalt  }
0x74: {  	_ =	shalt  }
0x75: {  	_ =	shalt  }
0x76: {  	_ =	shalt  }
0x77: {  	_ =	shalt  }
0x78: {  	_ =	shalt  }
0x79: {  	_ =	shalt  }
0x7a: {  	_ =	shalt  }
0x7b: {  	_ =	shalt  }
0x7c: {  	_ =	shalt  }
0x7d: {  	_ =	shalt  }
0x7e: {  	_ =	shalt  }
0x7f: {  	_ =	shalt  }
0x80: {  	_ =	shalt  }
0x81: {  	_ =	shalt  }
0x82: {  	_ =	shalt  }
0x83: {  	_ =	shalt  }
0x84: {  	_ =	shalt  }
0x85: {  	_ =	shalt  }
0x86: {  	_ =	shalt  }
0x87: {  	_ =	shalt  }
.Lfunc_end0:
.L_simem_size_0:
called_computation.1_lowered:
.L_overlay_start_0:
0x88: {  	s2 =	sld [smem:$0x3FD9]  }
0x89: {  	s3 =	sld [smem:$0x3FFE];
	_ =	sdelay $0x1  }
0x8a: {  	s1 =	srdreg.scid  }
0x8b: {  	s0 =	sand.u32 $0x1, s1  }
0x8c: {  	s17 =	sshll.u32 s0, $0xA;
	s2 =	sadd.s32 s3, s2  }
0x8d: {  	s2 =	sadd.s32 s2, s17  }
0x8e: {  	[smem:$0x3FBE] =	sst s2  }
0x8f: {  	_ = 	snop  }
0x90: {  	s2 =	sld [smem:$0x3FD0];
	(tm) =	ssettm $0x1  }
0x91: {  	s18 =	sld [smem:$0x3FFB];
	_ =	sdelay $0x3  }
0x92: {  	_ =	strace s18  }
0x93: {  	s3 =	sld [smem:$0x3FFC];
	_ =	sdelay $0x3  }
0x94: {  	_ =	strace s3  }
0x95: {  	s3 =	sld [smem:$0x3FFD];
	_ =	sdelay $0x3  }
0x96: {  	_ =	strace s3  }
0x97: {  	_ =	strace $0x8FFFFFFF  }
0x98: {  	s19 =	sld [smem:$0x3FDB];
	_ =	sdelay $0x1  }
0x99: {  	s4 =	simm.s32 $_scs_section_size  }
0x9a: {  	s5 =	simm.s32 $_size__tile_overlayer_lowered;
	s6 =	simm.s32 $_tile_overlayer_lowered  }
0x9b: {  	s22 =	simm.s32 $0x1BFF;
	s21 =	sshll.u32 s6, $0x1;
	s3 =	sadd.s32 s4, s19  }
0x9c: {  	s7 =	simm.s32 $0x0;
	s20 =	sshll.u32 s5, $0x1;
	s5 =	sadd.s32 s21, s3  }
0x9d: {  	[timem:s7], [sflag:s22] =	dma.local [hbm:s5], s20  }
0x9e: {  	_ =	swait.ge [sflag:s22], s20  }
0x9f: {  	s4 =	ssub.s32 $0x0, s20;
	[sflag:s22] =	ssyncset.done $0x0  }
0xa0: {  	[sflag:s22] =	ssyncadd.s32 s4;
	_ =	sdelay $0x1  }
0xa1: {  	s23 =	simm.s32 $0x1B8B  }
0xa2: {  	_ =	swait.ge [sflag:s23], $0x1  }
0xa3: {  	[sflag:s23] =	ssyncset.done $0x0  }
0xa4: {  	s25 =	simm.s32 $0x1B8E;
	s24 =	sld [smem:$0x3FFE];
	[sflag:s23] =	ssyncadd.s32 $0xFFFFFFFF  }
0xa5: {  	s26 =	simm.s32 $execute0_lowered;
	[smem:$0x3FD2] =	sst s25  }
0xa6: {  	s5 =	sshll.u32 s26, $0x1;
	_ =	strace $0x80000049;
	[dreg:$0x1] =	wrdreg $0xFFFFFFFF  }
0xa7: {  	s28 =	simm.s32 $_size_execute0_lowered;
	s3 =	sadd.s32 s3, s5;
	[dreg:$0x0] =	wrdreg $0x0  }
0xa8: {  	s5 =	sshll.u32 s28, $0x1;
	[dreg:$0x2] =	wrdreg s3  }
0xa9: {  	[dreg:$0x3] =	wrdreg s5  }
0xaa: {  	[dreg:$0x4] =	wrdreg $0xC0  }
0xab: {  	_ =	task [dreg:s7], $0x5FFFF  }
0xac: {  	[dreg:$0x1] =	wrdreg $0xFFFFFFFF  }
0xad: {  	[dreg:$0x0] =	wrdreg $0x60  }
0xae: {  	[dreg:$0x2] =	wrdreg s24  }
0xaf: {  	[dreg:$0x3] =	wrdreg s2  }
0xb0: {  	[dreg:$0x4] =	wrdreg $0x130000  }
0xb1: {  	[dreg:$0x5] =	wrdreg $0x90000  }
0xb2: {  	[dreg:$0x6] =	wrdreg $0x9  }
0xb3: {  	_ =	task.clear_ibuf [dreg:s7], $0x7FFFF;
	_ =	strace $0x90000049  }
0xb4: {  	s29 =	simm.s32 $0x9;
	_ =	strace $0x8000004B  }
0xb5: {  	_ =	swait.ge [sflag:s29], $0x1  }
0xb6: {  	[sflag:s29] =	ssyncadd.s32 $0xFFFFFFFF  }
0xb7: {  	_ =	strace $0x9000004B  }
0xb8: {  	_ =	sfence  }
0xb9: {  	s30 =	sld [smem:$0x0];
	_ =	sdelay $0x2  }
0xba: {  	s31 =	sshll.u32 s1, $0xD;
	s1 =	sshrl.u32 s1, $0x2  }
0xbb: {  	s3 =	sand.u32 $0x4000, s31;
	s1 =	sadd.s32 s1, s30  }
0xbc: {  	s0 =	sor.u32 s3, s0;
	s1 =	sshll.u32 s1, $0x11  }
0xbd: {  	s0 =	sor.u32 s1, s0  }
0xbe: {  	s0 =	sadd.s32 $0x8F2B, s0  }
0xbf: {  	[sflag:s0] =	ssyncadd.remote.s32 $0x1  }
0xc0: {  	_ =	sfence.sel $0xFFFF  }
0xc1: {  	[dreg:$0x0] =	wrdreg $0xFFFFFFFF;
	(pc) =	sbr.abs _section_cstart, $3  }
0xc2: {  	[dreg:$0x1] =	wrdreg $0xFFFFFFFF  }
0xc3: {  	_ =	task.clear_ibuf [dreg:s7], $0x2FFFF;
	_ =	strace $0x9FFFFFFF  }
0xc4: {  	(tm) =	ssettm $0x7FFFFFFF  }
0xc5: {  	_ =	shalt  }
tec
execute0_lowered:
.L_overlay_start_1:
0x0: {  	(tag) =	ssettag $0x1  }
0x1: {  	s5 =	rddreg [dreg:$0x0]  }
0x2: {  	s8 =	rddreg [dreg:$0x1]  }
0x3: {  	s2 =	rddreg [dreg:$0x2];
	s1 =	srdreg.scid  }
0x4: {  	s0 =	stileid.u32;
	s3 =	rddreg [dreg:$0x3]  }
0x5: {  	s4 =	simm.s32 $0x0;
	s16 =	simm.s32 $0x8;
	s17 =	simm.s32 $0x10  }
0x6: {  	s18 =	simm.s32 $0x80;
	s19 =	simm.s32 $0x5000;
	s20 =	simm.s32 $0x7000  }
0x7: {  	s21 =	simm.s32 $0x2800;
	s22 =	simm.s32 $0x3;
	s23 =	simm.s32 $0x2  }
0x8: {  	s24 =	simm.s32 $0x4;
	s25 =	simm.s32 $0x4F80;
	s26 =	simm.s32 $0x0  }
0x9: {  	s6 =	sand.u32 $0x1, s1;
	s7 =	smul.u32 $0x14000, s0;
	s1 =	rddreg [dreg:$0x4]  }
0xa: {  	s30 =	smul.u32 $0xA000, s0;
	[smem:$0x7FF] =	sst s4;
	s31 =	sshll.u32 s0, $0x6  }
0xb: {  	s9 =	sshll.u32 s6, $0x6;
	s10 =	smul.u32 $0xA0000, s6;
	_ =	strace $0x8000004A  }
0xc: {  	s6 =	ssub.s32 $0x2, s6;
	s7 =	sor.u32 s9, s7;
	s11 =	sshrl.u32 s30, $0x3  }
0xd: {  	s13 =	sshrl.u32 s6, $0x1;
	s14 =	sadd.s32 s30, s2;
	s15 =	sadd.s32 s30, s3  }
0xe: {  	s7 =	sshrl.u32 s7, $0x3;
	s10 =	sadd.s32 s30, s10;
	s12 =	sadd.s32 s11, s5  }
0xf: {  	s13 =	ssub.s32 s6, s13;
	s6 =	sor.u32 $0x1C05, s31;
	s8 =	sadd.s32 s8, s11  }
0x10: {  	s7 =	sadd.s32 s7, s5;
	s10 =	sshrl.u32 s10, $0x3;
	s9 =	sadd.s32 $0xA00, s8  }
0x11: {  	s11 =	smax.u32 s13, $0x1;
	s13 =	simm.s32 $0x5;
	s10 =	sadd.s32 s10, s5  }
0x12: {  	s5 =	sadd.s32 $0x7A800, s12;
	s7 =	sadd.s32 $0x52800, s7;
	s12 =	sshrl.u32 s14, $0x3  }
0x13: {  	s14 =	sshrl.u32 s15, $0x3;
	s15 =	simm.s32 $0x1;
	s10 =	sadd.s32 $0x8E800, s10  }
.LBB2_1:
0x14: {  	[spmem:s12], [sflag:s6] =	dma.local [hbm:s5], $0x1400  }
0x15: {  	_ =	swait.ge [sflag:s13], $0x1400  }
0x16: {  	[sflag:s13] =	ssyncset.done $0x0  }
0x17: {  	[sflag:s13] =	ssyncadd.s32 $0xFFFFEC00  }
0x18: {  	[spmem:s14@s16], [sflag:s6] =	dma.strided [hbm:s7@s17], $0x1400, s15, $0x8   }
0x19: {  	_ =	swait.ge [sflag:s13], $0x1400  }
0x1a: {  	[sflag:s13] =	ssyncset.done $0x0  }
0x1b: {  	[sflag:s13] =	ssyncadd.s32 $0xFFFFEC00  }
0x1c: {  	[bflag:$0x0] =	sbarrier.arrive $0xFFFF  }
0x1d: {  	[tilespmem:s4], [sflag:$0x5] =	stream.linear.gather [hbm4b:s8+s4], $0x5000, $0x38;
	[tilespmem:$0x1D000] =	vst v63  }
0x1e: {  	_ =	swait.ge [sflag:s13], $0x5000  }
0x1f: {  	[sflag:s13] =	ssyncset.done $0x0  }
0x20: {  	[sflag:s13] =	ssyncadd.s32 $0xFFFFB000  }
0x21: {  	[tilespmem:s19], [sflag:$0x1] =	stream.indirect.gather [spmem:s3], $0x40, s4, s18, $0xb8;
	[tilespmem:$0x1D000] =	vst v63  }
0x22: {  	_ = 	snop  }
0x23: {  	[tilespmem:s20], [sflag:$0x2] =	stream.indirect.gather [spmem:s3], $0x40, s18, s18, $0xb8;
	[tilespmem:$0x1D000] =	vst v63  }
0x24: {  	_ =	swait.ge [sflag:s15], $0x2000  }
0x25: {  	[sflag:s15] =	ssyncset.done $0x0  }
0x26: {  	[sflag:s15] =	ssyncadd.s32 $0xFFFFE000  }
0x27: {  	[spmem:s2] =	stream.indirect.scatter.add.f32 [tilespmem:s19], [sflag:$0x3], $0x40, s21, s18, $0xb8;
	[tilespmem:$0x1D000] =	vst v63  }
0x28: {  	_ =	swait.ge [sflag:s22], $0x2000  }
0x29: {  	[sflag:s22] =	ssyncset.done $0x0  }
0x2a: {  	s28 =	simm.s32 $0x100;
	[sflag:s22] =	ssyncadd.s32 $0xFFFFE000  }
0x2b: {  	[tilespmem:s19], [sflag:$0x1] =	stream.indirect.gather [spmem:s3], $0x40, s28, s18, $0xb8;
	[tilespmem:$0x1D000] =	vst v63  }
0x2c: {  	_ =	swait.ge [sflag:s23], $0x2000  }
0x2d: {  	[sflag:s23] =	ssyncset.done $0x0  }
0x2e: {  	s28 =	simm.s32 $0x2880;
	[sflag:s23] =	ssyncadd.s32 $0xFFFFE000  }
0x2f: {  	[spmem:s2] =	stream.indirect.scatter.add.f32 [tilespmem:s20], [sflag:$0x4], $0x40, s28, s18, $0xb8;
	[tilespmem:$0x1D000] =	vst v63  }
0x30: {  	_ =	swait.ge [sflag:s24], $0x2000  }
0x31: {  	[sflag:s24] =	ssyncset.done $0x0  }
0x32: {  	s28 =	simm.s32 $0x180;
	[sflag:s24] =	ssyncadd.s32 $0xFFFFE000  }
0x33: {  	[tilespmem:s20], [sflag:$0x2] =	stream.indirect.gather [spmem:s3], $0x40, s28, s18, $0xb8;
	[tilespmem:$0x1D000] =	vst v63  }
0x34: {  	_ =	swait.ge [sflag:s15], $0x2000  }
0x35: {  	[sflag:s15] =	ssyncset.done $0x0  }
0x36: {  	s29 =	simm.s32 $0x2900;
	s28 =	simm.s32 $0x800;
	[sflag:s15] =	ssyncadd.s32 $0xFFFFE000  }
.LBB2_2:
0x37: {  	[spmem:s2] =	stream.indirect.scatter.add.f32 [tilespmem:s19], [sflag:$0x3], $0x40, s29, s18, $0xb8;
	[tilespmem:$0x1D000] =	vst v63  }
0x38: {  	s29 =	smov.u32 s28  }
0x39: {  	p0 =	sne.s32 s28, $0x9C00;
	s28 =	sadd.s32 $0x400, s28;
	_ =	swait.ge [sflag:s22], $0x2000  }
0x3a: {  	[sflag:s22] =	ssyncset.done $0x0  }
0x3b: {  	s29 =	sshra.s32 s29, $0x2;
	[sflag:s22] =	ssyncadd.s32 $0xFFFFE000  }
0x3c: {  	[tilespmem:s19], [sflag:$0x1] =	stream.indirect.gather [spmem:s3], $0x40, s29, s18, $0xb8;
	[tilespmem:$0x1D000] =	vst v63  }
0x3d: {  	_ =	swait.ge [sflag:s23], $0x2000  }
0x3e: {  	[sflag:s23] =	ssyncset.done $0x0  }
0x3f: {  	s30 =	sadd.s32 $0x2780, s29;
	[sflag:s23] =	ssyncadd.s32 $0xFFFFE000  }
0x40: {  	[spmem:s2] =	stream.indirect.scatter.add.f32 [tilespmem:s20], [sflag:$0x4], $0x40, s30, s18, $0xb8;
	[tilespmem:$0x1D000] =	vst v63  }
0x41: {  	_ =	swait.ge [sflag:s24], $0x2000  }
0x42: {  	[sflag:s24] =	ssyncset.done $0x0  }
.Ltmp0:
0x43: {  	s30 =	sadd.s32 $0x80, s29;
	[sflag:s24] =	ssyncadd.s32 $0xFFFFE000;
	(pc) =	sbr.rel @p0 .LBB2_2-.Ltmp0, $4  }
0x44: {  	[tilespmem:s20], [sflag:$0x2] =	stream.indirect.gather [spmem:s3], $0x40, s30, s18, $0xb8;
	[tilespmem:$0x1D000] =	vst v63  }
0x45: {  	_ =	swait.ge [sflag:s15], $0x2000  }
0x46: {  	[sflag:s15] =	ssyncset.done $0x0  }
0x47: {  	s29 =	sadd.s32 $0x2800, s29;
	[sflag:s15] =	ssyncadd.s32 $0xFFFFE000  }
0x48: {  	[spmem:s2] =	stream.indirect.scatter.add.f32 [tilespmem:s19], [sflag:$0x3], $0x40, s29, s18, $0xb8;
	[tilespmem:$0x1D000] =	vst v63  }
0x49: {  	_ =	swait.ge [sflag:s23], $0x2000  }
0x4a: {  	[sflag:s23] =	ssyncset.done $0x0  }
0x4b: {  	[sflag:s23] =	ssyncadd.s32 $0xFFFFE000  }
0x4c: {  	[spmem:s2] =	stream.indirect.scatter.add.f32 [tilespmem:s20], [sflag:$0x4], $0x40, s25, s18, $0xb8;
	[tilespmem:$0x1D000] =	vst v63  }
0x4d: {  	_ =	swait.ge [sflag:s22], $0x2000  }
0x4e: {  	[sflag:s22] =	ssyncset.done $0x0  }
0x4f: {  	[sflag:s22] =	ssyncadd.s32 $0xFFFFE000  }
0x50: {  	_ =	swait.ge [sflag:s24], $0x2000  }
0x51: {  	[sflag:s24] =	ssyncset.done $0x0  }
0x52: {  	[sflag:s24] =	ssyncadd.s32 $0xFFFFE000  }
0x53: {  	[tilespmem:s4], [sflag:$0x5] =	stream.linear.gather [hbm4b:s9+s4], $0x5000, $0x38;
	[tilespmem:$0x1D000] =	vst v63  }
0x54: {  	_ =	swait.ge [sflag:s13], $0x5000  }
0x55: {  	[sflag:s13] =	ssyncset.done $0x0  }
0x56: {  	[sflag:s13] =	ssyncadd.s32 $0xFFFFB000  }
0x57: {  	[tilespmem:s19], [sflag:$0x1] =	stream.indirect.gather [spmem:s3], $0x40, s4, s18, $0xb8;
	[tilespmem:$0x1D000] =	vst v63  }
0x58: {  	_ = 	snop  }
0x59: {  	[tilespmem:s20], [sflag:$0x2] =	stream.indirect.gather [spmem:s3], $0x40, s18, s18, $0xb8;
	[tilespmem:$0x1D000] =	vst v63  }
0x5a: {  	_ =	swait.ge [sflag:s15], $0x2000  }
0x5b: {  	[sflag:s15] =	ssyncset.done $0x0  }
0x5c: {  	[sflag:s15] =	ssyncadd.s32 $0xFFFFE000  }
0x5d: {  	[spmem:s2] =	stream.indirect.scatter.add.f32 [tilespmem:s19], [sflag:$0x3], $0x40, s21, s18, $0xb8;
	[tilespmem:$0x1D000] =	vst v63  }
0x5e: {  	_ =	swait.ge [sflag:s22], $0x2000  }
0x5f: {  	[sflag:s22] =	ssyncset.done $0x0  }
0x60: {  	s28 =	simm.s32 $0x100;
	[sflag:s22] =	ssyncadd.s32 $0xFFFFE000  }
0x61: {  	[tilespmem:s19], [sflag:$0x1] =	stream.indirect.gather [spmem:s3], $0x40, s28, s18, $0xb8;
	[tilespmem:$0x1D000] =	vst v63  }
0x62: {  	_ =	swait.ge [sflag:s23], $0x2000  }
0x63: {  	[sflag:s23] =	ssyncset.done $0x0  }
0x64: {  	s28 =	simm.s32 $0x2880;
	[sflag:s23] =	ssyncadd.s32 $0xFFFFE000  }
0x65: {  	[spmem:s2] =	stream.indirect.scatter.add.f32 [tilespmem:s20], [sflag:$0x4], $0x40, s28, s18, $0xb8;
	[tilespmem:$0x1D000] =	vst v63  }
0x66: {  	_ =	swait.ge [sflag:s24], $0x2000  }
0x67: {  	[sflag:s24] =	ssyncset.done $0x0  }
0x68: {  	s28 =	simm.s32 $0x180;
	[sflag:s24] =	ssyncadd.s32 $0xFFFFE000  }
0x69: {  	[tilespmem:s20], [sflag:$0x2] =	stream.indirect.gather [spmem:s3], $0x40, s28, s18, $0xb8;
	[tilespmem:$0x1D000] =	vst v63  }
0x6a: {  	_ =	swait.ge [sflag:s15], $0x2000  }
0x6b: {  	[sflag:s15] =	ssyncset.done $0x0  }
0x6c: {  	s29 =	simm.s32 $0x2900;
	s28 =	simm.s32 $0x800;
	[sflag:s15] =	ssyncadd.s32 $0xFFFFE000  }
.LBB2_4:
0x6d: {  	[spmem:s2] =	stream.indirect.scatter.add.f32 [tilespmem:s19], [sflag:$0x3], $0x40, s29, s18, $0xb8;
	[tilespmem:$0x1D000] =	vst v63  }
0x6e: {  	s29 =	smov.u32 s28  }
0x6f: {  	p0 =	sne.s32 s28, $0x9C00;
	s28 =	sadd.s32 $0x400, s28;
	_ =	swait.ge [sflag:s22], $0x2000  }
0x70: {  	[sflag:s22] =	ssyncset.done $0x0  }
0x71: {  	s29 =	sshra.s32 s29, $0x2;
	[sflag:s22] =	ssyncadd.s32 $0xFFFFE000  }
0x72: {  	[tilespmem:s19], [sflag:$0x1] =	stream.indirect.gather [spmem:s3], $0x40, s29, s18, $0xb8;
	[tilespmem:$0x1D000] =	vst v63  }
0x73: {  	_ =	swait.ge [sflag:s23], $0x2000  }
0x74: {  	[sflag:s23] =	ssyncset.done $0x0  }
0x75: {  	s30 =	sadd.s32 $0x2780, s29;
	[sflag:s23] =	ssyncadd.s32 $0xFFFFE000  }
0x76: {  	[spmem:s2] =	stream.indirect.scatter.add.f32 [tilespmem:s20], [sflag:$0x4], $0x40, s30, s18, $0xb8;
	[tilespmem:$0x1D000] =	vst v63  }
0x77: {  	_ =	swait.ge [sflag:s24], $0x2000  }
0x78: {  	[sflag:s24] =	ssyncset.done $0x0  }
.Ltmp1:
0x79: {  	s30 =	sadd.s32 $0x80, s29;
	[sflag:s24] =	ssyncadd.s32 $0xFFFFE000;
	(pc) =	sbr.rel @p0 .LBB2_4-.Ltmp1, $4  }
0x7a: {  	[tilespmem:s20], [sflag:$0x2] =	stream.indirect.gather [spmem:s3], $0x40, s30, s18, $0xb8;
	[tilespmem:$0x1D000] =	vst v63  }
0x7b: {  	_ =	swait.ge [sflag:s15], $0x2000  }
0x7c: {  	[sflag:s15] =	ssyncset.done $0x0  }
0x7d: {  	s29 =	sadd.s32 $0x2800, s29;
	[sflag:s15] =	ssyncadd.s32 $0xFFFFE000  }
0x7e: {  	[spmem:s2] =	stream.indirect.scatter.add.f32 [tilespmem:s19], [sflag:$0x3], $0x40, s29, s18, $0xb8;
	[tilespmem:$0x1D000] =	vst v63  }
0x7f: {  	_ =	swait.ge [sflag:s23], $0x2000  }
0x80: {  	[sflag:s23] =	ssyncset.done $0x0  }
0x81: {  	[sflag:s23] =	ssyncadd.s32 $0xFFFFE000  }
0x82: {  	[spmem:s2] =	stream.indirect.scatter.add.f32 [tilespmem:s20], [sflag:$0x4], $0x40, s25, s18, $0xb8;
	[tilespmem:$0x1D000] =	vst v63  }
0x83: {  	_ =	swait.ge [sflag:s22], $0x2000  }
0x84: {  	[sflag:s22] =	ssyncset.done $0x0  }
0x85: {  	[sflag:s22] =	ssyncadd.s32 $0xFFFFE000  }
0x86: {  	_ =	swait.ge [sflag:s24], $0x2000  }
0x87: {  	s26 =	sadd.s32 $0x1, s26;
	[sflag:s24] =	ssyncset.done $0x0  }
0x88: {  	p0 =	sne.s32 s26, s11;
	[sflag:s24] =	ssyncadd.s32 $0xFFFFE000  }
.Ltmp2:
0x89: {  	[bflag:$0x0] =	sbarrier.arrive $0xFFFF;
	(pc) =	sbr.rel @p0 .LBB2_1-.Ltmp2, $4  }
0x8a: {  	[hbm:s10], [sflag:s6] =	dma.local [spmem:s12], $0x1400  }
0x8b: {  	_ =	swait.ge [sflag:s13], $0x1400  }
0x8c: {  	[sflag:s13] =	ssyncset.done $0x0  }
0x8d: {  	[sflag:s13] =	ssyncadd.s32 $0xFFFFEC00  }
0x8e: {  	_ =	sfence.sel $0x180000  }
0x8f: {  	[bflag:$0x0] =	sbarrier.arrive $0xFFFF  }
0x90: {  	p0 =	sne.s32 s0, $0x0;
	_ =	strace $0x9000004A  }
0x91: {  	s0 =	sadd.s32 @!p0 $0x100000, s1;
	[bflag:$0x2] =	sbarrier.arrive $0xFFFF  }
0x92: {  	[sflag:s0] =	ssyncadd.tile.s32 @!p0 $0x1;
	_ =	shalt  }
.Lfunc_end2:
_tile_overlayer_lowered:
.L_overlay_start_2:
0x93: {  	(tag) =	ssettag $0x2  }
0x94: {  	s0 =	rddreg [dreg:$0x0];
	s2 =	stileid.u32  }
0x95: {  	s1 =	rddreg [dreg:$0x1];
	p0 =	sne.s32 s2, $0x0  }
0x96: {  	s3 =	rddreg [dreg:$0x2];
	[bflag:$0x3] =	sbarrier.arrive $0xFFFF;
	s2 =	simm.s32 @!p0 $0x1C05  }
0x97: {  	[timem:s3], [sflag:s2] =	dma.local @!p0 [hbm:s0], s1  }
0x98: {  	s0 =	simm.s32 @!p0 $0x5  }
0x99: {  	_ =	swait.ge @!p0 [sflag:s0], s1  }
0x9a: {  	s1 =	ssub.s32 @!p0 $0x0, s1;
	[sflag:s0] =	ssyncset.done @!p0 $0x0  }
0x9b: {  	[sflag:s0] =	ssyncadd.s32 @!p0 s1  }
0x9c: {  	[bflag:$0x3] =	sbarrier.arrive $0xFFFF  }
0x9d: {  	_ =	shalt  }

// kernel: kernel.14.cloned.1.call-start
scs
__scs_entry_jumppad:
0x0: {  	(pc) =	sbr.rel $0x88, $3  }
0x1: {  	(tag) =	ssettag $0x0;
	lr =	simm.s32 $0x1  }
0x2: {  	[smem:$0x3F97] =	sst lr;
	_ =	strace $0xD0000000  }
0x3: {  	_ = 	snop  }
0x4: {  	_ = 	snop  }
0x5: {  	_ = 	snop  }
0x6: {  	_ = 	snop  }
0x7: {  	_ = 	snop  }
__scs_overlays_trampoline_lowered:
0x8: {  	[smem:$0x3FA6] =	sst s0  }
0x9: {  	[smem:$0x3FA7] =	sst s1  }
0xa: {  	[smem:$0x3FA8] =	sst s2  }
0xb: {  	[smem:$0x3FA9] =	sst s3  }
0xc: {  	[smem:$0x3FAA] =	sst s4  }
0xd: {  	[smem:$0x3FAB] =	sst s5  }
0xe: {  	[smem:$0x3FAC] =	sst s6  }
0xf: {  	[smem:$0x3FAD] =	sst s7  }
0x10: {  	[smem:$0x3FAE] =	sst s8  }
0x11: {  	[smem:$0x3FAF] =	sst s9;
	s0 =	simm.s32 @!p0 $0x0  }
0x12: {  	s1 =	sld [smem:$0x3F95];
	s0 =	simm.s32 @p0 $0x1  }
0x13: {  	[smem:$0x3FB0] =	sst s0;
	s0 =	simm.s32 @!p1 $0x0  }
0x14: {  	s2 =	sld [smem:$0x3F94];
	s0 =	simm.s32 @p1 $0x1  }
0x15: {  	[smem:$0x3FB1] =	sst s0;
	s0 =	simm.s32 @!p2 $0x0  }
0x16: {  	s3 =	sld [smem:$0x3FDB];
	s0 =	simm.s32 @p2 $0x1  }
0x17: {  	s4 =	simm.s32 $0x1BF5;
	[smem:$0x3FB3] =	sst s0  }
0x18: {  	s0 =	sld [smem:$0x3F96];
	_ =	swait.ge [sflag:s4], $0x0  }
0x19: {  	s7 =	sld [smem:$0x3F97]  }
0x1a: {  	s8 =	sadd.s32 $0xFFFFE003, lr  }
0x1b: {  	s9 =	sadd.s32 $0xFFFFFEF7, lr;
	s5 =	simm.s32 $0xFFFFFFFF;
	p2 =	slt.u32 s8, $0xFFFFF086  }
0x1c: {  	p1 =	slt.u32 s9, $0xF7A;
	s5 =	simm.s32 @!p2 $0x0  }
0x1d: {  	s5 =	simm.s32 @p1 $0x1;
	p0 =	seq.s32 s7, s2  }
0x1e: {  	s7 =	smul.u32 @!p0 $0xF7A, s2;
	p2 =	seq.s32 @!p0 s5, $0x0  }
0x1f: {  	s9 =	smul.u32 $0xF7A, s1;
	s8 =	simm.s32 @!p0 $0x1BF5;
	p2 =	por !p2, p0  }
0x20: {  	[sflag:s8] =	ssyncset.s32 @!p0 $0xFFFFF086;
	s6 =	sadd.s32 @!p0 s3, s7;
	s7 =	simm.s32 @!p0 $0x108  }
0x21: {  	s3 =	sadd.s32 s3, s9;
	s6 =	sadd.s32 @!p0 $0x88, s6;
	s7 =	simm.s32 @p2 $0x1082  }
0x22: {  	[simem:s7], [sflag:s8] =	dma.local @!p0 [hbm:s6], $0xF7A  }
0x23: {  	s9 =	sor.u32 $0xD0000000, s2;
	s6 =	simm.s32 $0x108;
	_ =	swait.ge @!p0 [sflag:s8], $0x0  }
0x24: {  	s3 =	sadd.s32 $0x88, s3;
	s6 =	simm.s32 @!p1 $0x1082;
	[sflag:s4] =	ssyncset.s32 $0xFFFFF086  }
0x25: {  	[simem:s6], [sflag:s4] =	dma.local [hbm:s3], $0xF7A  }
0x26: {  	[smem:$0x3F97] =	sst s1;
	(tag) =	ssettag s2;
	_ =	strace s9  }
0x27: {  	s1 =	sld [smem:$0x3FA7]  }
0x28: {  	s2 =	sld [smem:$0x3FA8]  }
0x29: {  	s4 =	sld [smem:$0x3FAA]  }
0x2a: {  	p0 =	seq.s32 s5, $0x0;
	s5 =	sld [smem:$0x3FAB]  }
0x2b: {  	s6 =	sld [smem:$0x3FAC]  }
0x2c: {  	s7 =	sld [smem:$0x3FAD]  }
0x2d: {  	s3 =	simm.s32 $0x108;
	s8 =	sld [smem:$0x3FAE]  }
0x2e: {  	s3 =	simm.s32 @!p0 $0x1082;
	s9 =	sld [smem:$0x3FAF]  }
0x2f: {  	lr =	sadd.s32 s0, s3;
	s0 =	sld [smem:$0x3FA6]  }
0x30: {  	s3 =	sld [smem:$0x3FA9]  }
0x31: {  	[smem:$0x3FB2] =	sst s10  }
0x32: {  	s10 =	sld [smem:$0x3FB0];
	_ =	sdelay $0x3  }
0x33: {  	p0 =	seq.s32 s10, $0x1;
	s10 =	sld [smem:$0x3FB2];
	_ =	sdelay $0x3  }
0x34: {  	[smem:$0x3FB2] =	sst s10  }
0x35: {  	s10 =	sld [smem:$0x3FB1];
	_ =	sdelay $0x3  }
0x36: {  	p1 =	seq.s32 s10, $0x1;
	s10 =	sld [smem:$0x3FB2];
	_ =	sdelay $0x3  }
0x37: {  	[smem:$0x3FB2] =	sst s10  }
0x38: {  	s10 =	sld [smem:$0x3FB3]  }
0x39: {  	_ = 	snop;
	(pc) =	sbr.ind lr, $3  }
0x3a: {  	_ = 	snop  }
0x3b: {  	_ = 	snop  }
0x3c: {  	p2 =	seq.s32 s10, $0x1;
	s10 =	sld [smem:$0x3FB2]  }
0x3d: {  	_ =	shalt  }
0x3e: {  	_ =	shalt  }
0x3f: {  	_ =	shalt  }
0x40: {  	_ =	shalt  }
0x41: {  	_ =	shalt  }
0x42: {  	_ =	shalt  }
0x43: {  	_ =	shalt  }
0x44: {  	_ =	shalt  }
0x45: {  	_ =	shalt  }
0x46: {  	_ =	shalt  }
0x47: {  	_ =	shalt  }
0x48: {  	_ =	shalt  }
0x49: {  	_ =	shalt  }
0x4a: {  	_ =	shalt  }
0x4b: {  	_ =	shalt  }
0x4c: {  	_ =	shalt  }
0x4d: {  	_ =	shalt  }
0x4e: {  	_ =	shalt  }
0x4f: {  	_ =	shalt  }
0x50: {  	_ =	shalt  }
0x51: {  	_ =	shalt  }
0x52: {  	_ =	shalt  }
0x53: {  	_ =	shalt  }
0x54: {  	_ =	shalt  }
0x55: {  	_ =	shalt  }
0x56: {  	_ =	shalt  }
0x57: {  	_ =	shalt  }
0x58: {  	_ =	shalt  }
0x59: {  	_ =	shalt  }
0x5a: {  	_ =	shalt  }
0x5b: {  	_ =	shalt  }
0x5c: {  	_ =	shalt  }
0x5d: {  	_ =	shalt  }
0x5e: {  	_ =	shalt  }
0x5f: {  	_ =	shalt  }
0x60: {  	_ =	shalt  }
0x61: {  	_ =	shalt  }
0x62: {  	_ =	shalt  }
0x63: {  	_ =	shalt  }
0x64: {  	_ =	shalt  }
0x65: {  	_ =	shalt  }
0x66: {  	_ =	shalt  }
0x67: {  	_ =	shalt  }
0x68: {  	_ =	shalt  }
0x69: {  	_ =	shalt  }
0x6a: {  	_ =	shalt  }
0x6b: {  	_ =	shalt  }
0x6c: {  	_ =	shalt  }
0x6d: {  	_ =	shalt  }
0x6e: {  	_ =	shalt  }
0x6f: {  	_ =	shalt  }
0x70: {  	_ =	shalt  }
0x71: {  	_ =	shalt  }
0x72: {  	_ =	shalt  }
0x73: {  	_ =	shalt  }
0x74: {  	_ =	shalt  }
0x75: {  	_ =	shalt  }
0x76: {  	_ =	shalt  }
0x77: {  	_ =	shalt  }
0x78: {  	_ =	shalt  }
0x79: {  	_ =	shalt  }
0x7a: {  	_ =	shalt  }
0x7b: {  	_ =	shalt  }
0x7c: {  	_ =	shalt  }
0x7d: {  	_ =	shalt  }
0x7e: {  	_ =	shalt  }
0x7f: {  	_ =	shalt  }
0x80: {  	_ =	shalt  }
0x81: {  	_ =	shalt  }
0x82: {  	_ =	shalt  }
0x83: {  	_ =	shalt  }
0x84: {  	_ =	shalt  }
0x85: {  	_ =	shalt  }
0x86: {  	_ =	shalt  }
0x87: {  	_ =	shalt  }
.Lfunc_end0:
.L_simem_size_0:
called_computation.2_lowered:
.L_overlay_start_0:
0x88: {  	s2 =	sld [smem:$0x3FD9]  }
0x89: {  	s3 =	sld [smem:$0x3FFE];
	_ =	sdelay $0x1  }
0x8a: {  	s1 =	srdreg.scid  }
0x8b: {  	s0 =	sand.u32 $0x1, s1  }
0x8c: {  	s17 =	sshll.u32 s0, $0xA;
	s2 =	sadd.s32 s3, s2  }
0x8d: {  	s2 =	sadd.s32 s2, s17  }
0x8e: {  	[smem:$0x3FBE] =	sst s2  }
0x8f: {  	_ = 	snop  }
0x90: {  	s2 =	sld [smem:$0x3FD0];
	(tm) =	ssettm $0x1  }
0x91: {  	s18 =	sld [smem:$0x3FFB];
	_ =	sdelay $0x3  }
0x92: {  	_ =	strace s18  }
0x93: {  	s3 =	sld [smem:$0x3FFC];
	_ =	sdelay $0x3  }
0x94: {  	_ =	strace s3  }
0x95: {  	s3 =	sld [smem:$0x3FFD];
	_ =	sdelay $0x3  }
0x96: {  	_ =	strace s3  }
0x97: {  	_ =	strace $0x8FFFFFFF  }
0x98: {  	s19 =	sld [smem:$0x3FDB];
	_ =	sdelay $0x1  }
0x99: {  	s4 =	simm.s32 $_scs_section_size  }
0x9a: {  	s5 =	simm.s32 $_size__tile_overlayer_lowered;
	s6 =	simm.s32 $_tile_overlayer_lowered  }
0x9b: {  	s22 =	simm.s32 $0x1BFF;
	s21 =	sshll.u32 s6, $0x1;
	s3 =	sadd.s32 s4, s19  }
0x9c: {  	s7 =	simm.s32 $0x0;
	s20 =	sshll.u32 s5, $0x1;
	s5 =	sadd.s32 s21, s3  }
0x9d: {  	[timem:s7], [sflag:s22] =	dma.local [hbm:s5], s20  }
0x9e: {  	_ =	swait.ge [sflag:s22], s20  }
0x9f: {  	s4 =	ssub.s32 $0x0, s20;
	[sflag:s22] =	ssyncset.done $0x0  }
0xa0: {  	[sflag:s22] =	ssyncadd.s32 s4;
	_ =	sdelay $0x1  }
0xa1: {  	s23 =	simm.s32 $0x1B8B  }
0xa2: {  	_ =	swait.ge [sflag:s23], $0x1  }
0xa3: {  	[sflag:s23] =	ssyncset.done $0x0  }
0xa4: {  	s25 =	simm.s32 $0x1B8E;
	s24 =	sld [smem:$0x3FFE];
	[sflag:s23] =	ssyncadd.s32 $0xFFFFFFFF  }
0xa5: {  	s26 =	simm.s32 $execute0_lowered;
	[smem:$0x3FD2] =	sst s25  }
0xa6: {  	s5 =	sshll.u32 s26, $0x1;
	_ =	strace $0x8000004C;
	[dreg:$0x1] =	wrdreg $0xFFFFFFFF  }
0xa7: {  	s28 =	simm.s32 $_size_execute0_lowered;
	s3 =	sadd.s32 s3, s5;
	[dreg:$0x0] =	wrdreg $0x0  }
0xa8: {  	s5 =	sshll.u32 s28, $0x1;
	[dreg:$0x2] =	wrdreg s3  }
0xa9: {  	[dreg:$0x3] =	wrdreg s5  }
0xaa: {  	[dreg:$0x4] =	wrdreg $0xC0  }
0xab: {  	_ =	task [dreg:s7], $0x5FFFF  }
0xac: {  	[dreg:$0x1] =	wrdreg $0xFFFFFFFF  }
0xad: {  	[dreg:$0x0] =	wrdreg $0x60  }
0xae: {  	[dreg:$0x2] =	wrdreg s2  }
0xaf: {  	[dreg:$0x3] =	wrdreg s24  }
0xb0: {  	[dreg:$0x4] =	wrdreg $0x130000  }
0xb1: {  	[dreg:$0x5] =	wrdreg $0x90000  }
0xb2: {  	[dreg:$0x6] =	wrdreg $0x9  }
0xb3: {  	_ =	task.clear_ibuf [dreg:s7], $0x7FFFF;
	_ =	strace $0x9000004C  }
0xb4: {  	s29 =	simm.s32 $0x9;
	_ =	strace $0x8000004E  }
0xb5: {  	_ =	swait.ge [sflag:s29], $0x1  }
0xb6: {  	[sflag:s29] =	ssyncadd.s32 $0xFFFFFFFF  }
0xb7: {  	_ =	strace $0x9000004E  }
0xb8: {  	_ =	sfence  }
0xb9: {  	s30 =	sld [smem:$0x0];
	_ =	sdelay $0x2  }
0xba: {  	s31 =	sshll.u32 s1, $0xD;
	s1 =	sshrl.u32 s1, $0x2  }
0xbb: {  	s3 =	sand.u32 $0x4000, s31;
	s1 =	sadd.s32 s1, s30  }
0xbc: {  	s0 =	sor.u32 s3, s0;
	s1 =	sshll.u32 s1, $0x11  }
0xbd: {  	s0 =	sor.u32 s1, s0  }
0xbe: {  	s0 =	sadd.s32 $0x8F2B, s0  }
0xbf: {  	[sflag:s0] =	ssyncadd.remote.s32 $0x1  }
0xc0: {  	_ =	sfence.sel $0xFFFF  }
0xc1: {  	[dreg:$0x0] =	wrdreg $0xFFFFFFFF;
	(pc) =	sbr.abs _section_cstart, $3  }
0xc2: {  	[dreg:$0x1] =	wrdreg $0xFFFFFFFF  }
0xc3: {  	_ =	task.clear_ibuf [dreg:s7], $0x2FFFF;
	_ =	strace $0x9FFFFFFF  }
0xc4: {  	(tm) =	ssettm $0x7FFFFFFF  }
0xc5: {  	_ =	shalt  }
tec
execute0_lowered:
.L_overlay_start_1:
0x0: {  	(tag) =	ssettag $0x1  }
0x1: {  	s7 =	rddreg [dreg:$0x0]  }
0x2: {  	s6 =	rddreg [dreg:$0x1]  }
0x3: {  	s2 =	rddreg [dreg:$0x2]  }
0x4: {  	s0 =	srdreg.scid;
	s3 =	rddreg [dreg:$0x3]  }
0x5: {  	s4 =	simm.s32 $0x0;
	s16 =	simm.s32 $0x7000;
	s17 =	simm.s32 $0x1  }
0x6: {  	s18 =	simm.s32 $0x2800;
	s19 =	simm.s32 $0x3;
	s20 =	simm.s32 $0x2  }
0x7: {  	s21 =	simm.s32 $0x4;
	s5 =	sand.u32 $0x1, s0;
	s0 =	stileid.u32  }
0x8: {  	s22 =	simm.s32 $0x4F80;
	s23 =	simm.s32 $0x0;
	s9 =	smul.u32 $0xA000, s0  }
0x9: {  	[smem:$0x7FF] =	sst s4;
	s1 =	sshll.u32 s5, $0x4;
	s10 =	smul.u32 $0xA0000, s5  }
0xa: {  	s5 =	ssub.s32 $0x2, s5;
	s31 =	sshll.u32 s0, $0x6;
	s1 =	sor.u32 s0, s1  }
0xb: {  	s13 =	sshrl.u32 s5, $0x1;
	s8 =	smul.u32 $0xA00, s1;
	s1 =	rddreg [dreg:$0x4]  }
0xc: {  	_ =	strace $0x8000004D;
	s11 =	sshrl.u32 s9, $0x3;
	s10 =	sadd.s32 s9, s10  }
0xd: {  	s13 =	ssub.s32 s5, s13;
	s14 =	sadd.s32 s9, s2;
	s15 =	sadd.s32 s9, s3  }
0xe: {  	s12 =	sadd.s32 s11, s6;
	s10 =	sshrl.u32 s10, $0x3;
	s7 =	sadd.s32 s7, s11  }
0xf: {  	s11 =	sshrl.u32 s14, $0x3;
	s14 =	simm.s32 $0x80;
	s8 =	sadd.s32 s8, s6  }
0x10: {  	s10 =	sadd.s32 s10, s6;
	s5 =	sadd.s32 $0x7A800, s12;
	s6 =	sor.u32 $0x1C05, s31  }
0x11: {  	s12 =	simm.s32 $0x5;
	s8 =	sadd.s32 $0xB6800, s8;
	s9 =	sadd.s32 $0x52800, s10  }
0x12: {  	s10 =	smax.u32 s13, $0x1;
	s13 =	sshrl.u32 s15, $0x3;
	s15 =	simm.s32 $0x5000  }
.LBB2_1:
0x13: {  	[spmem:s11], [sflag:s6] =	dma.local [hbm:s5], $0x1400  }
0x14: {  	_ =	swait.ge [sflag:s12], $0x1400  }
0x15: {  	[sflag:s12] =	ssyncset.done $0x0  }
0x16: {  	[sflag:s12] =	ssyncadd.s32 $0xFFFFEC00  }
0x17: {  	[spmem:s13], [sflag:s6] =	dma.local [hbm:s7], $0x1400  }
0x18: {  	_ =	swait.ge [sflag:s12], $0x1400  }
0x19: {  	[sflag:s12] =	ssyncset.done $0x0  }
0x1a: {  	[sflag:s12] =	ssyncadd.s32 $0xFFFFEC00  }
0x1b: {  	[bflag:$0x0] =	sbarrier.arrive $0xFFFF  }
0x1c: {  	[tilespmem:s4], [sflag:$0x5] =	stream.linear.gather [hbm4b:s8+s4], $0x5000, $0x38;
	[tilespmem:$0x1D000] =	vst v63  }
0x1d: {  	_ =	swait.ge [sflag:s12], $0x5000  }
0x1e: {  	[sflag:s12] =	ssyncset.done $0x0  }
0x1f: {  	[sflag:s12] =	ssyncadd.s32 $0xFFFFB000  }
0x20: {  	[tilespmem:s15], [sflag:$0x1] =	stream.indirect.gather [spmem:s3], $0x40, s4, s14, $0xb8;
	[tilespmem:$0x1D000] =	vst v63  }
0x21: {  	_ = 	snop  }
0x22: {  	[tilespmem:s16], [sflag:$0x2] =	stream.indirect.gather [spmem:s3], $0x40, s14, s14, $0xb8;
	[tilespmem:$0x1D000] =	vst v63  }
0x23: {  	_ =	swait.ge [sflag:s17], $0x2000  }
0x24: {  	[sflag:s17] =	ssyncset.done $0x0  }
0x25: {  	[sflag:s17] =	ssyncadd.s32 $0xFFFFE000  }
0x26: {  	[spmem:s2] =	stream.indirect.scatter.add.f32 [tilespmem:s15], [sflag:$0x3], $0x40, s18, s14, $0xb8;
	[tilespmem:$0x1D000] =	vst v63  }
0x27: {  	_ =	swait.ge [sflag:s19], $0x2000  }
0x28: {  	[sflag:s19] =	ssyncset.done $0x0  }
0x29: {  	s24 =	simm.s32 $0x100;
	[sflag:s19] =	ssyncadd.s32 $0xFFFFE000  }
0x2a: {  	[tilespmem:s15], [sflag:$0x1] =	stream.indirect.gather [spmem:s3], $0x40, s24, s14, $0xb8;
	[tilespmem:$0x1D000] =	vst v63  }
0x2b: {  	_ =	swait.ge [sflag:s20], $0x2000  }
0x2c: {  	[sflag:s20] =	ssyncset.done $0x0  }
0x2d: {  	s30 =	simm.s32 $0x2880;
	[sflag:s20] =	ssyncadd.s32 $0xFFFFE000  }
0x2e: {  	[spmem:s2] =	stream.indirect.scatter.add.f32 [tilespmem:s16], [sflag:$0x4], $0x40, s30, s14, $0xb8;
	[tilespmem:$0x1D000] =	vst v63  }
0x2f: {  	_ =	swait.ge [sflag:s21], $0x2000  }
0x30: {  	[sflag:s21] =	ssyncset.done $0x0  }
0x31: {  	s31 =	simm.s32 $0x180;
	[sflag:s21] =	ssyncadd.s32 $0xFFFFE000  }
0x32: {  	[tilespmem:s16], [sflag:$0x2] =	stream.indirect.gather [spmem:s3], $0x40, s31, s14, $0xb8;
	[tilespmem:$0x1D000] =	vst v63  }
0x33: {  	_ =	swait.ge [sflag:s17], $0x2000  }
0x34: {  	[sflag:s17] =	ssyncset.done $0x0  }
0x35: {  	s25 =	simm.s32 $0x2900;
	s24 =	simm.s32 $0x800;
	[sflag:s17] =	ssyncadd.s32 $0xFFFFE000  }
.LBB2_2:
0x36: {  	[spmem:s2] =	stream.indirect.scatter.add.f32 [tilespmem:s15], [sflag:$0x3], $0x40, s25, s14, $0xb8;
	[tilespmem:$0x1D000] =	vst v63  }
0x37: {  	s25 =	smov.u32 s24  }
0x38: {  	p0 =	sne.s32 s24, $0x9C00;
	s24 =	sadd.s32 $0x400, s24;
	_ =	swait.ge [sflag:s19], $0x2000  }
0x39: {  	[sflag:s19] =	ssyncset.done $0x0  }
0x3a: {  	s25 =	sshra.s32 s25, $0x2;
	[sflag:s19] =	ssyncadd.s32 $0xFFFFE000  }
0x3b: {  	[tilespmem:s15], [sflag:$0x1] =	stream.indirect.gather [spmem:s3], $0x40, s25, s14, $0xb8;
	[tilespmem:$0x1D000] =	vst v63  }
0x3c: {  	_ =	swait.ge [sflag:s20], $0x2000  }
0x3d: {  	[sflag:s20] =	ssyncset.done $0x0  }
0x3e: {  	s26 =	sadd.s32 $0x2780, s25;
	[sflag:s20] =	ssyncadd.s32 $0xFFFFE000  }
0x3f: {  	[spmem:s2] =	stream.indirect.scatter.add.f32 [tilespmem:s16], [sflag:$0x4], $0x40, s26, s14, $0xb8;
	[tilespmem:$0x1D000] =	vst v63  }
0x40: {  	_ =	swait.ge [sflag:s21], $0x2000  }
0x41: {  	[sflag:s21] =	ssyncset.done $0x0  }
.Ltmp0:
0x42: {  	s26 =	sadd.s32 $0x80, s25;
	[sflag:s21] =	ssyncadd.s32 $0xFFFFE000;
	(pc) =	sbr.rel @p0 .LBB2_2-.Ltmp0, $4  }
0x43: {  	[tilespmem:s16], [sflag:$0x2] =	stream.indirect.gather [spmem:s3], $0x40, s26, s14, $0xb8;
	[tilespmem:$0x1D000] =	vst v63  }
0x44: {  	_ =	swait.ge [sflag:s17], $0x2000  }
0x45: {  	[sflag:s17] =	ssyncset.done $0x0  }
0x46: {  	s25 =	sadd.s32 $0x2800, s25;
	[sflag:s17] =	ssyncadd.s32 $0xFFFFE000  }
0x47: {  	[spmem:s2] =	stream.indirect.scatter.add.f32 [tilespmem:s15], [sflag:$0x3], $0x40, s25, s14, $0xb8;
	[tilespmem:$0x1D000] =	vst v63  }
0x48: {  	_ =	swait.ge [sflag:s20], $0x2000  }
0x49: {  	[sflag:s20] =	ssyncset.done $0x0  }
0x4a: {  	[sflag:s20] =	ssyncadd.s32 $0xFFFFE000  }
0x4b: {  	[spmem:s2] =	stream.indirect.scatter.add.f32 [tilespmem:s16], [sflag:$0x4], $0x40, s22, s14, $0xb8;
	[tilespmem:$0x1D000] =	vst v63  }
0x4c: {  	_ =	swait.ge [sflag:s19], $0x2000  }
0x4d: {  	[sflag:s19] =	ssyncset.done $0x0  }
0x4e: {  	[sflag:s19] =	ssyncadd.s32 $0xFFFFE000  }
0x4f: {  	_ =	swait.ge [sflag:s21], $0x2000  }
0x50: {  	s23 =	sadd.s32 $0x1, s23;
	[sflag:s21] =	ssyncset.done $0x0  }
0x51: {  	p0 =	sne.s32 s23, s10;
	[sflag:s21] =	ssyncadd.s32 $0xFFFFE000  }
.Ltmp1:
0x52: {  	[bflag:$0x0] =	sbarrier.arrive $0xFFFF;
	(pc) =	sbr.rel @p0 .LBB2_1-.Ltmp1, $4  }
0x53: {  	[hbm:s9], [sflag:s6] =	dma.local [spmem:s11], $0x1400  }
0x54: {  	_ =	swait.ge [sflag:s12], $0x1400  }
0x55: {  	[sflag:s12] =	ssyncset.done $0x0  }
0x56: {  	[sflag:s12] =	ssyncadd.s32 $0xFFFFEC00  }
0x57: {  	_ =	sfence.sel $0x180000  }
0x58: {  	[bflag:$0x0] =	sbarrier.arrive $0xFFFF  }
0x59: {  	p0 =	sne.s32 s0, $0x0;
	_ =	strace $0x9000004D  }
0x5a: {  	s0 =	sadd.s32 @!p0 $0x100000, s1;
	[bflag:$0x2] =	sbarrier.arrive $0xFFFF  }
0x5b: {  	[sflag:s0] =	ssyncadd.tile.s32 @!p0 $0x1;
	_ =	shalt  }
.Lfunc_end2:
_tile_overlayer_lowered:
.L_overlay_start_2:
0x5c: {  	(tag) =	ssettag $0x2  }
0x5d: {  	s0 =	rddreg [dreg:$0x0];
	s2 =	stileid.u32  }
0x5e: {  	s1 =	rddreg [dreg:$0x1];
	p0 =	sne.s32 s2, $0x0  }
0x5f: {  	s3 =	rddreg [dreg:$0x2];
	[bflag:$0x3] =	sbarrier.arrive $0xFFFF;
	s2 =	simm.s32 @!p0 $0x1C05  }
0x60: {  	[timem:s3], [sflag:s2] =	dma.local @!p0 [hbm:s0], s1  }
0x61: {  	s0 =	simm.s32 @!p0 $0x5  }
0x62: {  	_ =	swait.ge @!p0 [sflag:s0], s1  }
0x63: {  	s1 =	ssub.s32 @!p0 $0x0, s1;
	[sflag:s0] =	ssyncset.done @!p0 $0x0  }
0x64: {  	[sflag:s0] =	ssyncadd.s32 @!p0 s1  }
0x65: {  	[bflag:$0x3] =	sbarrier.arrive $0xFFFF  }
0x66: {  	_ =	shalt  }

// kernel: kernel.8.cloned.1.call-start
scs
__scs_entry_jumppad:
0x0: {  	(pc) =	sbr.rel $0x88, $3  }
0x1: {  	(tag) =	ssettag $0x0;
	lr =	simm.s32 $0x1  }
0x2: {  	[smem:$0x3F97] =	sst lr;
	_ =	strace $0xD0000000  }
0x3: {  	_ = 	snop  }
0x4: {  	_ = 	snop  }
0x5: {  	_ = 	snop  }
0x6: {  	_ = 	snop  }
0x7: {  	_ = 	snop  }
__scs_overlays_trampoline_lowered:
0x8: {  	[smem:$0x3FA6] =	sst s0  }
0x9: {  	[smem:$0x3FA7] =	sst s1  }
0xa: {  	[smem:$0x3FA8] =	sst s2  }
0xb: {  	[smem:$0x3FA9] =	sst s3  }
0xc: {  	[smem:$0x3FAA] =	sst s4  }
0xd: {  	[smem:$0x3FAB] =	sst s5  }
0xe: {  	[smem:$0x3FAC] =	sst s6  }
0xf: {  	[smem:$0x3FAD] =	sst s7  }
0x10: {  	[smem:$0x3FAE] =	sst s8  }
0x11: {  	[smem:$0x3FAF] =	sst s9;
	s0 =	simm.s32 @!p0 $0x0  }
0x12: {  	s1 =	sld [smem:$0x3F95];
	s0 =	simm.s32 @p0 $0x1  }
0x13: {  	[smem:$0x3FB0] =	sst s0;
	s0 =	simm.s32 @!p1 $0x0  }
0x14: {  	s2 =	sld [smem:$0x3F94];
	s0 =	simm.s32 @p1 $0x1  }
0x15: {  	[smem:$0x3FB1] =	sst s0;
	s0 =	simm.s32 @!p2 $0x0  }
0x16: {  	s3 =	sld [smem:$0x3FDB];
	s0 =	simm.s32 @p2 $0x1  }
0x17: {  	s4 =	simm.s32 $0x1BF5;
	[smem:$0x3FB3] =	sst s0  }
0x18: {  	s0 =	sld [smem:$0x3F96];
	_ =	swait.ge [sflag:s4], $0x0  }
0x19: {  	s7 =	sld [smem:$0x3F97]  }
0x1a: {  	s8 =	sadd.s32 $0xFFFFE003, lr  }
0x1b: {  	s9 =	sadd.s32 $0xFFFFFEF7, lr;
	s5 =	simm.s32 $0xFFFFFFFF;
	p2 =	slt.u32 s8, $0xFFFFF086  }
0x1c: {  	p1 =	slt.u32 s9, $0xF7A;
	s5 =	simm.s32 @!p2 $0x0  }
0x1d: {  	s5 =	simm.s32 @p1 $0x1;
	p0 =	seq.s32 s7, s2  }
0x1e: {  	s7 =	smul.u32 @!p0 $0xF7A, s2;
	p2 =	seq.s32 @!p0 s5, $0x0  }
0x1f: {  	s9 =	smul.u32 $0xF7A, s1;
	s8 =	simm.s32 @!p0 $0x1BF5;
	p2 =	por !p2, p0  }
0x20: {  	[sflag:s8] =	ssyncset.s32 @!p0 $0xFFFFF086;
	s6 =	sadd.s32 @!p0 s3, s7;
	s7 =	simm.s32 @!p0 $0x108  }
0x21: {  	s3 =	sadd.s32 s3, s9;
	s6 =	sadd.s32 @!p0 $0x88, s6;
	s7 =	simm.s32 @p2 $0x1082  }
0x22: {  	[simem:s7], [sflag:s8] =	dma.local @!p0 [hbm:s6], $0xF7A  }
0x23: {  	s9 =	sor.u32 $0xD0000000, s2;
	s6 =	simm.s32 $0x108;
	_ =	swait.ge @!p0 [sflag:s8], $0x0  }
0x24: {  	s3 =	sadd.s32 $0x88, s3;
	s6 =	simm.s32 @!p1 $0x1082;
	[sflag:s4] =	ssyncset.s32 $0xFFFFF086  }
0x25: {  	[simem:s6], [sflag:s4] =	dma.local [hbm:s3], $0xF7A  }
0x26: {  	[smem:$0x3F97] =	sst s1;
	(tag) =	ssettag s2;
	_ =	strace s9  }
0x27: {  	s1 =	sld [smem:$0x3FA7]  }
0x28: {  	s2 =	sld [smem:$0x3FA8]  }
0x29: {  	s4 =	sld [smem:$0x3FAA]  }
0x2a: {  	p0 =	seq.s32 s5, $0x0;
	s5 =	sld [smem:$0x3FAB]  }
0x2b: {  	s6 =	sld [smem:$0x3FAC]  }
0x2c: {  	s7 =	sld [smem:$0x3FAD]  }
0x2d: {  	s3 =	simm.s32 $0x108;
	s8 =	sld [smem:$0x3FAE]  }
0x2e: {  	s3 =	simm.s32 @!p0 $0x1082;
	s9 =	sld [smem:$0x3FAF]  }
0x2f: {  	lr =	sadd.s32 s0, s3;
	s0 =	sld [smem:$0x3FA6]  }
0x30: {  	s3 =	sld [smem:$0x3FA9]  }
0x31: {  	[smem:$0x3FB2] =	sst s10  }
0x32: {  	s10 =	sld [smem:$0x3FB0];
	_ =	sdelay $0x3  }
0x33: {  	p0 =	seq.s32 s10, $0x1;
	s10 =	sld [smem:$0x3FB2];
	_ =	sdelay $0x3  }
0x34: {  	[smem:$0x3FB2] =	sst s10  }
0x35: {  	s10 =	sld [smem:$0x3FB1];
	_ =	sdelay $0x3  }
0x36: {  	p1 =	seq.s32 s10, $0x1;
	s10 =	sld [smem:$0x3FB2];
	_ =	sdelay $0x3  }
0x37: {  	[smem:$0x3FB2] =	sst s10  }
0x38: {  	s10 =	sld [smem:$0x3FB3]  }
0x39: {  	_ = 	snop;
	(pc) =	sbr.ind lr, $3  }
0x3a: {  	_ = 	snop  }
0x3b: {  	_ = 	snop  }
0x3c: {  	p2 =	seq.s32 s10, $0x1;
	s10 =	sld [smem:$0x3FB2]  }
0x3d: {  	_ =	shalt  }
0x3e: {  	_ =	shalt  }
0x3f: {  	_ =	shalt  }
0x40: {  	_ =	shalt  }
0x41: {  	_ =	shalt  }
0x42: {  	_ =	shalt  }
0x43: {  	_ =	shalt  }
0x44: {  	_ =	shalt  }
0x45: {  	_ =	shalt  }
0x46: {  	_ =	shalt  }
0x47: {  	_ =	shalt  }
0x48: {  	_ =	shalt  }
0x49: {  	_ =	shalt  }
0x4a: {  	_ =	shalt  }
0x4b: {  	_ =	shalt  }
0x4c: {  	_ =	shalt  }
0x4d: {  	_ =	shalt  }
0x4e: {  	_ =	shalt  }
0x4f: {  	_ =	shalt  }
0x50: {  	_ =	shalt  }
0x51: {  	_ =	shalt  }
0x52: {  	_ =	shalt  }
0x53: {  	_ =	shalt  }
0x54: {  	_ =	shalt  }
0x55: {  	_ =	shalt  }
0x56: {  	_ =	shalt  }
0x57: {  	_ =	shalt  }
0x58: {  	_ =	shalt  }
0x59: {  	_ =	shalt  }
0x5a: {  	_ =	shalt  }
0x5b: {  	_ =	shalt  }
0x5c: {  	_ =	shalt  }
0x5d: {  	_ =	shalt  }
0x5e: {  	_ =	shalt  }
0x5f: {  	_ =	shalt  }
0x60: {  	_ =	shalt  }
0x61: {  	_ =	shalt  }
0x62: {  	_ =	shalt  }
0x63: {  	_ =	shalt  }
0x64: {  	_ =	shalt  }
0x65: {  	_ =	shalt  }
0x66: {  	_ =	shalt  }
0x67: {  	_ =	shalt  }
0x68: {  	_ =	shalt  }
0x69: {  	_ =	shalt  }
0x6a: {  	_ =	shalt  }
0x6b: {  	_ =	shalt  }
0x6c: {  	_ =	shalt  }
0x6d: {  	_ =	shalt  }
0x6e: {  	_ =	shalt  }
0x6f: {  	_ =	shalt  }
0x70: {  	_ =	shalt  }
0x71: {  	_ =	shalt  }
0x72: {  	_ =	shalt  }
0x73: {  	_ =	shalt  }
0x74: {  	_ =	shalt  }
0x75: {  	_ =	shalt  }
0x76: {  	_ =	shalt  }
0x77: {  	_ =	shalt  }
0x78: {  	_ =	shalt  }
0x79: {  	_ =	shalt  }
0x7a: {  	_ =	shalt  }
0x7b: {  	_ =	shalt  }
0x7c: {  	_ =	shalt  }
0x7d: {  	_ =	shalt  }
0x7e: {  	_ =	shalt  }
0x7f: {  	_ =	shalt  }
0x80: {  	_ =	shalt  }
0x81: {  	_ =	shalt  }
0x82: {  	_ =	shalt  }
0x83: {  	_ =	shalt  }
0x84: {  	_ =	shalt  }
0x85: {  	_ =	shalt  }
0x86: {  	_ =	shalt  }
0x87: {  	_ =	shalt  }
.Lfunc_end0:
.L_simem_size_0:
called_computation_lowered:
.L_overlay_start_0:
0x88: {  	s2 =	sld [smem:$0x3FD9]  }
0x89: {  	s3 =	sld [smem:$0x3FFE];
	_ =	sdelay $0x1  }
0x8a: {  	s1 =	srdreg.scid  }
0x8b: {  	s0 =	sand.u32 $0x1, s1  }
0x8c: {  	s16 =	sshll.u32 s0, $0xA;
	s2 =	sadd.s32 s3, s2  }
0x8d: {  	s2 =	sadd.s32 s2, s16  }
0x8e: {  	[smem:$0x3FBE] =	sst s2  }
0x8f: {  	_ = 	snop  }
0x90: {  	(tm) =	ssettm $0x1  }
0x91: {  	s17 =	sld [smem:$0x3FFB];
	_ =	sdelay $0x3  }
0x92: {  	_ =	strace s17  }
0x93: {  	s2 =	sld [smem:$0x3FFC];
	_ =	sdelay $0x3  }
0x94: {  	_ =	strace s2  }
0x95: {  	s2 =	sld [smem:$0x3FFD];
	_ =	sdelay $0x3  }
0x96: {  	_ =	strace s2  }
0x97: {  	_ =	strace $0x8FFFFFFF  }
0x98: {  	s18 =	sld [smem:$0x3FDB];
	_ =	sdelay $0x1  }
0x99: {  	s19 =	simm.s32 $_scs_section_size  }
0x9a: {  	s4 =	simm.s32 $_size__tile_overlayer_lowered;
	s5 =	simm.s32 $_tile_overlayer_lowered  }
0x9b: {  	s22 =	simm.s32 $0x1BFF;
	s21 =	sshll.u32 s5, $0x1;
	s2 =	sadd.s32 s19, s18  }
0x9c: {  	s6 =	simm.s32 $0x0;
	s20 =	sshll.u32 s4, $0x1;
	s4 =	sadd.s32 s21, s2  }
0x9d: {  	[timem:s6], [sflag:s22] =	dma.local [hbm:s4], s20  }
0x9e: {  	_ =	swait.ge [sflag:s22], s20  }
0x9f: {  	s3 =	ssub.s32 $0x0, s20;
	[sflag:s22] =	ssyncset.done $0x0  }
0xa0: {  	[sflag:s22] =	ssyncadd.s32 s3;
	_ =	sdelay $0x1  }
0xa1: {  	s23 =	simm.s32 $0x1B8B  }
0xa2: {  	_ =	swait.ge [sflag:s23], $0x1  }
0xa3: {  	[sflag:s23] =	ssyncset.done $0x0  }
0xa4: {  	s25 =	simm.s32 $0x1B8E;
	s24 =	sld [smem:$0x3FFE];
	[sflag:s23] =	ssyncadd.s32 $0xFFFFFFFF  }
0xa5: {  	s26 =	simm.s32 $execute0_lowered;
	[smem:$0x3FD2] =	sst s25  }
0xa6: {  	s4 =	sshll.u32 s26, $0x1;
	_ =	strace $0x80000046;
	[dreg:$0x1] =	wrdreg $0xFFFFFFFF  }
0xa7: {  	s28 =	simm.s32 $_size_execute0_lowered;
	s2 =	sadd.s32 s2, s4;
	[dreg:$0x0] =	wrdreg $0x0  }
0xa8: {  	s4 =	sshll.u32 s28, $0x1;
	[dreg:$0x2] =	wrdreg s2  }
0xa9: {  	[dreg:$0x3] =	wrdreg s4  }
0xaa: {  	[dreg:$0x4] =	wrdreg $0xC0  }
0xab: {  	_ =	task [dreg:s6], $0x5FFFF  }
0xac: {  	[dreg:$0x1] =	wrdreg $0xFFFFFFFF  }
0xad: {  	[dreg:$0x0] =	wrdreg $0x60  }
0xae: {  	[dreg:$0x2] =	wrdreg s24  }
0xaf: {  	[dreg:$0x3] =	wrdreg $0x28800  }
0xb0: {  	[dreg:$0x4] =	wrdreg $0x9  }
0xb1: {  	_ =	task.clear_ibuf [dreg:s6], $0x5FFFF;
	_ =	strace $0x90000046  }
0xb2: {  	s29 =	simm.s32 $0x9;
	_ =	strace $0x80000048  }
0xb3: {  	_ =	swait.ge [sflag:s29], $0x1  }
0xb4: {  	[sflag:s29] =	ssyncadd.s32 $0xFFFFFFFF  }
0xb5: {  	_ =	strace $0x90000048  }
0xb6: {  	_ =	sfence  }
0xb7: {  	s30 =	sld [smem:$0x0];
	_ =	sdelay $0x2  }
0xb8: {  	s31 =	sshll.u32 s1, $0xD;
	s1 =	sshrl.u32 s1, $0x2  }
0xb9: {  	s3 =	sand.u32 $0x4000, s31;
	s1 =	sadd.s32 s1, s30  }
0xba: {  	s0 =	sor.u32 s3, s0;
	s1 =	sshll.u32 s1, $0x11  }
0xbb: {  	s0 =	sor.u32 s1, s0  }
0xbc: {  	s0 =	sadd.s32 $0x8F2B, s0  }
0xbd: {  	[sflag:s0] =	ssyncadd.remote.s32 $0x1  }
0xbe: {  	_ =	sfence.sel $0xFFFF  }
0xbf: {  	[dreg:$0x0] =	wrdreg $0xFFFFFFFF;
	(pc) =	sbr.abs _section_cstart, $3  }
0xc0: {  	[dreg:$0x1] =	wrdreg $0xFFFFFFFF  }
0xc1: {  	_ =	task.clear_ibuf [dreg:s6], $0x2FFFF;
	_ =	strace $0x9FFFFFFF  }
0xc2: {  	(tm) =	ssettm $0x7FFFFFFF  }
0xc3: {  	_ =	shalt  }
tec
execute0_lowered:
.L_overlay_start_1:
0x0: {  	(tag) =	ssettag $0x1  }
0x1: {  	s5 =	rddreg [dreg:$0x0]  }
0x2: {  	s0 =	srdreg.scid;
	s2 =	rddreg [dreg:$0x1];
	s3 =	simm.s32 $0x0  }
0x3: {  	s12 =	simm.s32 $0x2800;
	s13 =	simm.s32 $0x1;
	s14 =	simm.s32 $0x2  }
0x4: {  	s15 =	simm.s32 $0x20;
	s4 =	sand.u32 $0x1, s0;
	s0 =	stileid.u32  }
0x5: {  	s16 =	simm.s32 $0x10;
	s17 =	simm.s32 $0x0;
	s7 =	smul.u32 $0x280, s0  }
0x6: {  	[smem:$0x7FF] =	sst s3;
	s1 =	sshll.u32 s4, $0x4;
	s8 =	smul.u32 $0x500, s0  }
0x7: {  	s9 =	sshll.u32 s4, $0x7;
	s4 =	ssub.s32 $0x2, s4;
	s1 =	sor.u32 s0, s1  }
0x8: {  	s31 =	sshll.u32 s0, $0x6;
	s30 =	sshrl.u32 s4, $0x1;
	s6 =	smul.u32 $0x500, s1  }
0x9: {  	s1 =	rddreg [dreg:$0x2];
	_ =	strace $0x80000047;
	s10 =	sshrl.u32 s7, $0x3  }
0xa: {  	s8 =	sor.u32 s9, s8;
	s11 =	sadd.s32 s7, s2;
	s29 =	sadd.s32 s10, s5  }
0xb: {  	s8 =	sshrl.u32 s8, $0x3;
	s10 =	ssub.s32 s4, s30;
	s9 =	sshrl.u32 s11, $0x3  }
0xc: {  	s11 =	simm.s32 $0x80;
	s6 =	sadd.s32 s6, s5;
	s8 =	sadd.s32 s8, s5  }
0xd: {  	s4 =	sadd.s32 $0xC800, s29;
	s5 =	sor.u32 $0x1C03, s31;
	s6 =	sadd.s32 $0x2800, s6  }
0xe: {  	v0 =	vimm.f32 $1.000000000e+00;
	s7 =	sadd.s32 $0xCE00, s8;
	s8 =	smax.u32 s10, $0x1;
	s10 =	simm.s32 $0x3  }
.LBB2_1:
0xf: {  	[spmem:s9], [sflag:s5] =	dma.local [hbm:s4], $0x50  }
0x10: {  	_ =	swait.ge [sflag:s10], $0x50  }
0x11: {  	[sflag:s10] =	ssyncset.done $0x0  }
0x12: {  	[sflag:s10] =	ssyncadd.s32 $0xFFFFFFB0  }
0x13: {  	[tilespmem:s3], [sflag:$0x3] =	stream.linear.gather [hbm4b:s6+s3], $0x2800, $0x38;
	[tilespmem:$0x2B00] =	vst v63  }
0x14: {  	_ =	swait.ge [sflag:s10], $0x2800  }
0x15: {  	[sflag:s10] =	ssyncset.done $0x0  }
0x16: {  	[sflag:s10] =	ssyncadd.s32 $0xFFFFD800  }
0x17: {  	[tilespmem:$0x2800] =	vst v0  }
0x18: {  	[tilespmem:$0x2810] =	vst v0  }
0x19: {  	[tilespmem:$0x2820] =	vst v0  }
0x1a: {  	[tilespmem:$0x2830] =	vst v0  }
0x1b: {  	[tilespmem:$0x2840] =	vst v0  }
0x1c: {  	[tilespmem:$0x2850] =	vst v0  }
0x1d: {  	[tilespmem:$0x2860] =	vst v0  }
0x1e: {  	[tilespmem:$0x2870] =	vst v0  }
0x1f: {  	[bflag:$0x0] =	sbarrier.arrive $0xFFFF  }
0x20: {  	[spmem:s2] =	stream.indirect.scatter.add.f32 [tilespmem:s12], [sflag:$0x1], $0x1, s3, s11, $0xb8;
	[tilespmem:$0x2B00] =	vst v63  }
0x21: {  	_ = 	snop  }
0x22: {  	[spmem:s2] =	stream.indirect.scatter.add.f32 [tilespmem:s12], [sflag:$0x2], $0x1, s11, s11, $0xb8;
	[tilespmem:$0x2B00] =	vst v63  }
0x23: {  	_ =	swait.ge [sflag:s13], $0x80  }
0x24: {  	[sflag:s13] =	ssyncset.done $0x0  }
0x25: {  	s18 =	simm.s32 $0x100;
	[sflag:s13] =	ssyncadd.s32 $0xFFFFFF80  }
0x26: {  	[spmem:s2] =	stream.indirect.scatter.add.f32 [tilespmem:s12], [sflag:$0x1], $0x1, s18, s11, $0xb8;
	[tilespmem:$0x2B00] =	vst v63  }
0x27: {  	_ =	swait.ge [sflag:s14], $0x80  }
0x28: {  	[sflag:s14] =	ssyncset.done $0x0  }
0x29: {  	s19 =	simm.s32 $0x180;
	s18 =	simm.s32 $0xFFFF6800;
	[sflag:s14] =	ssyncadd.s32 $0xFFFFFF80  }
.LBB2_2:
0x2a: {  	[spmem:s2] =	stream.indirect.scatter.add.f32 [tilespmem:s12], [sflag:$0x2], $0x1, s19, s11, $0xb8;
	[tilespmem:$0x2B00] =	vst v63  }
0x2b: {  	s19 =	smov.u32 s18  }
0x2c: {  	p0 =	sne.s32 s18, $0xFFFFFC00;
	s18 =	sadd.s32 $0x400, s18;
	_ =	swait.ge [sflag:s13], $0x80  }
0x2d: {  	s19 =	sshra.s32 s19, $0x2;
	[sflag:s13] =	ssyncset.done $0x0  }
.Ltmp0:
0x2e: {  	s20 =	sadd.s32 $0x2800, s19;
	[sflag:s13] =	ssyncadd.s32 $0xFFFFFF80;
	(pc) =	sbr.rel @p0 .LBB2_2-.Ltmp0, $4  }
0x2f: {  	[spmem:s2] =	stream.indirect.scatter.add.f32 [tilespmem:s12], [sflag:$0x1], $0x1, s20, s11, $0xb8;
	[tilespmem:$0x2B00] =	vst v63  }
0x30: {  	_ =	swait.ge [sflag:s14], $0x80  }
0x31: {  	[sflag:s14] =	ssyncset.done $0x0  }
0x32: {  	s19 =	sadd.s32 $0x2880, s19;
	[sflag:s14] =	ssyncadd.s32 $0xFFFFFF80  }
0x33: {  	[spmem:s2] =	stream.indirect.scatter.add.f32 [tilespmem:s12], [sflag:$0x2], $0x1, s19, s11, $0xb8;
	[tilespmem:$0x2B00] =	vst v63  }
0x34: {  	_ =	swait.ge [sflag:s13], $0x80  }
0x35: {  	[sflag:s13] =	ssyncset.done $0x0  }
0x36: {  	[sflag:s13] =	ssyncadd.s32 $0xFFFFFF80  }
0x37: {  	_ =	swait.ge [sflag:s14], $0x80  }
0x38: {  	s17 =	sadd.s32 $0x1, s17;
	[sflag:s14] =	ssyncset.done $0x0  }
0x39: {  	p0 =	sne.s32 s17, s8;
	[sflag:s14] =	ssyncadd.s32 $0xFFFFFF80  }
.Ltmp1:
0x3a: {  	[bflag:$0x0] =	sbarrier.arrive $0xFFFF;
	(pc) =	sbr.rel @p0 .LBB2_1-.Ltmp1, $4  }
0x3b: {  	[hbm:s7@s15], [sflag:s5] =	dma.strided [spmem:s9@s16], $0x50, s13, $0x10   }
0x3c: {  	_ =	swait.ge [sflag:s10], $0x50  }
0x3d: {  	[sflag:s10] =	ssyncset.done $0x0  }
0x3e: {  	[sflag:s10] =	ssyncadd.s32 $0xFFFFFFB0  }
0x3f: {  	_ =	sfence.sel $0x180000  }
0x40: {  	[bflag:$0x0] =	sbarrier.arrive $0xFFFF  }
0x41: {  	p0 =	sne.s32 s0, $0x0;
	_ =	strace $0x90000047  }
0x42: {  	s0 =	sadd.s32 @!p0 $0x100000, s1;
	[bflag:$0x2] =	sbarrier.arrive $0xFFFF  }
0x43: {  	[sflag:s0] =	ssyncadd.tile.s32 @!p0 $0x1;
	_ =	shalt  }
.Lfunc_end2:
_tile_overlayer_lowered:
.L_overlay_start_2:
0x44: {  	(tag) =	ssettag $0x2  }
0x45: {  	s0 =	rddreg [dreg:$0x0];
	s2 =	stileid.u32  }
0x46: {  	s1 =	rddreg [dreg:$0x1];
	p0 =	sne.s32 s2, $0x0  }
0x47: {  	s3 =	rddreg [dreg:$0x2];
	[bflag:$0x3] =	sbarrier.arrive $0xFFFF;
	s2 =	simm.s32 @!p0 $0x1C03  }
0x48: {  	[timem:s3], [sflag:s2] =	dma.local @!p0 [hbm:s0], s1  }
0x49: {  	s0 =	simm.s32 @!p0 $0x3  }
0x4a: {  	_ =	swait.ge @!p0 [sflag:s0], s1  }
0x4b: {  	s1 =	ssub.s32 @!p0 $0x0, s1;
	[sflag:s0] =	ssyncset.done @!p0 $0x0  }
0x4c: {  	[sflag:s0] =	ssyncadd.s32 @!p0 s1  }
0x4d: {  	[bflag:$0x3] =	sbarrier.arrive $0xFFFF  }
0x4e: {  	_ =	shalt  }

</sc_bundles>
